<compile_context>
chip_gen: v7x
topology: tpu7x:2x2x1
jax: 0.10.2.dev20260603
libtpu: 0.0.44.dev20260713+nightly
codegen_flags: <defaults>
</compile_context>

<pallas_src>
import functools

import jax
import jax.numpy as jnp
from jax import lax
from jax.experimental import pallas as pl
from jax.experimental.pallas import tpu as pltpu
from jax.experimental.pallas import tpu_sc as plsc

_N = 10000
_E = 320000
_D = 128
_NC = 2
_NS = 16
_NW = _NC * _NS
_EPT = _E // _NW
_CHUNK = 80
_NCHUNK = _EPT // _CHUNK
_NPAD = 10240
_STRIPE = _NPAD // _NS

_mesh = plsc.VectorSubcoreMesh(core_axis_name="c", subcore_axis_name="s")


_DCH = 128
_NDCH = _EPT // _DCH
_DTAIL = _EPT - _NDCH * _DCH


def _deg_body(src_hbm, dst_hbm, ones_hbm, z1_hbm, degs_out, degd_out,
              s0, s1, s2, d0, d1, d2, sbt, dbt, ones_v, onest_v,
              ss0, ss1, ss2, sd0, sd1, sd2, degs_sh, degd_sh):
    cid = lax.axis_index("c")
    sid = lax.axis_index("s")
    tile = cid * _NS + sid
    ebase = tile * _EPT
    row0 = sid * _STRIPE
    sb = (s0, s1, s2)
    db = (d0, d1, d2)
    ss = (ss0, ss1, ss2)
    sd = (sd0, sd1, sd2)

    pltpu.sync_copy(ones_hbm, ones_v)
    pltpu.sync_copy(ones_hbm.at[pl.ds(0, _DTAIL)], onest_v)
    pltpu.sync_copy(z1_hbm, degs_sh.at[pl.ds(row0, _STRIPE)])
    pltpu.sync_copy(z1_hbm, degd_sh.at[pl.ds(row0, _STRIPE)])
    plsc.subcore_barrier()

    def issue(c, b):
        off = pl.multiple_of(c * _DCH, _DCH)
        pltpu.async_copy(src_hbm.at[pl.ds(ebase + off, _DCH)], sb[b], ss[b])
        pltpu.async_copy(dst_hbm.at[pl.ds(ebase + off, _DCH)], db[b], sd[b])

    def consume(b):
        pltpu.make_async_copy(src_hbm.at[pl.ds(0, _DCH)], sb[b], ss[b]).wait()
        pltpu.make_async_copy(dst_hbm.at[pl.ds(0, _DCH)], db[b], sd[b]).wait()
        pltpu.sync_copy(ones_v, degs_sh.at[sb[b]], add=True)
        pltpu.sync_copy(ones_v, degd_sh.at[db[b]], add=True)

    issue(0, 0)
    issue(1, 1)
    issue(2, 2)

    def body(i, carry):
        for b in (0, 1, 2):
            c = i * 3 + b
            consume(b)

            @pl.when(c + 3 < _NDCH)
            def _():
                issue(c + 3, b)
        return carry

    lax.fori_loop(0, _NDCH // 3, body, 0)
    pltpu.sync_copy(src_hbm.at[pl.ds(ebase + _NDCH * _DCH, _DTAIL)], sbt)
    pltpu.sync_copy(dst_hbm.at[pl.ds(ebase + _NDCH * _DCH, _DTAIL)], dbt)
    pltpu.sync_copy(onest_v, degs_sh.at[sbt], add=True)
    pltpu.sync_copy(onest_v, degd_sh.at[dbt], add=True)
    plsc.subcore_barrier()
    pltpu.sync_copy(degs_sh.at[pl.ds(row0, _STRIPE)],
                    degs_out.at[cid, pl.ds(row0, _STRIPE)])
    pltpu.sync_copy(degd_sh.at[pl.ds(row0, _STRIPE)],
                    degd_out.at[cid, pl.ds(row0, _STRIPE)])


_deg_call = pl.kernel(
    _deg_body,
    out_type=(jax.ShapeDtypeStruct((_NC, _NPAD), jnp.float32),
              jax.ShapeDtypeStruct((_NC, _NPAD), jnp.float32)),
    mesh=_mesh,
    scratch_types=[
        pltpu.VMEM((_DCH,), jnp.int32),
        pltpu.VMEM((_DCH,), jnp.int32),
        pltpu.VMEM((_DCH,), jnp.int32),
        pltpu.VMEM((_DCH,), jnp.int32),
        pltpu.VMEM((_DCH,), jnp.int32),
        pltpu.VMEM((_DCH,), jnp.int32),
        pltpu.VMEM((_DTAIL,), jnp.int32),
        pltpu.VMEM((_DTAIL,), jnp.int32),
        pltpu.VMEM((_DCH,), jnp.float32),
        pltpu.VMEM((_DTAIL,), jnp.float32),
        pltpu.SemaphoreType.DMA,
        pltpu.SemaphoreType.DMA,
        pltpu.SemaphoreType.DMA,
        pltpu.SemaphoreType.DMA,
        pltpu.SemaphoreType.DMA,
        pltpu.SemaphoreType.DMA,
        pltpu.VMEM_SHARED((_NPAD,), jnp.float32),
        pltpu.VMEM_SHARED((_NPAD,), jnp.float32),
    ],
)


_NBUF = 3


def _msg_body(h_hbm, src_hbm, dst_hbm, zeros_hbm, agg_out,
              srcall_v, didx0, didx1, didx2, rows0, rows1, rows2,
              sg0, sg1, sg2, sd0, sd1, sd2, sz, sa, agg_sh):
    cid = lax.axis_index("c")
    sid = lax.axis_index("s")
    tile = cid * _NS + sid
    ebase = tile * _EPT
    row0 = sid * _STRIPE
    didx = (didx0, didx1, didx2)
    rows = (rows0, rows1, rows2)
    sg = (sg0, sg1, sg2)
    sd = (sd0, sd1, sd2)

    pltpu.async_copy(zeros_hbm, agg_sh.at[pl.ds(row0, _STRIPE)], sz)
    pltpu.async_copy(src_hbm.at[pl.ds(ebase, _EPT)], srcall_v, sa)

    def issue_didx(c, b):
        off = pl.multiple_of(c * _CHUNK, _CHUNK)
        pltpu.async_copy(dst_hbm.at[pl.ds(ebase + off, _CHUNK)], didx[b], sd[b])

    def issue_rows(c, b):
        off = pl.multiple_of(c * _CHUNK, _CHUNK)
        pltpu.async_copy(h_hbm.at[srcall_v.at[pl.ds(off, _CHUNK)]], rows[b], sg[b])

    def issue(c, b):
        off = pl.multiple_of(c * _CHUNK, _CHUNK)
        pltpu.async_copy(dst_hbm.at[pl.ds(ebase + off, _CHUNK)], didx[b], sd[b])
        pltpu.async_copy(h_hbm.at[srcall_v.at[pl.ds(off, _CHUNK)]], rows[b], sg[b])

    def consume(b):
        pltpu.make_async_copy(dst_hbm.at[pl.ds(0, _CHUNK)], didx[b], sd[b]).wait()
        pltpu.make_async_copy(h_hbm.at[pl.ds(0, _CHUNK)], rows[b], sg[b]).wait()
        pltpu.sync_copy(rows[b], agg_sh.at[didx[b]], add=True)

    for b in range(_NBUF):
        issue_didx(b, b)
    pltpu.make_async_copy(src_hbm.at[pl.ds(0, _EPT)], srcall_v, sa).wait()
    for b in range(_NBUF):
        issue_rows(b, b)
    pltpu.make_async_copy(zeros_hbm, agg_sh.at[pl.ds(row0, _STRIPE)], sz).wait()
    plsc.subcore_barrier()

    def body(i, carry):
        for b in range(_NBUF):
            c = i * _NBUF + b
            consume(b)

            @pl.when(c + _NBUF < _NCHUNK)
            def _():
                issue(c + _NBUF, b)
        return carry

    lax.fori_loop(0, _NCHUNK // _NBUF, body, 0)
    for c in range(_NBUF * (_NCHUNK // _NBUF), _NCHUNK):
        consume(c % _NBUF)
    plsc.subcore_barrier()
    pltpu.sync_copy(agg_sh.at[pl.ds(row0, _STRIPE)],
                    agg_out.at[cid, pl.ds(row0, _STRIPE)])


_msg_call = pl.kernel(
    _msg_body,
    out_type=jax.ShapeDtypeStruct((_NC, _NPAD, _D), jnp.float32),
    mesh=_mesh,
    scratch_types=(
        [pltpu.VMEM((_EPT,), jnp.int32)]
        + [pltpu.VMEM((_CHUNK,), jnp.int32) for _ in range(_NBUF)]
        + [pltpu.VMEM((_CHUNK, _D), jnp.float32) for _ in range(_NBUF)]
        + [pltpu.SemaphoreType.DMA for _ in range(2 * _NBUF + 2)]
        + [pltpu.VMEM_SHARED((_NPAD, _D), jnp.float32)]
    ),
)

_BLK = 2048
_GRID = (_N + _BLK - 1) // _BLK


def _prep_body(degs_ref, degd_ref, x_ref, ns_ref, nd_ref, xs_ref):
    ns = lax.rsqrt(jnp.maximum(degs_ref[0] + degs_ref[1], 1.0))
    nd = lax.rsqrt(jnp.maximum(degd_ref[0] + degd_ref[1], 1.0))
    ns2 = jnp.reshape(ns, (_BLK, 1))
    ns_ref[...] = ns2
    nd_ref[...] = jnp.reshape(nd, (_BLK, 1))
    xs_ref[...] = x_ref[...] * ns2


def _prep_call(degs, degd, x):
    return pl.pallas_call(
        _prep_body,
        grid=(_GRID,),
        in_specs=[
            pl.BlockSpec((_NC, _BLK), lambda i: (0, i)),
            pl.BlockSpec((_NC, _BLK), lambda i: (0, i)),
            pl.BlockSpec((_BLK, _D), lambda i: (i, 0)),
        ],
        out_specs=[
            pl.BlockSpec((_BLK, 1), lambda i: (i, 0)),
            pl.BlockSpec((_BLK, 1), lambda i: (i, 0)),
            pl.BlockSpec((_BLK, _D), lambda i: (i, 0)),
        ],
        out_shape=[
            jax.ShapeDtypeStruct((_N, 1), jnp.float32),
            jax.ShapeDtypeStruct((_N, 1), jnp.float32),
            jax.ShapeDtypeStruct((_N, _D), jnp.float32),
        ],
    )(degs, degd, x)


def _layer_body(agg_ref, nd_ref, ns_ref, w_ref, b_ref, o_ref, *, last):
    a = (agg_ref[0] + agg_ref[1]) * nd_ref[...]
    y = jnp.dot(a, w_ref[...], preferred_element_type=jnp.float32) + b_ref[...]
    y = jnp.where(y > 0.0, y, jnp.exp(jnp.minimum(y, 0.0)) - 1.0)
    if not last:
        y = y * ns_ref[...]
    o_ref[...] = y


def _layer_call(agg, nd, ns, W, b, last):
    return pl.pallas_call(
        functools.partial(_layer_body, last=last),
        grid=(_GRID,),
        in_specs=[
            pl.BlockSpec((_NC, _BLK, _D), lambda i: (0, i, 0)),
            pl.BlockSpec((_BLK, 1), lambda i: (i, 0)),
            pl.BlockSpec((_BLK, 1), lambda i: (i, 0)),
            pl.BlockSpec((_D, _D), lambda i: (0, 0)),
            pl.BlockSpec((1, _D), lambda i: (0, 0)),
        ],
        out_specs=pl.BlockSpec((_BLK, _D), lambda i: (i, 0)),
        out_shape=jax.ShapeDtypeStruct((_N, _D), jnp.float32),
    )(agg, nd, ns, W, b)


@jax.jit
def kernel(x, edge_index, W0, b0, W1, b1, W2, b2):
    src = edge_index[0]
    dst = edge_index[1]
    z1 = jnp.zeros((_STRIPE,), jnp.float32)
    z128 = jnp.zeros((_STRIPE, _D), jnp.float32)

    ones1 = jnp.ones((_DCH,), jnp.float32)
    degs, degd = _deg_call(src, dst, ones1, z1)
    ns, nd, h = _prep_call(degs, degd, x)
    for i, (W, b) in enumerate(((W0, b0), (W1, b1), (W2, b2))):
        agg = _msg_call(h, src, dst, z128)
        h = _layer_call(agg, nd, ns, W, b.reshape(1, _D), last=(i == 2))
    return h

# --- scband reference (transcript-rebuilt; emitter-appended) ---
"""Pipeline reference for scband-a-gcn-72507637891556 (READ-ONLY COPY).

The authoritative reference and input builder live on the scoring server;
editing this copy changes nothing except your own understanding.
"""

import jax, jax.numpy as jnp
import numpy as np

N = 10000
E = 320000
D_IN = 128
D_HID = 128
N_LAYER = 3


def _gcn_layer(h, src, dst, W, b):
    # DGL GraphConv with norm='both': D_out^{-1/2} -> sum-aggregate -> D_in^{-1/2} -> linear
    deg_out = jnp.clip(jnp.bincount(src, length=N), 1).astype(h.dtype)
    deg_in = jnp.clip(jnp.bincount(dst, length=N), 1).astype(h.dtype)
    norm_src = deg_out ** -0.5
    norm_dst = deg_in ** -0.5
    h = h * norm_src[:, None]
    msg = jnp.take(h, src, axis=0)
    agg = jax.ops.segment_sum(msg, dst, num_segments=N)
    agg = agg * norm_dst[:, None]
    return agg @ W + b


def setup_inputs(seed: int = 0) -> dict:
    key = jax.random.key(seed)
    ks = jax.random.split(key, 2 + 2 * N_LAYER)
    x = jax.random.normal(ks[0], (N, D_IN), dtype=jnp.float32)
    edge_index = jax.random.randint(ks[1], (2, E), 0, N, dtype=jnp.int32)
    inp = {"x": x, "edge_index": edge_index}
    dims = [D_IN] + [D_HID] * N_LAYER
    for i in range(N_LAYER):
        fan_in = dims[i]
        W = jax.random.normal(ks[2 + 2 * i], (fan_in, D_HID), dtype=jnp.float32) * (1.0 / np.sqrt(fan_in))
        b = jnp.zeros((D_HID,), dtype=jnp.float32)
        inp[f"W{i}"] = W
        inp[f"b{i}"] = b
    return inp


def reference(x, edge_index, W0, b0, W1, b1, W2, b2):
    src = edge_index[0]
    dst = edge_index[1]
    Ws = [W0, W1, W2]
    bs = [b0, b1, b2]
    h = x
    for i in range(N_LAYER):
        h = _gcn_layer(h, src, dst, Ws[i], bs[i])
        h = jax.nn.elu(h)
        # F.dropout(training=self.training): eval mode -> identity
    return h

if __name__ == "__main__":
    import jax
    _d = setup_inputs()
    print(jax.jit(kernel)(*tuple(_d.values())))

</pallas_src>

<mosaic_0001>
#map = affine_map<(d0, d1) -> (0, 0)>
#map1 = affine_map<(d0, d1) -> (0)>
#map2 = affine_map<(d0, d1) -> (0, 0, 0)>
module attributes {stable_mosaic.version = 14 : i64} {
  func.func @_msg_body(%arg0: i32, %arg1: i32, %arg2: memref<10000x128xf32, #tpu.memory_space<hbm>>, %arg3: memref<320000xi32, #tpu.memory_space<hbm>>, %arg4: memref<320000xi32, #tpu.memory_space<hbm>>, %arg5: memref<640x128xf32, #tpu.memory_space<hbm>>, %arg6: memref<2x10240x128xf32, #tpu.memory_space<hbm>>, %arg7: memref<10000xi32, #tpu.memory_space<vmem>>, %arg8: memref<80xi32, #tpu.memory_space<vmem>>, %arg9: memref<80xi32, #tpu.memory_space<vmem>>, %arg10: memref<80xi32, #tpu.memory_space<vmem>>, %arg11: memref<80x128xf32, #tpu.memory_space<vmem>>, %arg12: memref<80x128xf32, #tpu.memory_space<vmem>>, %arg13: memref<80x128xf32, #tpu.memory_space<vmem>>, %arg14: memref<!tpu.dma_semaphore, #tpu.memory_space<semaphore_mem>>, %arg15: memref<!tpu.dma_semaphore, #tpu.memory_space<semaphore_mem>>, %arg16: memref<!tpu.dma_semaphore, #tpu.memory_space<semaphore_mem>>, %arg17: memref<!tpu.dma_semaphore, #tpu.memory_space<semaphore_mem>>, %arg18: memref<!tpu.dma_semaphore, #tpu.memory_space<semaphore_mem>>, %arg19: memref<!tpu.dma_semaphore, #tpu.memory_space<semaphore_mem>>, %arg20: memref<!tpu.dma_semaphore, #tpu.memory_space<semaphore_mem>>, %arg21: memref<!tpu.dma_semaphore, #tpu.memory_space<semaphore_mem>>, %arg22: memref<10240x128xf32, #tpu.memory_space<vmem_shared>>) attributes {dimension_semantics = [#tpu.dimension_semantics<core_parallel>, #tpu.dimension_semantics<subcore_parallel>], iteration_bounds = array<i64: 2, 16>, scalar_prefetch = 0 : i64, scratch_operands = 16 : i64, tpu.core_type = #tpu.core_type<sc_vector_subcore>, window_params = [{transform_indices = #map}, {transform_indices = #map1}, {transform_indices = #map1}, {transform_indices = #map}, {transform_indices = #map2}]} {
    %mul3A = arith.constant 16 : i32
    %mul3A_0 = arith.muli %arg0, %mul3A : i32
    %add3A = arith.addi %mul3A_0, %arg1 : i32
    %mul3A_1 = arith.constant 10000 : i32
    %mul3A_2 = arith.muli %add3A, %mul3A_1 : i32
    %mul3A_3 = arith.constant 640 : i32
    %mul3A_4 = arith.muli %arg1, %mul3A_3 : i32
    %dma_start3A = arith.constant 0 : i32
    %dma_start3A_5 = tpu.memref_slice %arg22[%mul3A_4, %dma_start3A] : memref<10240x128xf32, #tpu.memory_space<vmem_shared>> -> memref<640x128xf32, #tpu.memory_space<vmem_shared>>
    tpu.enqueue_dma source(%arg5 : memref<640x128xf32, #tpu.memory_space<hbm>>) target(%dma_start3A_5 : memref<640x128xf32, #tpu.memory_space<vmem_shared>>) target_semaphore(%arg20 : memref<!tpu.dma_semaphore, #tpu.memory_space<semaphore_mem>>)
    %dma_start3A_6 = tpu.memref_slice %arg3[%mul3A_2] : memref<320000xi32, #tpu.memory_space<hbm>> -> memref<10000xi32, #tpu.memory_space<hbm>>
    %dma_start3A_7 = tpu.memref_slice %arg3[%mul3A_2] : memref<320000xi32, #tpu.memory_space<hbm>> -> memref<10000xi32, #tpu.memory_space<hbm>>
    tpu.enqueue_dma source(%dma_start3A_7 : memref<10000xi32, #tpu.memory_space<hbm>>) target(%arg7 : memref<10000xi32, #tpu.memory_space<vmem>>) target_semaphore(%arg21 : memref<!tpu.dma_semaphore, #tpu.memory_space<semaphore_mem>>)
    %multiple_of3A = arith.constant 0 : i32
    %multiple_of3A_8 = tpu.assume_multiple %multiple_of3A, 80 : i32
    %add3A_9 = arith.addi %mul3A_2, %multiple_of3A_8 : i32
    %dma_start3A_10 = tpu.memref_slice %arg4[%add3A_9] : memref<320000xi32, #tpu.memory_space<hbm>> -> memref<80xi32, #tpu.memory_space<hbm>>
    %dma_start3A_11 = tpu.memref_slice %arg4[%add3A_9] : memref<320000xi32, #tpu.memory_space<hbm>> -> memref<80xi32, #tpu.memory_space<hbm>>
    tpu.enqueue_dma source(%dma_start3A_11 : memref<80xi32, #tpu.memory_space<hbm>>) target(%arg8 : memref<80xi32, #tpu.memory_space<vmem>>) target_semaphore(%arg17 : memref<!tpu.dma_semaphore, #tpu.memory_space<semaphore_mem>>)
    %multiple_of3A_12 = arith.constant 80 : i32
    %multiple_of3A_13 = tpu.assume_multiple %multiple_of3A_12, 80 : i32
    %add3A_14 = arith.addi %mul3A_2, %multiple_of3A_13 : i32
    %dma_start3A_15 = tpu.memref_slice %arg4[%add3A_14] : memref<320000xi32, #tpu.memory_space<hbm>> -> memref<80xi32, #tpu.memory_space<hbm>>
    %dma_start3A_16 = tpu.memref_slice %arg4[%add3A_14] : memref<320000xi32, #tpu.memory_space<hbm>> -> memref<80xi32, #tpu.memory_space<hbm>>
    tpu.enqueue_dma source(%dma_start3A_16 : memref<80xi32, #tpu.memory_space<hbm>>) target(%arg9 : memref<80xi32, #tpu.memory_space<vmem>>) target_semaphore(%arg18 : memref<!tpu.dma_semaphore, #tpu.memory_space<semaphore_mem>>)
    %multiple_of3A_17 = arith.constant 160 : i32
    %multiple_of3A_18 = tpu.assume_multiple %multiple_of3A_17, 80 : i32
    %add3A_19 = arith.addi %mul3A_2, %multiple_of3A_18 : i32
    %dma_start3A_20 = tpu.memref_slice %arg4[%add3A_19] : memref<320000xi32, #tpu.memory_space<hbm>> -> memref<80xi32, #tpu.memory_space<hbm>>
    %dma_start3A_21 = tpu.memref_slice %arg4[%add3A_19] : memref<320000xi32, #tpu.memory_space<hbm>> -> memref<80xi32, #tpu.memory_space<hbm>>
    tpu.enqueue_dma source(%dma_start3A_21 : memref<80xi32, #tpu.memory_space<hbm>>) target(%arg10 : memref<80xi32, #tpu.memory_space<vmem>>) target_semaphore(%arg19 : memref<!tpu.dma_semaphore, #tpu.memory_space<semaphore_mem>>)
    %dma_wait3A = arith.constant 0 : i32
    %dma_wait3A_22 = tpu.memref_slice %arg3[%dma_wait3A] : memref<320000xi32, #tpu.memory_space<hbm>> -> memref<10000xi32, #tpu.memory_space<hbm>>
    %dma_wait3A_23 = arith.constant 0 : i32
    %dma_wait3A_24 = tpu.memref_slice %arg3[%dma_wait3A_23] : memref<320000xi32, #tpu.memory_space<hbm>> -> memref<10000xi32, #tpu.memory_space<hbm>>
    tpu.wait_dma2 semaphore(%arg21 : memref<!tpu.dma_semaphore, #tpu.memory_space<semaphore_mem>>) src(%dma_wait3A_24 : memref<10000xi32, #tpu.memory_space<hbm>>) dst(%arg7 : memref<10000xi32, #tpu.memory_space<vmem>>)
    %multiple_of3A_25 = arith.constant 0 : i32
    %multiple_of3A_26 = tpu.assume_multiple %multiple_of3A_25, 80 : i32
    %dma_start3A_27 = tpu.memref_slice %arg7[%multiple_of3A_26] : memref<10000xi32, #tpu.memory_space<vmem>> -> memref<80xi32, #tpu.memory_space<vmem>>
    %dma_start3A_28 = arith.constant 0 : i32
    %dma_start3A_29 = arith.constant 0 : i32
    %dma_start3A_30 = tpu.memref_slice %arg2[%dma_start3A_28, %dma_start3A_29] : memref<10000x128xf32, #tpu.memory_space<hbm>> -> memref<10000x128xf32, #tpu.memory_space<hbm>>
    tpu.enqueue_indirect_dma source(%dma_start3A_30 : memref<10000x128xf32, #tpu.memory_space<hbm>>) target(%arg11 : memref<80x128xf32, #tpu.memory_space<vmem>>) offsets(%dma_start3A_27 : memref<80xi32, #tpu.memory_space<vmem>>) semaphore(%arg14 : memref<!tpu.dma_semaphore, #tpu.memory_space<semaphore_mem>>)
    %multiple_of3A_31 = arith.constant 80 : i32
    %multiple_of3A_32 = tpu.assume_multiple %multiple_of3A_31, 80 : i32
    %dma_start3A_33 = tpu.memref_slice %arg7[%multiple_of3A_32] : memref<10000xi32, #tpu.memory_space<vmem>> -> memref<80xi32, #tpu.memory_space<vmem>>
    %dma_start3A_34 = arith.constant 0 : i32
    %dma_start3A_35 = arith.constant 0 : i32
    %dma_start3A_36 = tpu.memref_slice %arg2[%dma_start3A_34, %dma_start3A_35] : memref<10000x128xf32, #tpu.memory_space<hbm>> -> memref<10000x128xf32, #tpu.memory_space<hbm>>
    tpu.enqueue_indirect_dma source(%dma_start3A_36 : memref<10000x128xf32, #tpu.memory_space<hbm>>) target(%arg12 : memref<80x128xf32, #tpu.memory_space<vmem>>) offsets(%dma_start3A_33 : memref<80xi32, #tpu.memory_space<vmem>>) semaphore(%arg15 : memref<!tpu.dma_semaphore, #tpu.memory_space<semaphore_mem>>)
    %multiple_of3A_37 = arith.constant 160 : i32
    %multiple_of3A_38 = tpu.assume_multiple %multiple_of3A_37, 80 : i32
    %dma_start3A_39 = tpu.memref_slice %arg7[%multiple_of3A_38] : memref<10000xi32, #tpu.memory_space<vmem>> -> memref<80xi32, #tpu.memory_space<vmem>>
    %dma_start3A_40 = arith.constant 0 : i32
    %dma_start3A_41 = arith.constant 0 : i32
    %dma_start3A_42 = tpu.memref_slice %arg2[%dma_start3A_40, %dma_start3A_41] : memref<10000x128xf32, #tpu.memory_space<hbm>> -> memref<10000x128xf32, #tpu.memory_space<hbm>>
    tpu.enqueue_indirect_dma source(%dma_start3A_42 : memref<10000x128xf32, #tpu.memory_space<hbm>>) target(%arg13 : memref<80x128xf32, #tpu.memory_space<vmem>>) offsets(%dma_start3A_39 : memref<80xi32, #tpu.memory_space<vmem>>) semaphore(%arg16 : memref<!tpu.dma_semaphore, #tpu.memory_space<semaphore_mem>>)
    %dma_wait3A_43 = arith.constant 0 : i32
    %dma_wait3A_44 = tpu.memref_slice %arg22[%mul3A_4, %dma_wait3A_43] : memref<10240x128xf32, #tpu.memory_space<vmem_shared>> -> memref<640x128xf32, #tpu.memory_space<vmem_shared>>
    tpu.wait_dma2 semaphore(%arg20 : memref<!tpu.dma_semaphore, #tpu.memory_space<semaphore_mem>>) src(%arg5 : memref<640x128xf32, #tpu.memory_space<hbm>>) dst(%dma_wait3A_44 : memref<640x128xf32, #tpu.memory_space<vmem_shared>>)
    %barrier3A = arith.constant 0 : index
    tpu.barrier barrier_id(%barrier3A)
    %scan3A = arith.constant 0 : i32
    %scan3A_45 = arith.constant 0 : i32
    %scan3A_46 = arith.constant 41 : i32
    %scan3A_47 = arith.addi %scan3A_45, %scan3A_46 : i32
    %scan3A_48 = arith.constant 1 : i32
    scf.for %scan3A_71 = %scan3A_45 to %scan3A_47 step %scan3A_48  : i32 {
      %mul3A_72 = arith.constant 3 : i32
      %mul3A_73 = arith.muli %scan3A_71, %mul3A_72 : i32
      %add3A_74 = arith.constant 0 : i32
      %add3A_75 = arith.addi %mul3A_73, %add3A_74 : i32
      %dma_wait3A_76 = arith.constant 0 : i32
      %dma_wait3A_77 = tpu.memref_slice %arg4[%dma_wait3A_76] : memref<320000xi32, #tpu.memory_space<hbm>> -> memref<80xi32, #tpu.memory_space<hbm>>
      %dma_wait3A_78 = arith.constant 0 : i32
      %dma_wait3A_79 = tpu.memref_slice %arg4[%dma_wait3A_78] : memref<320000xi32, #tpu.memory_space<hbm>> -> memref<80xi32, #tpu.memory_space<hbm>>
      tpu.wait_dma2 semaphore(%arg17 : memref<!tpu.dma_semaphore, #tpu.memory_space<semaphore_mem>>) src(%dma_wait3A_79 : memref<80xi32, #tpu.memory_space<hbm>>) dst(%arg8 : memref<80xi32, #tpu.memory_space<vmem>>)
      %dma_wait3A_80 = arith.constant 0 : i32
      %dma_wait3A_81 = arith.constant 0 : i32
      %dma_wait3A_82 = tpu.memref_slice %arg2[%dma_wait3A_80, %dma_wait3A_81] : memref<10000x128xf32, #tpu.memory_space<hbm>> -> memref<80x128xf32, #tpu.memory_space<hbm>>
      %dma_wait3A_83 = arith.constant 0 : i32
      %dma_wait3A_84 = arith.constant 0 : i32
      %dma_wait3A_85 = tpu.memref_slice %arg2[%dma_wait3A_83, %dma_wait3A_84] : memref<10000x128xf32, #tpu.memory_space<hbm>> -> memref<80x128xf32, #tpu.memory_space<hbm>>
      tpu.wait_dma2 semaphore(%arg14 : memref<!tpu.dma_semaphore, #tpu.memory_space<semaphore_mem>>) src(%dma_wait3A_85 : memref<80x128xf32, #tpu.memory_space<hbm>>) dst(%arg11 : memref<80x128xf32, #tpu.memory_space<vmem>>)
      "tpu.region"() ({
        %run_scoped3A = tpu.sem_alloc : memref<!tpu.dma_semaphore, #tpu.memory_space<semaphore_mem>>
        %dma_start3A_132 = arith.constant 0 : i32
        %dma_start3A_133 = arith.constant 0 : i32
        %dma_start3A_134 = tpu.memref_slice %arg22[%dma_start3A_132, %dma_start3A_133] : memref<10240x128xf32, #tpu.memory_space<vmem_shared>> -> memref<10240x128xf32, #tpu.memory_space<vmem_shared>>
        tpu.enqueue_indirect_dma source(%arg11 : memref<80x128xf32, #tpu.memory_space<vmem>>) target(%dma_start3A_134 : memref<10240x128xf32, #tpu.memory_space<vmem_shared>>) offsets(%arg8 : memref<80xi32, #tpu.memory_space<vmem>>) semaphore(%run_scoped3A : memref<!tpu.dma_semaphore, #tpu.memory_space<semaphore_mem>>) {add = true}
        %dma_wait3A_135 = arith.constant 0 : i32
        %dma_wait3A_136 = arith.constant 0 : i32
        %dma_wait3A_137 = tpu.memref_slice %arg22[%dma_wait3A_135, %dma_wait3A_136] : memref<10240x128xf32, #tpu.memory_space<vmem_shared>> -> memref<10240x128xf32, #tpu.memory_space<vmem_shared>>
        tpu.wait_indirect_dma semaphore(%run_scoped3A : memref<!tpu.dma_semaphore, #tpu.memory_space<semaphore_mem>>) src(%arg11 : memref<80x128xf32, #tpu.memory_space<vmem>>) dst(%dma_wait3A_137 : memref<10240x128xf32, #tpu.memory_space<vmem_shared>>)
        tpu.yield
      }) : () -> ()
      %add3A_86 = arith.constant 3 : i32
      %add3A_87 = arith.addi %add3A_75, %add3A_86 : i32
      %lt3A = arith.constant 125 : i32
      %lt3A_88 = arith.cmpi slt, %add3A_87, %lt3A : i32
      %convert_element_type3A = arith.extui %lt3A_88 : i1 to i32
      %cond3A = arith.constant 0 : i32
      %cond3A_89 = arith.cmpi ne, %convert_element_type3A, %cond3A : i32
      scf.if %cond3A_89 {
        %add3A_132 = arith.constant 3 : i32
        %add3A_133 = arith.addi %add3A_75, %add3A_132 : i32
        %mul3A_134 = arith.constant 80 : i32
        %mul3A_135 = arith.muli %add3A_133, %mul3A_134 : i32
        %multiple_of3A_136 = tpu.assume_multiple %mul3A_135, 80 : i32
        %add3A_137 = arith.addi %mul3A_2, %multiple_of3A_136 : i32
        %dma_start3A_138 = tpu.memref_slice %arg4[%add3A_137] : memref<320000xi32, #tpu.memory_space<hbm>> -> memref<80xi32, #tpu.memory_space<hbm>>
        %dma_start3A_139 = tpu.memref_slice %arg4[%add3A_137] : memref<320000xi32, #tpu.memory_space<hbm>> -> memref<80xi32, #tpu.memory_space<hbm>>
        tpu.enqueue_dma source(%dma_start3A_139 : memref<80xi32, #tpu.memory_space<hbm>>) target(%arg8 : memref<80xi32, #tpu.memory_space<vmem>>) target_semaphore(%arg17 : memref<!tpu.dma_semaphore, #tpu.memory_space<semaphore_mem>>)
        %dma_start3A_140 = tpu.memref_slice %arg7[%multiple_of3A_136] : memref<10000xi32, #tpu.memory_space<vmem>> -> memref<80xi32, #tpu.memory_space<vmem>>
        %dma_start3A_141 = arith.constant 0 : i32
        %dma_start3A_142 = arith.constant 0 : i32
        %dma_start3A_143 = tpu.memref_slice %arg2[%dma_start3A_141, %dma_start3A_142] : memref<10000x128xf32, #tpu.memory_space<hbm>> -> memref<10000x128xf32, #tpu.memory_space<hbm>>
        tpu.enqueue_indirect_dma source(%dma_start3A_143 : memref<10000x128xf32, #tpu.memory_space<hbm>>) target(%arg11 : memref<80x128xf32, #tpu.memory_space<vmem>>) offsets(%dma_start3A_140 : memref<80xi32, #tpu.memory_space<vmem>>) semaphore(%arg14 : memref<!tpu.dma_semaphore, #tpu.memory_space<semaphore_mem>>)
      } else {
      }
      %mul3A_90 = arith.constant 3 : i32
      %mul3A_91 = arith.muli %scan3A_71, %mul3A_90 : i32
      %add3A_92 = arith.constant 1 : i32
      %add3A_93 = arith.addi %mul3A_91, %add3A_92 : i32
      %dma_wait3A_94 = arith.constant 0 : i32
      %dma_wait3A_95 = tpu.memref_slice %arg4[%dma_wait3A_94] : memref<320000xi32, #tpu.memory_space<hbm>> -> memref<80xi32, #tpu.memory_space<hbm>>
      %dma_wait3A_96 = arith.constant 0 : i32
      %dma_wait3A_97 = tpu.memref_slice %arg4[%dma_wait3A_96] : memref<320000xi32, #tpu.memory_space<hbm>> -> memref<80xi32, #tpu.memory_space<hbm>>
      tpu.wait_dma2 semaphore(%arg18 : memref<!tpu.dma_semaphore, #tpu.memory_space<semaphore_mem>>) src(%dma_wait3A_97 : memref<80xi32, #tpu.memory_space<hbm>>) dst(%arg9 : memref<80xi32, #tpu.memory_space<vmem>>)
      %dma_wait3A_98 = arith.constant 0 : i32
      %dma_wait3A_99 = arith.constant 0 : i32
      %dma_wait3A_100 = tpu.memref_slice %arg2[%dma_wait3A_98, %dma_wait3A_99] : memref<10000x128xf32, #tpu.memory_space<hbm>> -> memref<80x128xf32, #tpu.memory_space<hbm>>
      %dma_wait3A_101 = arith.constant 0 : i32
      %dma_wait3A_102 = arith.constant 0 : i32
      %dma_wait3A_103 = tpu.memref_slice %arg2[%dma_wait3A_101, %dma_wait3A_102] : memref<10000x128xf32, #tpu.memory_space<hbm>> -> memref<80x128xf32, #tpu.memory_space<hbm>>
      tpu.wait_dma2 semaphore(%arg15 : memref<!tpu.dma_semaphore, #tpu.memory_space<semaphore_mem>>) src(%dma_wait3A_103 : memref<80x128xf32, #tpu.memory_space<hbm>>) dst(%arg12 : memref<80x128xf32, #tpu.memory_space<vmem>>)
      "tpu.region"() ({
        %run_scoped3A = tpu.sem_alloc : memref<!tpu.dma_semaphore, #tpu.memory_space<semaphore_mem>>
        %dma_start3A_132 = arith.constant 0 : i32
        %dma_start3A_133 = arith.constant 0 : i32
        %dma_start3A_134 = tpu.memref_slice %arg22[%dma_start3A_132, %dma_start3A_133] : memref<10240x128xf32, #tpu.memory_space<vmem_shared>> -> memref<10240x128xf32, #tpu.memory_space<vmem_shared>>
        tpu.enqueue_indirect_dma source(%arg12 : memref<80x128xf32, #tpu.memory_space<vmem>>) target(%dma_start3A_134 : memref<10240x128xf32, #tpu.memory_space<vmem_shared>>) offsets(%arg9 : memref<80xi32, #tpu.memory_space<vmem>>) semaphore(%run_scoped3A : memref<!tpu.dma_semaphore, #tpu.memory_space<semaphore_mem>>) {add = true}
        %dma_wait3A_135 = arith.constant 0 : i32
        %dma_wait3A_136 = arith.constant 0 : i32
        %dma_wait3A_137 = tpu.memref_slice %arg22[%dma_wait3A_135, %dma_wait3A_136] : memref<10240x128xf32, #tpu.memory_space<vmem_shared>> -> memref<10240x128xf32, #tpu.memory_space<vmem_shared>>
        tpu.wait_indirect_dma semaphore(%run_scoped3A : memref<!tpu.dma_semaphore, #tpu.memory_space<semaphore_mem>>) src(%arg12 : memref<80x128xf32, #tpu.memory_space<vmem>>) dst(%dma_wait3A_137 : memref<10240x128xf32, #tpu.memory_space<vmem_shared>>)
        tpu.yield
      }) : () -> ()
      %add3A_104 = arith.constant 3 : i32
      %add3A_105 = arith.addi %add3A_93, %add3A_104 : i32
      %lt3A_106 = arith.constant 125 : i32
      %lt3A_107 = arith.cmpi slt, %add3A_105, %lt3A_106 : i32
      %convert_element_type3A_108 = arith.extui %lt3A_107 : i1 to i32
      %cond3A_109 = arith.constant 0 : i32
      %cond3A_110 = arith.cmpi ne, %convert_element_type3A_108, %cond3A_109 : i32
      scf.if %cond3A_110 {
        %add3A_132 = arith.constant 3 : i32
        %add3A_133 = arith.addi %add3A_93, %add3A_132 : i32
        %mul3A_134 = arith.constant 80 : i32
        %mul3A_135 = arith.muli %add3A_133, %mul3A_134 : i32
        %multiple_of3A_136 = tpu.assume_multiple %mul3A_135, 80 : i32
        %add3A_137 = arith.addi %mul3A_2, %multiple_of3A_136 : i32
        %dma_start3A_138 = tpu.memref_slice %arg4[%add3A_137] : memref<320000xi32, #tpu.memory_space<hbm>> -> memref<80xi32, #tpu.memory_space<hbm>>
        %dma_start3A_139 = tpu.memref_slice %arg4[%add3A_137] : memref<320000xi32, #tpu.memory_space<hbm>> -> memref<80xi32, #tpu.memory_space<hbm>>
        tpu.enqueue_dma source(%dma_start3A_139 : memref<80xi32, #tpu.memory_space<hbm>>) target(%arg9 : memref<80xi32, #tpu.memory_space<vmem>>) target_semaphore(%arg18 : memref<!tpu.dma_semaphore, #tpu.memory_space<semaphore_mem>>)
        %dma_start3A_140 = tpu.memref_slice %arg7[%multiple_of3A_136] : memref<10000xi32, #tpu.memory_space<vmem>> -> memref<80xi32, #tpu.memory_space<vmem>>
        %dma_start3A_141 = arith.constant 0 : i32
        %dma_start3A_142 = arith.constant 0 : i32
        %dma_start3A_143 = tpu.memref_slice %arg2[%dma_start3A_141, %dma_start3A_142] : memref<10000x128xf32, #tpu.memory_space<hbm>> -> memref<10000x128xf32, #tpu.memory_space<hbm>>
        tpu.enqueue_indirect_dma source(%dma_start3A_143 : memref<10000x128xf32, #tpu.memory_space<hbm>>) target(%arg12 : memref<80x128xf32, #tpu.memory_space<vmem>>) offsets(%dma_start3A_140 : memref<80xi32, #tpu.memory_space<vmem>>) semaphore(%arg15 : memref<!tpu.dma_semaphore, #tpu.memory_space<semaphore_mem>>)
      } else {
      }
      %mul3A_111 = arith.constant 3 : i32
      %mul3A_112 = arith.muli %scan3A_71, %mul3A_111 : i32
      %add3A_113 = arith.constant 2 : i32
      %add3A_114 = arith.addi %mul3A_112, %add3A_113 : i32
      %dma_wait3A_115 = arith.constant 0 : i32
      %dma_wait3A_116 = tpu.memref_slice %arg4[%dma_wait3A_115] : memref<320000xi32, #tpu.memory_space<hbm>> -> memref<80xi32, #tpu.memory_space<hbm>>
      %dma_wait3A_117 = arith.constant 0 : i32
      %dma_wait3A_118 = tpu.memref_slice %arg4[%dma_wait3A_117] : memref<320000xi32, #tpu.memory_space<hbm>> -> memref<80xi32, #tpu.memory_space<hbm>>
      tpu.wait_dma2 semaphore(%arg19 : memref<!tpu.dma_semaphore, #tpu.memory_space<semaphore_mem>>) src(%dma_wait3A_118 : memref<80xi32, #tpu.memory_space<hbm>>) dst(%arg10 : memref<80xi32, #tpu.memory_space<vmem>>)
      %dma_wait3A_119 = arith.constant 0 : i32
      %dma_wait3A_120 = arith.constant 0 : i32
      %dma_wait3A_121 = tpu.memref_slice %arg2[%dma_wait3A_119, %dma_wait3A_120] : memref<10000x128xf32, #tpu.memory_space<hbm>> -> memref<80x128xf32, #tpu.memory_space<hbm>>
      %dma_wait3A_122 = arith.constant 0 : i32
      %dma_wait3A_123 = arith.constant 0 : i32
      %dma_wait3A_124 = tpu.memref_slice %arg2[%dma_wait3A_122, %dma_wait3A_123] : memref<10000x128xf32, #tpu.memory_space<hbm>> -> memref<80x128xf32, #tpu.memory_space<hbm>>
      tpu.wait_dma2 semaphore(%arg16 : memref<!tpu.dma_semaphore, #tpu.memory_space<semaphore_mem>>) src(%dma_wait3A_124 : memref<80x128xf32, #tpu.memory_space<hbm>>) dst(%arg13 : memref<80x128xf32, #tpu.memory_space<vmem>>)
      "tpu.region"() ({
        %run_scoped3A = tpu.sem_alloc : memref<!tpu.dma_semaphore, #tpu.memory_space<semaphore_mem>>
        %dma_start3A_132 = arith.constant 0 : i32
        %dma_start3A_133 = arith.constant 0 : i32
        %dma_start3A_134 = tpu.memref_slice %arg22[%dma_start3A_132, %dma_start3A_133] : memref<10240x128xf32, #tpu.memory_space<vmem_shared>> -> memref<10240x128xf32, #tpu.memory_space<vmem_shared>>
        tpu.enqueue_indirect_dma source(%arg13 : memref<80x128xf32, #tpu.memory_space<vmem>>) target(%dma_start3A_134 : memref<10240x128xf32, #tpu.memory_space<vmem_shared>>) offsets(%arg10 : memref<80xi32, #tpu.memory_space<vmem>>) semaphore(%run_scoped3A : memref<!tpu.dma_semaphore, #tpu.memory_space<semaphore_mem>>) {add = true}
        %dma_wait3A_135 = arith.constant 0 : i32
        %dma_wait3A_136 = arith.constant 0 : i32
        %dma_wait3A_137 = tpu.memref_slice %arg22[%dma_wait3A_135, %dma_wait3A_136] : memref<10240x128xf32, #tpu.memory_space<vmem_shared>> -> memref<10240x128xf32, #tpu.memory_space<vmem_shared>>
        tpu.wait_indirect_dma semaphore(%run_scoped3A : memref<!tpu.dma_semaphore, #tpu.memory_space<semaphore_mem>>) src(%arg13 : memref<80x128xf32, #tpu.memory_space<vmem>>) dst(%dma_wait3A_137 : memref<10240x128xf32, #tpu.memory_space<vmem_shared>>)
        tpu.yield
      }) : () -> ()
      %add3A_125 = arith.constant 3 : i32
      %add3A_126 = arith.addi %add3A_114, %add3A_125 : i32
      %lt3A_127 = arith.constant 125 : i32
      %lt3A_128 = arith.cmpi slt, %add3A_126, %lt3A_127 : i32
      %convert_element_type3A_129 = arith.extui %lt3A_128 : i1 to i32
      %cond3A_130 = arith.constant 0 : i32
      %cond3A_131 = arith.cmpi ne, %convert_element_type3A_129, %cond3A_130 : i32
      scf.if %cond3A_131 {
        %add3A_132 = arith.constant 3 : i32
        %add3A_133 = arith.addi %add3A_114, %add3A_132 : i32
        %mul3A_134 = arith.constant 80 : i32
        %mul3A_135 = arith.muli %add3A_133, %mul3A_134 : i32
        %multiple_of3A_136 = tpu.assume_multiple %mul3A_135, 80 : i32
        %add3A_137 = arith.addi %mul3A_2, %multiple_of3A_136 : i32
        %dma_start3A_138 = tpu.memref_slice %arg4[%add3A_137] : memref<320000xi32, #tpu.memory_space<hbm>> -> memref<80xi32, #tpu.memory_space<hbm>>
        %dma_start3A_139 = tpu.memref_slice %arg4[%add3A_137] : memref<320000xi32, #tpu.memory_space<hbm>> -> memref<80xi32, #tpu.memory_space<hbm>>
        tpu.enqueue_dma source(%dma_start3A_139 : memref<80xi32, #tpu.memory_space<hbm>>) target(%arg10 : memref<80xi32, #tpu.memory_space<vmem>>) target_semaphore(%arg19 : memref<!tpu.dma_semaphore, #tpu.memory_space<semaphore_mem>>)
        %dma_start3A_140 = tpu.memref_slice %arg7[%multiple_of3A_136] : memref<10000xi32, #tpu.memory_space<vmem>> -> memref<80xi32, #tpu.memory_space<vmem>>
        %dma_start3A_141 = arith.constant 0 : i32
        %dma_start3A_142 = arith.constant 0 : i32
        %dma_start3A_143 = tpu.memref_slice %arg2[%dma_start3A_141, %dma_start3A_142] : memref<10000x128xf32, #tpu.memory_space<hbm>> -> memref<10000x128xf32, #tpu.memory_space<hbm>>
        tpu.enqueue_indirect_dma source(%dma_start3A_143 : memref<10000x128xf32, #tpu.memory_space<hbm>>) target(%arg13 : memref<80x128xf32, #tpu.memory_space<vmem>>) offsets(%dma_start3A_140 : memref<80xi32, #tpu.memory_space<vmem>>) semaphore(%arg16 : memref<!tpu.dma_semaphore, #tpu.memory_space<semaphore_mem>>)
      } else {
      }
    }
    %scan3A_49 = arith.constant 41 : i32
    %dma_wait3A_50 = arith.constant 0 : i32
    %dma_wait3A_51 = tpu.memref_slice %arg4[%dma_wait3A_50] : memref<320000xi32, #tpu.memory_space<hbm>> -> memref<80xi32, #tpu.memory_space<hbm>>
    %dma_wait3A_52 = arith.constant 0 : i32
    %dma_wait3A_53 = tpu.memref_slice %arg4[%dma_wait3A_52] : memref<320000xi32, #tpu.memory_space<hbm>> -> memref<80xi32, #tpu.memory_space<hbm>>
    tpu.wait_dma2 semaphore(%arg17 : memref<!tpu.dma_semaphore, #tpu.memory_space<semaphore_mem>>) src(%dma_wait3A_53 : memref<80xi32, #tpu.memory_space<hbm>>) dst(%arg8 : memref<80xi32, #tpu.memory_space<vmem>>)
    %dma_wait3A_54 = arith.constant 0 : i32
    %dma_wait3A_55 = arith.constant 0 : i32
    %dma_wait3A_56 = tpu.memref_slice %arg2[%dma_wait3A_54, %dma_wait3A_55] : memref<10000x128xf32, #tpu.memory_space<hbm>> -> memref<80x128xf32, #tpu.memory_space<hbm>>
    %dma_wait3A_57 = arith.constant 0 : i32
    %dma_wait3A_58 = arith.constant 0 : i32
    %dma_wait3A_59 = tpu.memref_slice %arg2[%dma_wait3A_57, %dma_wait3A_58] : memref<10000x128xf32, #tpu.memory_space<hbm>> -> memref<80x128xf32, #tpu.memory_space<hbm>>
    tpu.wait_dma2 semaphore(%arg14 : memref<!tpu.dma_semaphore, #tpu.memory_space<semaphore_mem>>) src(%dma_wait3A_59 : memref<80x128xf32, #tpu.memory_space<hbm>>) dst(%arg11 : memref<80x128xf32, #tpu.memory_space<vmem>>)
    "tpu.region"() ({
      %run_scoped3A = tpu.sem_alloc : memref<!tpu.dma_semaphore, #tpu.memory_space<semaphore_mem>>
      %dma_start3A_71 = arith.constant 0 : i32
      %dma_start3A_72 = arith.constant 0 : i32
      %dma_start3A_73 = tpu.memref_slice %arg22[%dma_start3A_71, %dma_start3A_72] : memref<10240x128xf32, #tpu.memory_space<vmem_shared>> -> memref<10240x128xf32, #tpu.memory_space<vmem_shared>>
      tpu.enqueue_indirect_dma source(%arg11 : memref<80x128xf32, #tpu.memory_space<vmem>>) target(%dma_start3A_73 : memref<10240x128xf32, #tpu.memory_space<vmem_shared>>) offsets(%arg8 : memref<80xi32, #tpu.memory_space<vmem>>) semaphore(%run_scoped3A : memref<!tpu.dma_semaphore, #tpu.memory_space<semaphore_mem>>) {add = true}
      %dma_wait3A_74 = arith.constant 0 : i32
      %dma_wait3A_75 = arith.constant 0 : i32
      %dma_wait3A_76 = tpu.memref_slice %arg22[%dma_wait3A_74, %dma_wait3A_75] : memref<10240x128xf32, #tpu.memory_space<vmem_shared>> -> memref<10240x128xf32, #tpu.memory_space<vmem_shared>>
      tpu.wait_indirect_dma semaphore(%run_scoped3A : memref<!tpu.dma_semaphore, #tpu.memory_space<semaphore_mem>>) src(%arg11 : memref<80x128xf32, #tpu.memory_space<vmem>>) dst(%dma_wait3A_76 : memref<10240x128xf32, #tpu.memory_space<vmem_shared>>)
      tpu.yield
    }) : () -> ()
    %dma_wait3A_60 = arith.constant 0 : i32
    %dma_wait3A_61 = tpu.memref_slice %arg4[%dma_wait3A_60] : memref<320000xi32, #tpu.memory_space<hbm>> -> memref<80xi32, #tpu.memory_space<hbm>>
    %dma_wait3A_62 = arith.constant 0 : i32
    %dma_wait3A_63 = tpu.memref_slice %arg4[%dma_wait3A_62] : memref<320000xi32, #tpu.memory_space<hbm>> -> memref<80xi32, #tpu.memory_space<hbm>>
    tpu.wait_dma2 semaphore(%arg18 : memref<!tpu.dma_semaphore, #tpu.memory_space<semaphore_mem>>) src(%dma_wait3A_63 : memref<80xi32, #tpu.memory_space<hbm>>) dst(%arg9 : memref<80xi32, #tpu.memory_space<vmem>>)
    %dma_wait3A_64 = arith.constant 0 : i32
    %dma_wait3A_65 = arith.constant 0 : i32
    %dma_wait3A_66 = tpu.memref_slice %arg2[%dma_wait3A_64, %dma_wait3A_65] : memref<10000x128xf32, #tpu.memory_space<hbm>> -> memref<80x128xf32, #tpu.memory_space<hbm>>
    %dma_wait3A_67 = arith.constant 0 : i32
    %dma_wait3A_68 = arith.constant 0 : i32
    %dma_wait3A_69 = tpu.memref_slice %arg2[%dma_wait3A_67, %dma_wait3A_68] : memref<10000x128xf32, #tpu.memory_space<hbm>> -> memref<80x128xf32, #tpu.memory_space<hbm>>
    tpu.wait_dma2 semaphore(%arg15 : memref<!tpu.dma_semaphore, #tpu.memory_space<semaphore_mem>>) src(%dma_wait3A_69 : memref<80x128xf32, #tpu.memory_space<hbm>>) dst(%arg12 : memref<80x128xf32, #tpu.memory_space<vmem>>)
    "tpu.region"() ({
      %run_scoped3A = tpu.sem_alloc : memref<!tpu.dma_semaphore, #tpu.memory_space<semaphore_mem>>
      %dma_start3A_71 = arith.constant 0 : i32
      %dma_start3A_72 = arith.constant 0 : i32
      %dma_start3A_73 = tpu.memref_slice %arg22[%dma_start3A_71, %dma_start3A_72] : memref<10240x128xf32, #tpu.memory_space<vmem_shared>> -> memref<10240x128xf32, #tpu.memory_space<vmem_shared>>
      tpu.enqueue_indirect_dma source(%arg12 : memref<80x128xf32, #tpu.memory_space<vmem>>) target(%dma_start3A_73 : memref<10240x128xf32, #tpu.memory_space<vmem_shared>>) offsets(%arg9 : memref<80xi32, #tpu.memory_space<vmem>>) semaphore(%run_scoped3A : memref<!tpu.dma_semaphore, #tpu.memory_space<semaphore_mem>>) {add = true}
      %dma_wait3A_74 = arith.constant 0 : i32
      %dma_wait3A_75 = arith.constant 0 : i32
      %dma_wait3A_76 = tpu.memref_slice %arg22[%dma_wait3A_74, %dma_wait3A_75] : memref<10240x128xf32, #tpu.memory_space<vmem_shared>> -> memref<10240x128xf32, #tpu.memory_space<vmem_shared>>
      tpu.wait_indirect_dma semaphore(%run_scoped3A : memref<!tpu.dma_semaphore, #tpu.memory_space<semaphore_mem>>) src(%arg12 : memref<80x128xf32, #tpu.memory_space<vmem>>) dst(%dma_wait3A_76 : memref<10240x128xf32, #tpu.memory_space<vmem_shared>>)
      tpu.yield
    }) : () -> ()
    %barrier3A_70 = arith.constant 0 : index
    tpu.barrier barrier_id(%barrier3A_70)
    "tpu.region"() ({
      %run_scoped3A = tpu.sem_alloc : memref<!tpu.dma_semaphore, #tpu.memory_space<semaphore_mem>>
      %dma_start3A_71 = arith.constant 0 : i32
      %dma_start3A_72 = tpu.memref_slice %arg6[%arg0, %mul3A_4, %dma_start3A_71] : memref<2x10240x128xf32, #tpu.memory_space<hbm>> -> memref<1x640x128xf32, #tpu.memory_space<hbm>>
      %dma_start3A_73 = tpu.memref_squeeze %dma_start3A_72 : memref<1x640x128xf32, #tpu.memory_space<hbm>> -> memref<640x128xf32, #tpu.memory_space<hbm>>
      %dma_start3A_74 = arith.constant 0 : i32
      %dma_start3A_75 = tpu.memref_slice %arg22[%mul3A_4, %dma_start3A_74] : memref<10240x128xf32, #tpu.memory_space<vmem_shared>> -> memref<640x128xf32, #tpu.memory_space<vmem_shared>>
      tpu.enqueue_dma source(%dma_start3A_75 : memref<640x128xf32, #tpu.memory_space<vmem_shared>>) target(%dma_start3A_73 : memref<640x128xf32, #tpu.memory_space<hbm>>) target_semaphore(%run_scoped3A : memref<!tpu.dma_semaphore, #tpu.memory_space<semaphore_mem>>)
      %dma_wait3A_76 = arith.constant 0 : i32
      %dma_wait3A_77 = tpu.memref_slice %arg6[%arg0, %mul3A_4, %dma_wait3A_76] : memref<2x10240x128xf32, #tpu.memory_space<hbm>> -> memref<1x640x128xf32, #tpu.memory_space<hbm>>
      %dma_wait3A_78 = tpu.memref_squeeze %dma_wait3A_77 : memref<1x640x128xf32, #tpu.memory_space<hbm>> -> memref<640x128xf32, #tpu.memory_space<hbm>>
      %dma_wait3A_79 = arith.constant 0 : i32
      %dma_wait3A_80 = tpu.memref_slice %arg22[%mul3A_4, %dma_wait3A_79] : memref<10240x128xf32, #tpu.memory_space<vmem_shared>> -> memref<640x128xf32, #tpu.memory_space<vmem_shared>>
      tpu.wait_dma2 semaphore(%run_scoped3A : memref<!tpu.dma_semaphore, #tpu.memory_space<semaphore_mem>>) src(%dma_wait3A_80 : memref<640x128xf32, #tpu.memory_space<vmem_shared>>) dst(%dma_wait3A_78 : memref<640x128xf32, #tpu.memory_space<hbm>>)
      tpu.yield
    }) : () -> ()
    return
  }
}

#map = affine_map<(d0, d1) -> (0)>
#map1 = affine_map<(d0, d1) -> (0, 0)>
module attributes {stable_mosaic.version = 14 : i64} {
  func.func @_deg_body(%arg0: i32, %arg1: i32, %arg2: memref<320000xi32, #tpu.memory_space<hbm>>, %arg3: memref<320000xi32, #tpu.memory_space<hbm>>, %arg4: memref<128xf32, #tpu.memory_space<hbm>>, %arg5: memref<640xf32, #tpu.memory_space<hbm>>, %arg6: memref<2x10240xf32, #tpu.memory_space<hbm>>, %arg7: memref<2x10240xf32, #tpu.memory_space<hbm>>, %arg8: memref<128xi32, #tpu.memory_space<vmem>>, %arg9: memref<128xi32, #tpu.memory_space<vmem>>, %arg10: memref<128xi32, #tpu.memory_space<vmem>>, %arg11: memref<128xi32, #tpu.memory_space<vmem>>, %arg12: memref<128xi32, #tpu.memory_space<vmem>>, %arg13: memref<128xi32, #tpu.memory_space<vmem>>, %arg14: memref<16xi32, #tpu.memory_space<vmem>>, %arg15: memref<16xi32, #tpu.memory_space<vmem>>, %arg16: memref<128xf32, #tpu.memory_space<vmem>>, %arg17: memref<16xf32, #tpu.memory_space<vmem>>, %arg18: memref<!tpu.dma_semaphore, #tpu.memory_space<semaphore_mem>>, %arg19: memref<!tpu.dma_semaphore, #tpu.memory_space<semaphore_mem>>, %arg20: memref<!tpu.dma_semaphore, #tpu.memory_space<semaphore_mem>>, %arg21: memref<!tpu.dma_semaphore, #tpu.memory_space<semaphore_mem>>, %arg22: memref<!tpu.dma_semaphore, #tpu.memory_space<semaphore_mem>>, %arg23: memref<!tpu.dma_semaphore, #tpu.memory_space<semaphore_mem>>, %arg24: memref<10240xf32, #tpu.memory_space<vmem_shared>>, %arg25: memref<10240xf32, #tpu.memory_space<vmem_shared>>) attributes {dimension_semantics = [#tpu.dimension_semantics<core_parallel>, #tpu.dimension_semantics<subcore_parallel>], iteration_bounds = array<i64: 2, 16>, scalar_prefetch = 0 : i64, scratch_operands = 18 : i64, tpu.core_type = #tpu.core_type<sc_vector_subcore>, window_params = [{transform_indices = #map}, {transform_indices = #map}, {transform_indices = #map}, {transform_indices = #map}, {transform_indices = #map1}, {transform_indices = #map1}]} {
    %mul3A = arith.constant 16 : i32
    %mul3A_0 = arith.muli %arg0, %mul3A : i32
    %add3A = arith.addi %mul3A_0, %arg1 : i32
    %mul3A_1 = arith.constant 10000 : i32
    %mul3A_2 = arith.muli %add3A, %mul3A_1 : i32
    %mul3A_3 = arith.constant 640 : i32
    %mul3A_4 = arith.muli %arg1, %mul3A_3 : i32
    "tpu.region"() ({
      %run_scoped3A = tpu.sem_alloc : memref<!tpu.dma_semaphore, #tpu.memory_space<semaphore_mem>>
      tpu.enqueue_dma source(%arg4 : memref<128xf32, #tpu.memory_space<hbm>>) target(%arg16 : memref<128xf32, #tpu.memory_space<vmem>>) target_semaphore(%run_scoped3A : memref<!tpu.dma_semaphore, #tpu.memory_space<semaphore_mem>>)
      tpu.wait_dma2 semaphore(%run_scoped3A : memref<!tpu.dma_semaphore, #tpu.memory_space<semaphore_mem>>) src(%arg4 : memref<128xf32, #tpu.memory_space<hbm>>) dst(%arg16 : memref<128xf32, #tpu.memory_space<vmem>>)
      tpu.yield
    }) : () -> ()
    "tpu.region"() ({
      %run_scoped3A = tpu.sem_alloc : memref<!tpu.dma_semaphore, #tpu.memory_space<semaphore_mem>>
      %dma_start3A_37 = arith.constant 0 : i32
      %dma_start3A_38 = tpu.memref_slice %arg4[%dma_start3A_37] : memref<128xf32, #tpu.memory_space<hbm>> -> memref<16xf32, #tpu.memory_space<hbm>>
      %dma_start3A_39 = arith.constant 0 : i32
      %dma_start3A_40 = tpu.memref_slice %arg4[%dma_start3A_39] : memref<128xf32, #tpu.memory_space<hbm>> -> memref<16xf32, #tpu.memory_space<hbm>>
      tpu.enqueue_dma source(%dma_start3A_40 : memref<16xf32, #tpu.memory_space<hbm>>) target(%arg17 : memref<16xf32, #tpu.memory_space<vmem>>) target_semaphore(%run_scoped3A : memref<!tpu.dma_semaphore, #tpu.memory_space<semaphore_mem>>)
      %dma_wait3A = arith.constant 0 : i32
      %dma_wait3A_41 = tpu.memref_slice %arg4[%dma_wait3A] : memref<128xf32, #tpu.memory_space<hbm>> -> memref<16xf32, #tpu.memory_space<hbm>>
      %dma_wait3A_42 = arith.constant 0 : i32
      %dma_wait3A_43 = tpu.memref_slice %arg4[%dma_wait3A_42] : memref<128xf32, #tpu.memory_space<hbm>> -> memref<16xf32, #tpu.memory_space<hbm>>
      tpu.wait_dma2 semaphore(%run_scoped3A : memref<!tpu.dma_semaphore, #tpu.memory_space<semaphore_mem>>) src(%dma_wait3A_43 : memref<16xf32, #tpu.memory_space<hbm>>) dst(%arg17 : memref<16xf32, #tpu.memory_space<vmem>>)
      tpu.yield
    }) : () -> ()
    "tpu.region"() ({
      %run_scoped3A = tpu.sem_alloc : memref<!tpu.dma_semaphore, #tpu.memory_space<semaphore_mem>>
      %dma_start3A_37 = tpu.memref_slice %arg24[%mul3A_4] : memref<10240xf32, #tpu.memory_space<vmem_shared>> -> memref<640xf32, #tpu.memory_space<vmem_shared>>
      tpu.enqueue_dma source(%arg5 : memref<640xf32, #tpu.memory_space<hbm>>) target(%dma_start3A_37 : memref<640xf32, #tpu.memory_space<vmem_shared>>) target_semaphore(%run_scoped3A : memref<!tpu.dma_semaphore, #tpu.memory_space<semaphore_mem>>)
      %dma_wait3A = tpu.memref_slice %arg24[%mul3A_4] : memref<10240xf32, #tpu.memory_space<vmem_shared>> -> memref<640xf32, #tpu.memory_space<vmem_shared>>
      tpu.wait_dma2 semaphore(%run_scoped3A : memref<!tpu.dma_semaphore, #tpu.memory_space<semaphore_mem>>) src(%arg5 : memref<640xf32, #tpu.memory_space<hbm>>) dst(%dma_wait3A : memref<640xf32, #tpu.memory_space<vmem_shared>>)
      tpu.yield
    }) : () -> ()
    "tpu.region"() ({
      %run_scoped3A = tpu.sem_alloc : memref<!tpu.dma_semaphore, #tpu.memory_space<semaphore_mem>>
      %dma_start3A_37 = tpu.memref_slice %arg25[%mul3A_4] : memref<10240xf32, #tpu.memory_space<vmem_shared>> -> memref<640xf32, #tpu.memory_space<vmem_shared>>
      tpu.enqueue_dma source(%arg5 : memref<640xf32, #tpu.memory_space<hbm>>) target(%dma_start3A_37 : memref<640xf32, #tpu.memory_space<vmem_shared>>) target_semaphore(%run_scoped3A : memref<!tpu.dma_semaphore, #tpu.memory_space<semaphore_mem>>)
      %dma_wait3A = tpu.memref_slice %arg25[%mul3A_4] : memref<10240xf32, #tpu.memory_space<vmem_shared>> -> memref<640xf32, #tpu.memory_space<vmem_shared>>
      tpu.wait_dma2 semaphore(%run_scoped3A : memref<!tpu.dma_semaphore, #tpu.memory_space<semaphore_mem>>) src(%arg5 : memref<640xf32, #tpu.memory_space<hbm>>) dst(%dma_wait3A : memref<640xf32, #tpu.memory_space<vmem_shared>>)
      tpu.yield
    }) : () -> ()
    %barrier3A = arith.constant 0 : index
    tpu.barrier barrier_id(%barrier3A)
    %multiple_of3A = arith.constant 0 : i32
    %multiple_of3A_5 = tpu.assume_multiple %multiple_of3A, 128 : i32
    %add3A_6 = arith.addi %mul3A_2, %multiple_of3A_5 : i32
    %dma_start3A = tpu.memref_slice %arg2[%add3A_6] : memref<320000xi32, #tpu.memory_space<hbm>> -> memref<128xi32, #tpu.memory_space<hbm>>
    %dma_start3A_7 = tpu.memref_slice %arg2[%add3A_6] : memref<320000xi32, #tpu.memory_space<hbm>> -> memref<128xi32, #tpu.memory_space<hbm>>
    tpu.enqueue_dma source(%dma_start3A_7 : memref<128xi32, #tpu.memory_space<hbm>>) target(%arg8 : memref<128xi32, #tpu.memory_space<vmem>>) target_semaphore(%arg18 : memref<!tpu.dma_semaphore, #tpu.memory_space<semaphore_mem>>)
    %add3A_8 = arith.addi %mul3A_2, %multiple_of3A_5 : i32
    %dma_start3A_9 = tpu.memref_slice %arg3[%add3A_8] : memref<320000xi32, #tpu.memory_space<hbm>> -> memref<128xi32, #tpu.memory_space<hbm>>
    %dma_start3A_10 = tpu.memref_slice %arg3[%add3A_8] : memref<320000xi32, #tpu.memory_space<hbm>> -> memref<128xi32, #tpu.memory_space<hbm>>
    tpu.enqueue_dma source(%dma_start3A_10 : memref<128xi32, #tpu.memory_space<hbm>>) target(%arg11 : memref<128xi32, #tpu.memory_space<vmem>>) target_semaphore(%arg21 : memref<!tpu.dma_semaphore, #tpu.memory_space<semaphore_mem>>)
    %multiple_of3A_11 = arith.constant 128 : i32
    %multiple_of3A_12 = tpu.assume_multiple %multiple_of3A_11, 128 : i32
    %add3A_13 = arith.addi %mul3A_2, %multiple_of3A_12 : i32
    %dma_start3A_14 = tpu.memref_slice %arg2[%add3A_13] : memref<320000xi32, #tpu.memory_space<hbm>> -> memref<128xi32, #tpu.memory_space<hbm>>
    %dma_start3A_15 = tpu.memref_slice %arg2[%add3A_13] : memref<320000xi32, #tpu.memory_space<hbm>> -> memref<128xi32, #tpu.memory_space<hbm>>
    tpu.enqueue_dma source(%dma_start3A_15 : memref<128xi32, #tpu.memory_space<hbm>>) target(%arg9 : memref<128xi32, #tpu.memory_space<vmem>>) target_semaphore(%arg19 : memref<!tpu.dma_semaphore, #tpu.memory_space<semaphore_mem>>)
    %add3A_16 = arith.addi %mul3A_2, %multiple_of3A_12 : i32
    %dma_start3A_17 = tpu.memref_slice %arg3[%add3A_16] : memref<320000xi32, #tpu.memory_space<hbm>> -> memref<128xi32, #tpu.memory_space<hbm>>
    %dma_start3A_18 = tpu.memref_slice %arg3[%add3A_16] : memref<320000xi32, #tpu.memory_space<hbm>> -> memref<128xi32, #tpu.memory_space<hbm>>
    tpu.enqueue_dma source(%dma_start3A_18 : memref<128xi32, #tpu.memory_space<hbm>>) target(%arg12 : memref<128xi32, #tpu.memory_space<vmem>>) target_semaphore(%arg22 : memref<!tpu.dma_semaphore, #tpu.memory_space<semaphore_mem>>)
    %multiple_of3A_19 = arith.constant 256 : i32
    %multiple_of3A_20 = tpu.assume_multiple %multiple_of3A_19, 128 : i32
    %add3A_21 = arith.addi %mul3A_2, %multiple_of3A_20 : i32
    %dma_start3A_22 = tpu.memref_slice %arg2[%add3A_21] : memref<320000xi32, #tpu.memory_space<hbm>> -> memref<128xi32, #tpu.memory_space<hbm>>
    %dma_start3A_23 = tpu.memref_slice %arg2[%add3A_21] : memref<320000xi32, #tpu.memory_space<hbm>> -> memref<128xi32, #tpu.memory_space<hbm>>
    tpu.enqueue_dma source(%dma_start3A_23 : memref<128xi32, #tpu.memory_space<hbm>>) target(%arg10 : memref<128xi32, #tpu.memory_space<vmem>>) target_semaphore(%arg20 : memref<!tpu.dma_semaphore, #tpu.memory_space<semaphore_mem>>)
    %add3A_24 = arith.addi %mul3A_2, %multiple_of3A_20 : i32
    %dma_start3A_25 = tpu.memref_slice %arg3[%add3A_24] : memref<320000xi32, #tpu.memory_space<hbm>> -> memref<128xi32, #tpu.memory_space<hbm>>
    %dma_start3A_26 = tpu.memref_slice %arg3[%add3A_24] : memref<320000xi32, #tpu.memory_space<hbm>> -> memref<128xi32, #tpu.memory_space<hbm>>
    tpu.enqueue_dma source(%dma_start3A_26 : memref<128xi32, #tpu.memory_space<hbm>>) target(%arg13 : memref<128xi32, #tpu.memory_space<vmem>>) target_semaphore(%arg23 : memref<!tpu.dma_semaphore, #tpu.memory_space<semaphore_mem>>)
    %scan3A = arith.constant 0 : i32
    %scan3A_27 = arith.constant 0 : i32
    %scan3A_28 = arith.constant 26 : i32
    %scan3A_29 = arith.addi %scan3A_27, %scan3A_28 : i32
    %scan3A_30 = arith.constant 1 : i32
    scf.for %scan3A_37 = %scan3A_27 to %scan3A_29 step %scan3A_30  : i32 {
      %mul3A_38 = arith.constant 3 : i32
      %mul3A_39 = arith.muli %scan3A_37, %mul3A_38 : i32
      %add3A_40 = arith.constant 0 : i32
      %add3A_41 = arith.addi %mul3A_39, %add3A_40 : i32
      %dma_wait3A = arith.constant 0 : i32
      %dma_wait3A_42 = tpu.memref_slice %arg2[%dma_wait3A] : memref<320000xi32, #tpu.memory_space<hbm>> -> memref<128xi32, #tpu.memory_space<hbm>>
      %dma_wait3A_43 = arith.constant 0 : i32
      %dma_wait3A_44 = tpu.memref_slice %arg2[%dma_wait3A_43] : memref<320000xi32, #tpu.memory_space<hbm>> -> memref<128xi32, #tpu.memory_space<hbm>>
      tpu.wait_dma2 semaphore(%arg18 : memref<!tpu.dma_semaphore, #tpu.memory_space<semaphore_mem>>) src(%dma_wait3A_44 : memref<128xi32, #tpu.memory_space<hbm>>) dst(%arg8 : memref<128xi32, #tpu.memory_space<vmem>>)
      %dma_wait3A_45 = arith.constant 0 : i32
      %dma_wait3A_46 = tpu.memref_slice %arg3[%dma_wait3A_45] : memref<320000xi32, #tpu.memory_space<hbm>> -> memref<128xi32, #tpu.memory_space<hbm>>
      %dma_wait3A_47 = arith.constant 0 : i32
      %dma_wait3A_48 = tpu.memref_slice %arg3[%dma_wait3A_47] : memref<320000xi32, #tpu.memory_space<hbm>> -> memref<128xi32, #tpu.memory_space<hbm>>
      tpu.wait_dma2 semaphore(%arg21 : memref<!tpu.dma_semaphore, #tpu.memory_space<semaphore_mem>>) src(%dma_wait3A_48 : memref<128xi32, #tpu.memory_space<hbm>>) dst(%arg11 : memref<128xi32, #tpu.memory_space<vmem>>)
      "tpu.region"() ({
        %run_scoped3A = tpu.sem_alloc : memref<!tpu.dma_semaphore, #tpu.memory_space<semaphore_mem>>
        %dma_start3A_91 = arith.constant 0 : i32
        %dma_start3A_92 = tpu.memref_slice %arg24[%dma_start3A_91] : memref<10240xf32, #tpu.memory_space<vmem_shared>> -> memref<10240xf32, #tpu.memory_space<vmem_shared>>
        tpu.enqueue_indirect_dma source(%arg16 : memref<128xf32, #tpu.memory_space<vmem>>) target(%dma_start3A_92 : memref<10240xf32, #tpu.memory_space<vmem_shared>>) offsets(%arg8 : memref<128xi32, #tpu.memory_space<vmem>>) semaphore(%run_scoped3A : memref<!tpu.dma_semaphore, #tpu.memory_space<semaphore_mem>>) {add = true}
        %dma_wait3A_93 = arith.constant 0 : i32
        %dma_wait3A_94 = tpu.memref_slice %arg24[%dma_wait3A_93] : memref<10240xf32, #tpu.memory_space<vmem_shared>> -> memref<10240xf32, #tpu.memory_space<vmem_shared>>
        tpu.wait_indirect_dma semaphore(%run_scoped3A : memref<!tpu.dma_semaphore, #tpu.memory_space<semaphore_mem>>) src(%arg16 : memref<128xf32, #tpu.memory_space<vmem>>) dst(%dma_wait3A_94 : memref<10240xf32, #tpu.memory_space<vmem_shared>>)
        tpu.yield
      }) : () -> ()
      "tpu.region"() ({
        %run_scoped3A = tpu.sem_alloc : memref<!tpu.dma_semaphore, #tpu.memory_space<semaphore_mem>>
        %dma_start3A_91 = arith.constant 0 : i32
        %dma_start3A_92 = tpu.memref_slice %arg25[%dma_start3A_91] : memref<10240xf32, #tpu.memory_space<vmem_shared>> -> memref<10240xf32, #tpu.memory_space<vmem_shared>>
        tpu.enqueue_indirect_dma source(%arg16 : memref<128xf32, #tpu.memory_space<vmem>>) target(%dma_start3A_92 : memref<10240xf32, #tpu.memory_space<vmem_shared>>) offsets(%arg11 : memref<128xi32, #tpu.memory_space<vmem>>) semaphore(%run_scoped3A : memref<!tpu.dma_semaphore, #tpu.memory_space<semaphore_mem>>) {add = true}
        %dma_wait3A_93 = arith.constant 0 : i32
        %dma_wait3A_94 = tpu.memref_slice %arg25[%dma_wait3A_93] : memref<10240xf32, #tpu.memory_space<vmem_shared>> -> memref<10240xf32, #tpu.memory_space<vmem_shared>>
        tpu.wait_indirect_dma semaphore(%run_scoped3A : memref<!tpu.dma_semaphore, #tpu.memory_space<semaphore_mem>>) src(%arg16 : memref<128xf32, #tpu.memory_space<vmem>>) dst(%dma_wait3A_94 : memref<10240xf32, #tpu.memory_space<vmem_shared>>)
        tpu.yield
      }) : () -> ()
      %add3A_49 = arith.constant 3 : i32
      %add3A_50 = arith.addi %add3A_41, %add3A_49 : i32
      %lt3A = arith.constant 78 : i32
      %lt3A_51 = arith.cmpi slt, %add3A_50, %lt3A : i32
      %convert_element_type3A = arith.extui %lt3A_51 : i1 to i32
      %cond3A = arith.constant 0 : i32
      %cond3A_52 = arith.cmpi ne, %convert_element_type3A, %cond3A : i32
      scf.if %cond3A_52 {
        %add3A_91 = arith.constant 3 : i32
        %add3A_92 = arith.addi %add3A_41, %add3A_91 : i32
        %mul3A_93 = arith.constant 128 : i32
        %mul3A_94 = arith.muli %add3A_92, %mul3A_93 : i32
        %multiple_of3A_95 = tpu.assume_multiple %mul3A_94, 128 : i32
        %add3A_96 = arith.addi %mul3A_2, %multiple_of3A_95 : i32
        %dma_start3A_97 = tpu.memref_slice %arg2[%add3A_96] : memref<320000xi32, #tpu.memory_space<hbm>> -> memref<128xi32, #tpu.memory_space<hbm>>
        %dma_start3A_98 = tpu.memref_slice %arg2[%add3A_96] : memref<320000xi32, #tpu.memory_space<hbm>> -> memref<128xi32, #tpu.memory_space<hbm>>
        tpu.enqueue_dma source(%dma_start3A_98 : memref<128xi32, #tpu.memory_space<hbm>>) target(%arg8 : memref<128xi32, #tpu.memory_space<vmem>>) target_semaphore(%arg18 : memref<!tpu.dma_semaphore, #tpu.memory_space<semaphore_mem>>)
        %add3A_99 = arith.addi %mul3A_2, %multiple_of3A_95 : i32
        %dma_start3A_100 = tpu.memref_slice %arg3[%add3A_99] : memref<320000xi32, #tpu.memory_space<hbm>> -> memref<128xi32, #tpu.memory_space<hbm>>
        %dma_start3A_101 = tpu.memref_slice %arg3[%add3A_99] : memref<320000xi32, #tpu.memory_space<hbm>> -> memref<128xi32, #tpu.memory_space<hbm>>
        tpu.enqueue_dma source(%dma_start3A_101 : memref<128xi32, #tpu.memory_space<hbm>>) target(%arg11 : memref<128xi32, #tpu.memory_space<vmem>>) target_semaphore(%arg21 : memref<!tpu.dma_semaphore, #tpu.memory_space<semaphore_mem>>)
      } else {
      }
      %mul3A_53 = arith.constant 3 : i32
      %mul3A_54 = arith.muli %scan3A_37, %mul3A_53 : i32
      %add3A_55 = arith.constant 1 : i32
      %add3A_56 = arith.addi %mul3A_54, %add3A_55 : i32
      %dma_wait3A_57 = arith.constant 0 : i32
      %dma_wait3A_58 = tpu.memref_slice %arg2[%dma_wait3A_57] : memref<320000xi32, #tpu.memory_space<hbm>> -> memref<128xi32, #tpu.memory_space<hbm>>
      %dma_wait3A_59 = arith.constant 0 : i32
      %dma_wait3A_60 = tpu.memref_slice %arg2[%dma_wait3A_59] : memref<320000xi32, #tpu.memory_space<hbm>> -> memref<128xi32, #tpu.memory_space<hbm>>
      tpu.wait_dma2 semaphore(%arg19 : memref<!tpu.dma_semaphore, #tpu.memory_space<semaphore_mem>>) src(%dma_wait3A_60 : memref<128xi32, #tpu.memory_space<hbm>>) dst(%arg9 : memref<128xi32, #tpu.memory_space<vmem>>)
      %dma_wait3A_61 = arith.constant 0 : i32
      %dma_wait3A_62 = tpu.memref_slice %arg3[%dma_wait3A_61] : memref<320000xi32, #tpu.memory_space<hbm>> -> memref<128xi32, #tpu.memory_space<hbm>>
      %dma_wait3A_63 = arith.constant 0 : i32
      %dma_wait3A_64 = tpu.memref_slice %arg3[%dma_wait3A_63] : memref<320000xi32, #tpu.memory_space<hbm>> -> memref<128xi32, #tpu.memory_space<hbm>>
      tpu.wait_dma2 semaphore(%arg22 : memref<!tpu.dma_semaphore, #tpu.memory_space<semaphore_mem>>) src(%dma_wait3A_64 : memref<128xi32, #tpu.memory_space<hbm>>) dst(%arg12 : memref<128xi32, #tpu.memory_space<vmem>>)
      "tpu.region"() ({
        %run_scoped3A = tpu.sem_alloc : memref<!tpu.dma_semaphore, #tpu.memory_space<semaphore_mem>>
        %dma_start3A_91 = arith.constant 0 : i32
        %dma_start3A_92 = tpu.memref_slice %arg24[%dma_start3A_91] : memref<10240xf32, #tpu.memory_space<vmem_shared>> -> memref<10240xf32, #tpu.memory_space<vmem_shared>>
        tpu.enqueue_indirect_dma source(%arg16 : memref<128xf32, #tpu.memory_space<vmem>>) target(%dma_start3A_92 : memref<10240xf32, #tpu.memory_space<vmem_shared>>) offsets(%arg9 : memref<128xi32, #tpu.memory_space<vmem>>) semaphore(%run_scoped3A : memref<!tpu.dma_semaphore, #tpu.memory_space<semaphore_mem>>) {add = true}
        %dma_wait3A_93 = arith.constant 0 : i32
        %dma_wait3A_94 = tpu.memref_slice %arg24[%dma_wait3A_93] : memref<10240xf32, #tpu.memory_space<vmem_shared>> -> memref<10240xf32, #tpu.memory_space<vmem_shared>>
        tpu.wait_indirect_dma semaphore(%run_scoped3A : memref<!tpu.dma_semaphore, #tpu.memory_space<semaphore_mem>>) src(%arg16 : memref<128xf32, #tpu.memory_space<vmem>>) dst(%dma_wait3A_94 : memref<10240xf32, #tpu.memory_space<vmem_shared>>)
        tpu.yield
      }) : () -> ()
      "tpu.region"() ({
        %run_scoped3A = tpu.sem_alloc : memref<!tpu.dma_semaphore, #tpu.memory_space<semaphore_mem>>
        %dma_start3A_91 = arith.constant 0 : i32
        %dma_start3A_92 = tpu.memref_slice %arg25[%dma_start3A_91] : memref<10240xf32, #tpu.memory_space<vmem_shared>> -> memref<10240xf32, #tpu.memory_space<vmem_shared>>
        tpu.enqueue_indirect_dma source(%arg16 : memref<128xf32, #tpu.memory_space<vmem>>) target(%dma_start3A_92 : memref<10240xf32, #tpu.memory_space<vmem_shared>>) offsets(%arg12 : memref<128xi32, #tpu.memory_space<vmem>>) semaphore(%run_scoped3A : memref<!tpu.dma_semaphore, #tpu.memory_space<semaphore_mem>>) {add = true}
        %dma_wait3A_93 = arith.constant 0 : i32
        %dma_wait3A_94 = tpu.memref_slice %arg25[%dma_wait3A_93] : memref<10240xf32, #tpu.memory_space<vmem_shared>> -> memref<10240xf32, #tpu.memory_space<vmem_shared>>
        tpu.wait_indirect_dma semaphore(%run_scoped3A : memref<!tpu.dma_semaphore, #tpu.memory_space<semaphore_mem>>) src(%arg16 : memref<128xf32, #tpu.memory_space<vmem>>) dst(%dma_wait3A_94 : memref<10240xf32, #tpu.memory_space<vmem_shared>>)
        tpu.yield
      }) : () -> ()
      %add3A_65 = arith.constant 3 : i32
      %add3A_66 = arith.addi %add3A_56, %add3A_65 : i32
      %lt3A_67 = arith.constant 78 : i32
      %lt3A_68 = arith.cmpi slt, %add3A_66, %lt3A_67 : i32
      %convert_element_type3A_69 = arith.extui %lt3A_68 : i1 to i32
      %cond3A_70 = arith.constant 0 : i32
      %cond3A_71 = arith.cmpi ne, %convert_element_type3A_69, %cond3A_70 : i32
      scf.if %cond3A_71 {
        %add3A_91 = arith.constant 3 : i32
        %add3A_92 = arith.addi %add3A_56, %add3A_91 : i32
        %mul3A_93 = arith.constant 128 : i32
        %mul3A_94 = arith.muli %add3A_92, %mul3A_93 : i32
        %multiple_of3A_95 = tpu.assume_multiple %mul3A_94, 128 : i32
        %add3A_96 = arith.addi %mul3A_2, %multiple_of3A_95 : i32
        %dma_start3A_97 = tpu.memref_slice %arg2[%add3A_96] : memref<320000xi32, #tpu.memory_space<hbm>> -> memref<128xi32, #tpu.memory_space<hbm>>
        %dma_start3A_98 = tpu.memref_slice %arg2[%add3A_96] : memref<320000xi32, #tpu.memory_space<hbm>> -> memref<128xi32, #tpu.memory_space<hbm>>
        tpu.enqueue_dma source(%dma_start3A_98 : memref<128xi32, #tpu.memory_space<hbm>>) target(%arg9 : memref<128xi32, #tpu.memory_space<vmem>>) target_semaphore(%arg19 : memref<!tpu.dma_semaphore, #tpu.memory_space<semaphore_mem>>)
        %add3A_99 = arith.addi %mul3A_2, %multiple_of3A_95 : i32
        %dma_start3A_100 = tpu.memref_slice %arg3[%add3A_99] : memref<320000xi32, #tpu.memory_space<hbm>> -> memref<128xi32, #tpu.memory_space<hbm>>
        %dma_start3A_101 = tpu.memref_slice %arg3[%add3A_99] : memref<320000xi32, #tpu.memory_space<hbm>> -> memref<128xi32, #tpu.memory_space<hbm>>
        tpu.enqueue_dma source(%dma_start3A_101 : memref<128xi32, #tpu.memory_space<hbm>>) target(%arg12 : memref<128xi32, #tpu.memory_space<vmem>>) target_semaphore(%arg22 : memref<!tpu.dma_semaphore, #tpu.memory_space<semaphore_mem>>)
      } else {
      }
      %mul3A_72 = arith.constant 3 : i32
      %mul3A_73 = arith.muli %scan3A_37, %mul3A_72 : i32
      %add3A_74 = arith.constant 2 : i32
      %add3A_75 = arith.addi %mul3A_73, %add3A_74 : i32
      %dma_wait3A_76 = arith.constant 0 : i32
      %dma_wait3A_77 = tpu.memref_slice %arg2[%dma_wait3A_76] : memref<320000xi32, #tpu.memory_space<hbm>> -> memref<128xi32, #tpu.memory_space<hbm>>
      %dma_wait3A_78 = arith.constant 0 : i32
      %dma_wait3A_79 = tpu.memref_slice %arg2[%dma_wait3A_78] : memref<320000xi32, #tpu.memory_space<hbm>> -> memref<128xi32, #tpu.memory_space<hbm>>
      tpu.wait_dma2 semaphore(%arg20 : memref<!tpu.dma_semaphore, #tpu.memory_space<semaphore_mem>>) src(%dma_wait3A_79 : memref<128xi32, #tpu.memory_space<hbm>>) dst(%arg10 : memref<128xi32, #tpu.memory_space<vmem>>)
      %dma_wait3A_80 = arith.constant 0 : i32
      %dma_wait3A_81 = tpu.memref_slice %arg3[%dma_wait3A_80] : memref<320000xi32, #tpu.memory_space<hbm>> -> memref<128xi32, #tpu.memory_space<hbm>>
      %dma_wait3A_82 = arith.constant 0 : i32
      %dma_wait3A_83 = tpu.memref_slice %arg3[%dma_wait3A_82] : memref<320000xi32, #tpu.memory_space<hbm>> -> memref<128xi32, #tpu.memory_space<hbm>>
      tpu.wait_dma2 semaphore(%arg23 : memref<!tpu.dma_semaphore, #tpu.memory_space<semaphore_mem>>) src(%dma_wait3A_83 : memref<128xi32, #tpu.memory_space<hbm>>) dst(%arg13 : memref<128xi32, #tpu.memory_space<vmem>>)
      "tpu.region"() ({
        %run_scoped3A = tpu.sem_alloc : memref<!tpu.dma_semaphore, #tpu.memory_space<semaphore_mem>>
        %dma_start3A_91 = arith.constant 0 : i32
        %dma_start3A_92 = tpu.memref_slice %arg24[%dma_start3A_91] : memref<10240xf32, #tpu.memory_space<vmem_shared>> -> memref<10240xf32, #tpu.memory_space<vmem_shared>>
        tpu.enqueue_indirect_dma source(%arg16 : memref<128xf32, #tpu.memory_space<vmem>>) target(%dma_start3A_92 : memref<10240xf32, #tpu.memory_space<vmem_shared>>) offsets(%arg10 : memref<128xi32, #tpu.memory_space<vmem>>) semaphore(%run_scoped3A : memref<!tpu.dma_semaphore, #tpu.memory_space<semaphore_mem>>) {add = true}
        %dma_wait3A_93 = arith.constant 0 : i32
        %dma_wait3A_94 = tpu.memref_slice %arg24[%dma_wait3A_93] : memref<10240xf32, #tpu.memory_space<vmem_shared>> -> memref<10240xf32, #tpu.memory_space<vmem_shared>>
        tpu.wait_indirect_dma semaphore(%run_scoped3A : memref<!tpu.dma_semaphore, #tpu.memory_space<semaphore_mem>>) src(%arg16 : memref<128xf32, #tpu.memory_space<vmem>>) dst(%dma_wait3A_94 : memref<10240xf32, #tpu.memory_space<vmem_shared>>)
        tpu.yield
      }) : () -> ()
      "tpu.region"() ({
        %run_scoped3A = tpu.sem_alloc : memref<!tpu.dma_semaphore, #tpu.memory_space<semaphore_mem>>
        %dma_start3A_91 = arith.constant 0 : i32
        %dma_start3A_92 = tpu.memref_slice %arg25[%dma_start3A_91] : memref<10240xf32, #tpu.memory_space<vmem_shared>> -> memref<10240xf32, #tpu.memory_space<vmem_shared>>
        tpu.enqueue_indirect_dma source(%arg16 : memref<128xf32, #tpu.memory_space<vmem>>) target(%dma_start3A_92 : memref<10240xf32, #tpu.memory_space<vmem_shared>>) offsets(%arg13 : memref<128xi32, #tpu.memory_space<vmem>>) semaphore(%run_scoped3A : memref<!tpu.dma_semaphore, #tpu.memory_space<semaphore_mem>>) {add = true}
        %dma_wait3A_93 = arith.constant 0 : i32
        %dma_wait3A_94 = tpu.memref_slice %arg25[%dma_wait3A_93] : memref<10240xf32, #tpu.memory_space<vmem_shared>> -> memref<10240xf32, #tpu.memory_space<vmem_shared>>
        tpu.wait_indirect_dma semaphore(%run_scoped3A : memref<!tpu.dma_semaphore, #tpu.memory_space<semaphore_mem>>) src(%arg16 : memref<128xf32, #tpu.memory_space<vmem>>) dst(%dma_wait3A_94 : memref<10240xf32, #tpu.memory_space<vmem_shared>>)
        tpu.yield
      }) : () -> ()
      %add3A_84 = arith.constant 3 : i32
      %add3A_85 = arith.addi %add3A_75, %add3A_84 : i32
      %lt3A_86 = arith.constant 78 : i32
      %lt3A_87 = arith.cmpi slt, %add3A_85, %lt3A_86 : i32
      %convert_element_type3A_88 = arith.extui %lt3A_87 : i1 to i32
      %cond3A_89 = arith.constant 0 : i32
      %cond3A_90 = arith.cmpi ne, %convert_element_type3A_88, %cond3A_89 : i32
      scf.if %cond3A_90 {
        %add3A_91 = arith.constant 3 : i32
        %add3A_92 = arith.addi %add3A_75, %add3A_91 : i32
        %mul3A_93 = arith.constant 128 : i32
        %mul3A_94 = arith.muli %add3A_92, %mul3A_93 : i32
        %multiple_of3A_95 = tpu.assume_multiple %mul3A_94, 128 : i32
        %add3A_96 = arith.addi %mul3A_2, %multiple_of3A_95 : i32
        %dma_start3A_97 = tpu.memref_slice %arg2[%add3A_96] : memref<320000xi32, #tpu.memory_space<hbm>> -> memref<128xi32, #tpu.memory_space<hbm>>
        %dma_start3A_98 = tpu.memref_slice %arg2[%add3A_96] : memref<320000xi32, #tpu.memory_space<hbm>> -> memref<128xi32, #tpu.memory_space<hbm>>
        tpu.enqueue_dma source(%dma_start3A_98 : memref<128xi32, #tpu.memory_space<hbm>>) target(%arg10 : memref<128xi32, #tpu.memory_space<vmem>>) target_semaphore(%arg20 : memref<!tpu.dma_semaphore, #tpu.memory_space<semaphore_mem>>)
        %add3A_99 = arith.addi %mul3A_2, %multiple_of3A_95 : i32
        %dma_start3A_100 = tpu.memref_slice %arg3[%add3A_99] : memref<320000xi32, #tpu.memory_space<hbm>> -> memref<128xi32, #tpu.memory_space<hbm>>
        %dma_start3A_101 = tpu.memref_slice %arg3[%add3A_99] : memref<320000xi32, #tpu.memory_space<hbm>> -> memref<128xi32, #tpu.memory_space<hbm>>
        tpu.enqueue_dma source(%dma_start3A_101 : memref<128xi32, #tpu.memory_space<hbm>>) target(%arg13 : memref<128xi32, #tpu.memory_space<vmem>>) target_semaphore(%arg23 : memref<!tpu.dma_semaphore, #tpu.memory_space<semaphore_mem>>)
      } else {
      }
    }
    %scan3A_31 = arith.constant 26 : i32
    %add3A_32 = arith.constant 9984 : i32
    %add3A_33 = arith.addi %mul3A_2, %add3A_32 : i32
    "tpu.region"() ({
      %run_scoped3A = tpu.sem_alloc : memref<!tpu.dma_semaphore, #tpu.memory_space<semaphore_mem>>
      %dma_start3A_37 = tpu.memref_slice %arg2[%add3A_33] : memref<320000xi32, #tpu.memory_space<hbm>> -> memref<16xi32, #tpu.memory_space<hbm>>
      %dma_start3A_38 = tpu.memref_slice %arg2[%add3A_33] : memref<320000xi32, #tpu.memory_space<hbm>> -> memref<16xi32, #tpu.memory_space<hbm>>
      tpu.enqueue_dma source(%dma_start3A_38 : memref<16xi32, #tpu.memory_space<hbm>>) target(%arg14 : memref<16xi32, #tpu.memory_space<vmem>>) target_semaphore(%run_scoped3A : memref<!tpu.dma_semaphore, #tpu.memory_space<semaphore_mem>>)
      %dma_wait3A = tpu.memref_slice %arg2[%add3A_33] : memref<320000xi32, #tpu.memory_space<hbm>> -> memref<16xi32, #tpu.memory_space<hbm>>
      %dma_wait3A_39 = tpu.memref_slice %arg2[%add3A_33] : memref<320000xi32, #tpu.memory_space<hbm>> -> memref<16xi32, #tpu.memory_space<hbm>>
      tpu.wait_dma2 semaphore(%run_scoped3A : memref<!tpu.dma_semaphore, #tpu.memory_space<semaphore_mem>>) src(%dma_wait3A_39 : memref<16xi32, #tpu.memory_space<hbm>>) dst(%arg14 : memref<16xi32, #tpu.memory_space<vmem>>)
      tpu.yield
    }) : () -> ()
    %add3A_34 = arith.constant 9984 : i32
    %add3A_35 = arith.addi %mul3A_2, %add3A_34 : i32
    "tpu.region"() ({
      %run_scoped3A = tpu.sem_alloc : memref<!tpu.dma_semaphore, #tpu.memory_space<semaphore_mem>>
      %dma_start3A_37 = tpu.memref_slice %arg3[%add3A_35] : memref<320000xi32, #tpu.memory_space<hbm>> -> memref<16xi32, #tpu.memory_space<hbm>>
      %dma_start3A_38 = tpu.memref_slice %arg3[%add3A_35] : memref<320000xi32, #tpu.memory_space<hbm>> -> memref<16xi32, #tpu.memory_space<hbm>>
      tpu.enqueue_dma source(%dma_start3A_38 : memref<16xi32, #tpu.memory_space<hbm>>) target(%arg15 : memref<16xi32, #tpu.memory_space<vmem>>) target_semaphore(%run_scoped3A : memref<!tpu.dma_semaphore, #tpu.memory_space<semaphore_mem>>)
      %dma_wait3A = tpu.memref_slice %arg3[%add3A_35] : memref<320000xi32, #tpu.memory_space<hbm>> -> memref<16xi32, #tpu.memory_space<hbm>>
      %dma_wait3A_39 = tpu.memref_slice %arg3[%add3A_35] : memref<320000xi32, #tpu.memory_space<hbm>> -> memref<16xi32, #tpu.memory_space<hbm>>
      tpu.wait_dma2 semaphore(%run_scoped3A : memref<!tpu.dma_semaphore, #tpu.memory_space<semaphore_mem>>) src(%dma_wait3A_39 : memref<16xi32, #tpu.memory_space<hbm>>) dst(%arg15 : memref<16xi32, #tpu.memory_space<vmem>>)
      tpu.yield
    }) : () -> ()
    "tpu.region"() ({
      %run_scoped3A = tpu.sem_alloc : memref<!tpu.dma_semaphore, #tpu.memory_space<semaphore_mem>>
      %dma_start3A_37 = arith.constant 0 : i32
      %dma_start3A_38 = tpu.memref_slice %arg24[%dma_start3A_37] : memref<10240xf32, #tpu.memory_space<vmem_shared>> -> memref<10240xf32, #tpu.memory_space<vmem_shared>>
      tpu.enqueue_indirect_dma source(%arg17 : memref<16xf32, #tpu.memory_space<vmem>>) target(%dma_start3A_38 : memref<10240xf32, #tpu.memory_space<vmem_shared>>) offsets(%arg14 : memref<16xi32, #tpu.memory_space<vmem>>) semaphore(%run_scoped3A : memref<!tpu.dma_semaphore, #tpu.memory_space<semaphore_mem>>) {add = true}
      %dma_wait3A = arith.constant 0 : i32
      %dma_wait3A_39 = tpu.memref_slice %arg24[%dma_wait3A] : memref<10240xf32, #tpu.memory_space<vmem_shared>> -> memref<10240xf32, #tpu.memory_space<vmem_shared>>
      tpu.wait_indirect_dma semaphore(%run_scoped3A : memref<!tpu.dma_semaphore, #tpu.memory_space<semaphore_mem>>) src(%arg17 : memref<16xf32, #tpu.memory_space<vmem>>) dst(%dma_wait3A_39 : memref<10240xf32, #tpu.memory_space<vmem_shared>>)
      tpu.yield
    }) : () -> ()
    "tpu.region"() ({
      %run_scoped3A = tpu.sem_alloc : memref<!tpu.dma_semaphore, #tpu.memory_space<semaphore_mem>>
      %dma_start3A_37 = arith.constant 0 : i32
      %dma_start3A_38 = tpu.memref_slice %arg25[%dma_start3A_37] : memref<10240xf32, #tpu.memory_space<vmem_shared>> -> memref<10240xf32, #tpu.memory_space<vmem_shared>>
      tpu.enqueue_indirect_dma source(%arg17 : memref<16xf32, #tpu.memory_space<vmem>>) target(%dma_start3A_38 : memref<10240xf32, #tpu.memory_space<vmem_shared>>) offsets(%arg15 : memref<16xi32, #tpu.memory_space<vmem>>) semaphore(%run_scoped3A : memref<!tpu.dma_semaphore, #tpu.memory_space<semaphore_mem>>) {add = true}
      %dma_wait3A = arith.constant 0 : i32
      %dma_wait3A_39 = tpu.memref_slice %arg25[%dma_wait3A] : memref<10240xf32, #tpu.memory_space<vmem_shared>> -> memref<10240xf32, #tpu.memory_space<vmem_shared>>
      tpu.wait_indirect_dma semaphore(%run_scoped3A : memref<!tpu.dma_semaphore, #tpu.memory_space<semaphore_mem>>) src(%arg17 : memref<16xf32, #tpu.memory_space<vmem>>) dst(%dma_wait3A_39 : memref<10240xf32, #tpu.memory_space<vmem_shared>>)
      tpu.yield
    }) : () -> ()
    %barrier3A_36 = arith.constant 0 : index
    tpu.barrier barrier_id(%barrier3A_36)
    "tpu.region"() ({
      %run_scoped3A = tpu.sem_alloc : memref<!tpu.dma_semaphore, #tpu.memory_space<semaphore_mem>>
      %dma_start3A_37 = tpu.memref_slice %arg6[%arg0, %mul3A_4] : memref<2x10240xf32, #tpu.memory_space<hbm>> -> memref<1x640xf32, #tpu.memory_space<hbm>>
      %dma_start3A_38 = tpu.memref_squeeze %dma_start3A_37 : memref<1x640xf32, #tpu.memory_space<hbm>> -> memref<640xf32, #tpu.memory_space<hbm>>
      %dma_start3A_39 = tpu.memref_slice %arg24[%mul3A_4] : memref<10240xf32, #tpu.memory_space<vmem_shared>> -> memref<640xf32, #tpu.memory_space<vmem_shared>>
      tpu.enqueue_dma source(%dma_start3A_39 : memref<640xf32, #tpu.memory_space<vmem_shared>>) target(%dma_start3A_38 : memref<640xf32, #tpu.memory_space<hbm>>) target_semaphore(%run_scoped3A : memref<!tpu.dma_semaphore, #tpu.memory_space<semaphore_mem>>)
      %dma_wait3A = tpu.memref_slice %arg6[%arg0, %mul3A_4] : memref<2x10240xf32, #tpu.memory_space<hbm>> -> memref<1x640xf32, #tpu.memory_space<hbm>>
      %dma_wait3A_40 = tpu.memref_squeeze %dma_wait3A : memref<1x640xf32, #tpu.memory_space<hbm>> -> memref<640xf32, #tpu.memory_space<hbm>>
      %dma_wait3A_41 = tpu.memref_slice %arg24[%mul3A_4] : memref<10240xf32, #tpu.memory_space<vmem_shared>> -> memref<640xf32, #tpu.memory_space<vmem_shared>>
      tpu.wait_dma2 semaphore(%run_scoped3A : memref<!tpu.dma_semaphore, #tpu.memory_space<semaphore_mem>>) src(%dma_wait3A_41 : memref<640xf32, #tpu.memory_space<vmem_shared>>) dst(%dma_wait3A_40 : memref<640xf32, #tpu.memory_space<hbm>>)
      tpu.yield
    }) : () -> ()
    "tpu.region"() ({
      %run_scoped3A = tpu.sem_alloc : memref<!tpu.dma_semaphore, #tpu.memory_space<semaphore_mem>>
      %dma_start3A_37 = tpu.memref_slice %arg7[%arg0, %mul3A_4] : memref<2x10240xf32, #tpu.memory_space<hbm>> -> memref<1x640xf32, #tpu.memory_space<hbm>>
      %dma_start3A_38 = tpu.memref_squeeze %dma_start3A_37 : memref<1x640xf32, #tpu.memory_space<hbm>> -> memref<640xf32, #tpu.memory_space<hbm>>
      %dma_start3A_39 = tpu.memref_slice %arg25[%mul3A_4] : memref<10240xf32, #tpu.memory_space<vmem_shared>> -> memref<640xf32, #tpu.memory_space<vmem_shared>>
      tpu.enqueue_dma source(%dma_start3A_39 : memref<640xf32, #tpu.memory_space<vmem_shared>>) target(%dma_start3A_38 : memref<640xf32, #tpu.memory_space<hbm>>) target_semaphore(%run_scoped3A : memref<!tpu.dma_semaphore, #tpu.memory_space<semaphore_mem>>)
      %dma_wait3A = tpu.memref_slice %arg7[%arg0, %mul3A_4] : memref<2x10240xf32, #tpu.memory_space<hbm>> -> memref<1x640xf32, #tpu.memory_space<hbm>>
      %dma_wait3A_40 = tpu.memref_squeeze %dma_wait3A : memref<1x640xf32, #tpu.memory_space<hbm>> -> memref<640xf32, #tpu.memory_space<hbm>>
      %dma_wait3A_41 = tpu.memref_slice %arg25[%mul3A_4] : memref<10240xf32, #tpu.memory_space<vmem_shared>> -> memref<640xf32, #tpu.memory_space<vmem_shared>>
      tpu.wait_dma2 semaphore(%run_scoped3A : memref<!tpu.dma_semaphore, #tpu.memory_space<semaphore_mem>>) src(%dma_wait3A_41 : memref<640xf32, #tpu.memory_space<vmem_shared>>) dst(%dma_wait3A_40 : memref<640xf32, #tpu.memory_space<hbm>>)
      tpu.yield
    }) : () -> ()
    return
  }
}

#map = affine_map<(d0, d1) -> (0, 0)>
#map1 = affine_map<(d0, d1) -> (0)>
#map2 = affine_map<(d0, d1) -> (0, 0, 0)>
module attributes {stable_mosaic.version = 14 : i64} {
  func.func @_msg_body(%arg0: i32, %arg1: i32, %arg2: memref<10000x128xf32, #tpu.memory_space<hbm>>, %arg3: memref<320000xi32, #tpu.memory_space<hbm>>, %arg4: memref<320000xi32, #tpu.memory_space<hbm>>, %arg5: memref<640x128xf32, #tpu.memory_space<hbm>>, %arg6: memref<2x10240x128xf32, #tpu.memory_space<hbm>>, %arg7: memref<10000xi32, #tpu.memory_space<vmem>>, %arg8: memref<80xi32, #tpu.memory_space<vmem>>, %arg9: memref<80xi32, #tpu.memory_space<vmem>>, %arg10: memref<80xi32, #tpu.memory_space<vmem>>, %arg11: memref<80x128xf32, #tpu.memory_space<vmem>>, %arg12: memref<80x128xf32, #tpu.memory_space<vmem>>, %arg13: memref<80x128xf32, #tpu.memory_space<vmem>>, %arg14: memref<!tpu.dma_semaphore, #tpu.memory_space<semaphore_mem>>, %arg15: memref<!tpu.dma_semaphore, #tpu.memory_space<semaphore_mem>>, %arg16: memref<!tpu.dma_semaphore, #tpu.memory_space<semaphore_mem>>, %arg17: memref<!tpu.dma_semaphore, #tpu.memory_space<semaphore_mem>>, %arg18: memref<!tpu.dma_semaphore, #tpu.memory_space<semaphore_mem>>, %arg19: memref<!tpu.dma_semaphore, #tpu.memory_space<semaphore_mem>>, %arg20: memref<!tpu.dma_semaphore, #tpu.memory_space<semaphore_mem>>, %arg21: memref<!tpu.dma_semaphore, #tpu.memory_space<semaphore_mem>>, %arg22: memref<10240x128xf32, #tpu.memory_space<vmem_shared>>) attributes {dimension_semantics = [#tpu.dimension_semantics<core_parallel>, #tpu.dimension_semantics<subcore_parallel>], iteration_bounds = array<i64: 2, 16>, scalar_prefetch = 0 : i64, scratch_operands = 16 : i64, tpu.core_type = #tpu.core_type<sc_vector_subcore>, window_params = [{transform_indices = #map}, {transform_indices = #map1}, {transform_indices = #map1}, {transform_indices = #map}, {transform_indices = #map2}]} {
    %mul3A = arith.constant 16 : i32
    %mul3A_0 = arith.muli %arg0, %mul3A : i32
    %add3A = arith.addi %mul3A_0, %arg1 : i32
    %mul3A_1 = arith.constant 10000 : i32
    %mul3A_2 = arith.muli %add3A, %mul3A_1 : i32
    %mul3A_3 = arith.constant 640 : i32
    %mul3A_4 = arith.muli %arg1, %mul3A_3 : i32
    %dma_start3A = arith.constant 0 : i32
    %dma_start3A_5 = tpu.memref_slice %arg22[%mul3A_4, %dma_start3A] : memref<10240x128xf32, #tpu.memory_space<vmem_shared>> -> memref<640x128xf32, #tpu.memory_space<vmem_shared>>
    tpu.enqueue_dma source(%arg5 : memref<640x128xf32, #tpu.memory_space<hbm>>) target(%dma_start3A_5 : memref<640x128xf32, #tpu.memory_space<vmem_shared>>) target_semaphore(%arg20 : memref<!tpu.dma_semaphore, #tpu.memory_space<semaphore_mem>>)
    %dma_start3A_6 = tpu.memref_slice %arg3[%mul3A_2] : memref<320000xi32, #tpu.memory_space<hbm>> -> memref<10000xi32, #tpu.memory_space<hbm>>
    %dma_start3A_7 = tpu.memref_slice %arg3[%mul3A_2] : memref<320000xi32, #tpu.memory_space<hbm>> -> memref<10000xi32, #tpu.memory_space<hbm>>
    tpu.enqueue_dma source(%dma_start3A_7 : memref<10000xi32, #tpu.memory_space<hbm>>) target(%arg7 : memref<10000xi32, #tpu.memory_space<vmem>>) target_semaphore(%arg21 : memref<!tpu.dma_semaphore, #tpu.memory_space<semaphore_mem>>)
    %multiple_of3A = arith.constant 0 : i32
    %multiple_of3A_8 = tpu.assume_multiple %multiple_of3A, 80 : i32
    %add3A_9 = arith.addi %mul3A_2, %multiple_of3A_8 : i32
    %dma_start3A_10 = tpu.memref_slice %arg4[%add3A_9] : memref<320000xi32, #tpu.memory_space<hbm>> -> memref<80xi32, #tpu.memory_space<hbm>>
    %dma_start3A_11 = tpu.memref_slice %arg4[%add3A_9] : memref<320000xi32, #tpu.memory_space<hbm>> -> memref<80xi32, #tpu.memory_space<hbm>>
    tpu.enqueue_dma source(%dma_start3A_11 : memref<80xi32, #tpu.memory_space<hbm>>) target(%arg8 : memref<80xi32, #tpu.memory_space<vmem>>) target_semaphore(%arg17 : memref<!tpu.dma_semaphore, #tpu.memory_space<semaphore_mem>>)
    %multiple_of3A_12 = arith.constant 80 : i32
    %multiple_of3A_13 = tpu.assume_multiple %multiple_of3A_12, 80 : i32
    %add3A_14 = arith.addi %mul3A_2, %multiple_of3A_13 : i32
    %dma_start3A_15 = tpu.memref_slice %arg4[%add3A_14] : memref<320000xi32, #tpu.memory_space<hbm>> -> memref<80xi32, #tpu.memory_space<hbm>>
    %dma_start3A_16 = tpu.memref_slice %arg4[%add3A_14] : memref<320000xi32, #tpu.memory_space<hbm>> -> memref<80xi32, #tpu.memory_space<hbm>>
    tpu.enqueue_dma source(%dma_start3A_16 : memref<80xi32, #tpu.memory_space<hbm>>) target(%arg9 : memref<80xi32, #tpu.memory_space<vmem>>) target_semaphore(%arg18 : memref<!tpu.dma_semaphore, #tpu.memory_space<semaphore_mem>>)
    %multiple_of3A_17 = arith.constant 160 : i32
    %multiple_of3A_18 = tpu.assume_multiple %multiple_of3A_17, 80 : i32
    %add3A_19 = arith.addi %mul3A_2, %multiple_of3A_18 : i32
    %dma_start3A_20 = tpu.memref_slice %arg4[%add3A_19] : memref<320000xi32, #tpu.memory_space<hbm>> -> memref<80xi32, #tpu.memory_space<hbm>>
    %dma_start3A_21 = tpu.memref_slice %arg4[%add3A_19] : memref<320000xi32, #tpu.memory_space<hbm>> -> memref<80xi32, #tpu.memory_space<hbm>>
    tpu.enqueue_dma source(%dma_start3A_21 : memref<80xi32, #tpu.memory_space<hbm>>) target(%arg10 : memref<80xi32, #tpu.memory_space<vmem>>) target_semaphore(%arg19 : memref<!tpu.dma_semaphore, #tpu.memory_space<semaphore_mem>>)
    %dma_wait3A = arith.constant 0 : i32
    %dma_wait3A_22 = tpu.memref_slice %arg3[%dma_wait3A] : memref<320000xi32, #tpu.memory_space<hbm>> -> memref<10000xi32, #tpu.memory_space<hbm>>
    %dma_wait3A_23 = arith.constant 0 : i32
    %dma_wait3A_24 = tpu.memref_slice %arg3[%dma_wait3A_23] : memref<320000xi32, #tpu.memory_space<hbm>> -> memref<10000xi32, #tpu.memory_space<hbm>>
    tpu.wait_dma2 semaphore(%arg21 : memref<!tpu.dma_semaphore, #tpu.memory_space<semaphore_mem>>) src(%dma_wait3A_24 : memref<10000xi32, #tpu.memory_space<hbm>>) dst(%arg7 : memref<10000xi32, #tpu.memory_space<vmem>>)
    %multiple_of3A_25 = arith.constant 0 : i32
    %multiple_of3A_26 = tpu.assume_multiple %multiple_of3A_25, 80 : i32
    %dma_start3A_27 = tpu.memref_slice %arg7[%multiple_of3A_26] : memref<10000xi32, #tpu.memory_space<vmem>> -> memref<80xi32, #tpu.memory_space<vmem>>
    %dma_start3A_28 = arith.constant 0 : i32
    %dma_start3A_29 = arith.constant 0 : i32
    %dma_start3A_30 = tpu.memref_slice %arg2[%dma_start3A_28, %dma_start3A_29] : memref<10000x128xf32, #tpu.memory_space<hbm>> -> memref<10000x128xf32, #tpu.memory_space<hbm>>
    tpu.enqueue_indirect_dma source(%dma_start3A_30 : memref<10000x128xf32, #tpu.memory_space<hbm>>) target(%arg11 : memref<80x128xf32, #tpu.memory_space<vmem>>) offsets(%dma_start3A_27 : memref<80xi32, #tpu.memory_space<vmem>>) semaphore(%arg14 : memref<!tpu.dma_semaphore, #tpu.memory_space<semaphore_mem>>)
    %multiple_of3A_31 = arith.constant 80 : i32
    %multiple_of3A_32 = tpu.assume_multiple %multiple_of3A_31, 80 : i32
    %dma_start3A_33 = tpu.memref_slice %arg7[%multiple_of3A_32] : memref<10000xi32, #tpu.memory_space<vmem>> -> memref<80xi32, #tpu.memory_space<vmem>>
    %dma_start3A_34 = arith.constant 0 : i32
    %dma_start3A_35 = arith.constant 0 : i32
    %dma_start3A_36 = tpu.memref_slice %arg2[%dma_start3A_34, %dma_start3A_35] : memref<10000x128xf32, #tpu.memory_space<hbm>> -> memref<10000x128xf32, #tpu.memory_space<hbm>>
    tpu.enqueue_indirect_dma source(%dma_start3A_36 : memref<10000x128xf32, #tpu.memory_space<hbm>>) target(%arg12 : memref<80x128xf32, #tpu.memory_space<vmem>>) offsets(%dma_start3A_33 : memref<80xi32, #tpu.memory_space<vmem>>) semaphore(%arg15 : memref<!tpu.dma_semaphore, #tpu.memory_space<semaphore_mem>>)
    %multiple_of3A_37 = arith.constant 160 : i32
    %multiple_of3A_38 = tpu.assume_multiple %multiple_of3A_37, 80 : i32
    %dma_start3A_39 = tpu.memref_slice %arg7[%multiple_of3A_38] : memref<10000xi32, #tpu.memory_space<vmem>> -> memref<80xi32, #tpu.memory_space<vmem>>
    %dma_start3A_40 = arith.constant 0 : i32
    %dma_start3A_41 = arith.constant 0 : i32
    %dma_start3A_42 = tpu.memref_slice %arg2[%dma_start3A_40, %dma_start3A_41] : memref<10000x128xf32, #tpu.memory_space<hbm>> -> memref<10000x128xf32, #tpu.memory_space<hbm>>
    tpu.enqueue_indirect_dma source(%dma_start3A_42 : memref<10000x128xf32, #tpu.memory_space<hbm>>) target(%arg13 : memref<80x128xf32, #tpu.memory_space<vmem>>) offsets(%dma_start3A_39 : memref<80xi32, #tpu.memory_space<vmem>>) semaphore(%arg16 : memref<!tpu.dma_semaphore, #tpu.memory_space<semaphore_mem>>)
    %dma_wait3A_43 = arith.constant 0 : i32
    %dma_wait3A_44 = tpu.memref_slice %arg22[%mul3A_4, %dma_wait3A_43] : memref<10240x128xf32, #tpu.memory_space<vmem_shared>> -> memref<640x128xf32, #tpu.memory_space<vmem_shared>>
    tpu.wait_dma2 semaphore(%arg20 : memref<!tpu.dma_semaphore, #tpu.memory_space<semaphore_mem>>) src(%arg5 : memref<640x128xf32, #tpu.memory_space<hbm>>) dst(%dma_wait3A_44 : memref<640x128xf32, #tpu.memory_space<vmem_shared>>)
    %barrier3A = arith.constant 0 : index
    tpu.barrier barrier_id(%barrier3A)
    %scan3A = arith.constant 0 : i32
    %scan3A_45 = arith.constant 0 : i32
    %scan3A_46 = arith.constant 41 : i32
    %scan3A_47 = arith.addi %scan3A_45, %scan3A_46 : i32
    %scan3A_48 = arith.constant 1 : i32
    scf.for %scan3A_71 = %scan3A_45 to %scan3A_47 step %scan3A_48  : i32 {
      %mul3A_72 = arith.constant 3 : i32
      %mul3A_73 = arith.muli %scan3A_71, %mul3A_72 : i32
      %add3A_74 = arith.constant 0 : i32
      %add3A_75 = arith.addi %mul3A_73, %add3A_74 : i32
      %dma_wait3A_76 = arith.constant 0 : i32
      %dma_wait3A_77 = tpu.memref_slice %arg4[%dma_wait3A_76] : memref<320000xi32, #tpu.memory_space<hbm>> -> memref<80xi32, #tpu.memory_space<hbm>>
      %dma_wait3A_78 = arith.constant 0 : i32
      %dma_wait3A_79 = tpu.memref_slice %arg4[%dma_wait3A_78] : memref<320000xi32, #tpu.memory_space<hbm>> -> memref<80xi32, #tpu.memory_space<hbm>>
      tpu.wait_dma2 semaphore(%arg17 : memref<!tpu.dma_semaphore, #tpu.memory_space<semaphore_mem>>) src(%dma_wait3A_79 : memref<80xi32, #tpu.memory_space<hbm>>) dst(%arg8 : memref<80xi32, #tpu.memory_space<vmem>>)
      %dma_wait3A_80 = arith.constant 0 : i32
      %dma_wait3A_81 = arith.constant 0 : i32
      %dma_wait3A_82 = tpu.memref_slice %arg2[%dma_wait3A_80, %dma_wait3A_81] : memref<10000x128xf32, #tpu.memory_space<hbm>> -> memref<80x128xf32, #tpu.memory_space<hbm>>
      %dma_wait3A_83 = arith.constant 0 : i32
      %dma_wait3A_84 = arith.constant 0 : i32
      %dma_wait3A_85 = tpu.memref_slice %arg2[%dma_wait3A_83, %dma_wait3A_84] : memref<10000x128xf32, #tpu.memory_space<hbm>> -> memref<80x128xf32, #tpu.memory_space<hbm>>
      tpu.wait_dma2 semaphore(%arg14 : memref<!tpu.dma_semaphore, #tpu.memory_space<semaphore_mem>>) src(%dma_wait3A_85 : memref<80x128xf32, #tpu.memory_space<hbm>>) dst(%arg11 : memref<80x128xf32, #tpu.memory_space<vmem>>)
      "tpu.region"() ({
        %run_scoped3A = tpu.sem_alloc : memref<!tpu.dma_semaphore, #tpu.memory_space<semaphore_mem>>
        %dma_start3A_132 = arith.constant 0 : i32
        %dma_start3A_133 = arith.constant 0 : i32
        %dma_start3A_134 = tpu.memref_slice %arg22[%dma_start3A_132, %dma_start3A_133] : memref<10240x128xf32, #tpu.memory_space<vmem_shared>> -> memref<10240x128xf32, #tpu.memory_space<vmem_shared>>
        tpu.enqueue_indirect_dma source(%arg11 : memref<80x128xf32, #tpu.memory_space<vmem>>) target(%dma_start3A_134 : memref<10240x128xf32, #tpu.memory_space<vmem_shared>>) offsets(%arg8 : memref<80xi32, #tpu.memory_space<vmem>>) semaphore(%run_scoped3A : memref<!tpu.dma_semaphore, #tpu.memory_space<semaphore_mem>>) {add = true}
        %dma_wait3A_135 = arith.constant 0 : i32
        %dma_wait3A_136 = arith.constant 0 : i32
        %dma_wait3A_137 = tpu.memref_slice %arg22[%dma_wait3A_135, %dma_wait3A_136] : memref<10240x128xf32, #tpu.memory_space<vmem_shared>> -> memref<10240x128xf32, #tpu.memory_space<vmem_shared>>
        tpu.wait_indirect_dma semaphore(%run_scoped3A : memref<!tpu.dma_semaphore, #tpu.memory_space<semaphore_mem>>) src(%arg11 : memref<80x128xf32, #tpu.memory_space<vmem>>) dst(%dma_wait3A_137 : memref<10240x128xf32, #tpu.memory_space<vmem_shared>>)
        tpu.yield
      }) : () -> ()
      %add3A_86 = arith.constant 3 : i32
      %add3A_87 = arith.addi %add3A_75, %add3A_86 : i32
      %lt3A = arith.constant 125 : i32
      %lt3A_88 = arith.cmpi slt, %add3A_87, %lt3A : i32
      %convert_element_type3A = arith.extui %lt3A_88 : i1 to i32
      %cond3A = arith.constant 0 : i32
      %cond3A_89 = arith.cmpi ne, %convert_element_type3A, %cond3A : i32
      scf.if %cond3A_89 {
        %add3A_132 = arith.constant 3 : i32
        %add3A_133 = arith.addi %add3A_75, %add3A_132 : i32
        %mul3A_134 = arith.constant 80 : i32
        %mul3A_135 = arith.muli %add3A_133, %mul3A_134 : i32
        %multiple_of3A_136 = tpu.assume_multiple %mul3A_135, 80 : i32
        %add3A_137 = arith.addi %mul3A_2, %multiple_of3A_136 : i32
        %dma_start3A_138 = tpu.memref_slice %arg4[%add3A_137] : memref<320000xi32, #tpu.memory_space<hbm>> -> memref<80xi32, #tpu.memory_space<hbm>>
        %dma_start3A_139 = tpu.memref_slice %arg4[%add3A_137] : memref<320000xi32, #tpu.memory_space<hbm>> -> memref<80xi32, #tpu.memory_space<hbm>>
        tpu.enqueue_dma source(%dma_start3A_139 : memref<80xi32, #tpu.memory_space<hbm>>) target(%arg8 : memref<80xi32, #tpu.memory_space<vmem>>) target_semaphore(%arg17 : memref<!tpu.dma_semaphore, #tpu.memory_space<semaphore_mem>>)
        %dma_start3A_140 = tpu.memref_slice %arg7[%multiple_of3A_136] : memref<10000xi32, #tpu.memory_space<vmem>> -> memref<80xi32, #tpu.memory_space<vmem>>
        %dma_start3A_141 = arith.constant 0 : i32
        %dma_start3A_142 = arith.constant 0 : i32
        %dma_start3A_143 = tpu.memref_slice %arg2[%dma_start3A_141, %dma_start3A_142] : memref<10000x128xf32, #tpu.memory_space<hbm>> -> memref<10000x128xf32, #tpu.memory_space<hbm>>
        tpu.enqueue_indirect_dma source(%dma_start3A_143 : memref<10000x128xf32, #tpu.memory_space<hbm>>) target(%arg11 : memref<80x128xf32, #tpu.memory_space<vmem>>) offsets(%dma_start3A_140 : memref<80xi32, #tpu.memory_space<vmem>>) semaphore(%arg14 : memref<!tpu.dma_semaphore, #tpu.memory_space<semaphore_mem>>)
      } else {
      }
      %mul3A_90 = arith.constant 3 : i32
      %mul3A_91 = arith.muli %scan3A_71, %mul3A_90 : i32
      %add3A_92 = arith.constant 1 : i32
      %add3A_93 = arith.addi %mul3A_91, %add3A_92 : i32
      %dma_wait3A_94 = arith.constant 0 : i32
      %dma_wait3A_95 = tpu.memref_slice %arg4[%dma_wait3A_94] : memref<320000xi32, #tpu.memory_space<hbm>> -> memref<80xi32, #tpu.memory_space<hbm>>
      %dma_wait3A_96 = arith.constant 0 : i32
      %dma_wait3A_97 = tpu.memref_slice %arg4[%dma_wait3A_96] : memref<320000xi32, #tpu.memory_space<hbm>> -> memref<80xi32, #tpu.memory_space<hbm>>
      tpu.wait_dma2 semaphore(%arg18 : memref<!tpu.dma_semaphore, #tpu.memory_space<semaphore_mem>>) src(%dma_wait3A_97 : memref<80xi32, #tpu.memory_space<hbm>>) dst(%arg9 : memref<80xi32, #tpu.memory_space<vmem>>)
      %dma_wait3A_98 = arith.constant 0 : i32
      %dma_wait3A_99 = arith.constant 0 : i32
      %dma_wait3A_100 = tpu.memref_slice %arg2[%dma_wait3A_98, %dma_wait3A_99] : memref<10000x128xf32, #tpu.memory_space<hbm>> -> memref<80x128xf32, #tpu.memory_space<hbm>>
      %dma_wait3A_101 = arith.constant 0 : i32
      %dma_wait3A_102 = arith.constant 0 : i32
      %dma_wait3A_103 = tpu.memref_slice %arg2[%dma_wait3A_101, %dma_wait3A_102] : memref<10000x128xf32, #tpu.memory_space<hbm>> -> memref<80x128xf32, #tpu.memory_space<hbm>>
      tpu.wait_dma2 semaphore(%arg15 : memref<!tpu.dma_semaphore, #tpu.memory_space<semaphore_mem>>) src(%dma_wait3A_103 : memref<80x128xf32, #tpu.memory_space<hbm>>) dst(%arg12 : memref<80x128xf32, #tpu.memory_space<vmem>>)
      "tpu.region"() ({
        %run_scoped3A = tpu.sem_alloc : memref<!tpu.dma_semaphore, #tpu.memory_space<semaphore_mem>>
        %dma_start3A_132 = arith.constant 0 : i32
        %dma_start3A_133 = arith.constant 0 : i32
        %dma_start3A_134 = tpu.memref_slice %arg22[%dma_start3A_132, %dma_start3A_133] : memref<10240x128xf32, #tpu.memory_space<vmem_shared>> -> memref<10240x128xf32, #tpu.memory_space<vmem_shared>>
        tpu.enqueue_indirect_dma source(%arg12 : memref<80x128xf32, #tpu.memory_space<vmem>>) target(%dma_start3A_134 : memref<10240x128xf32, #tpu.memory_space<vmem_shared>>) offsets(%arg9 : memref<80xi32, #tpu.memory_space<vmem>>) semaphore(%run_scoped3A : memref<!tpu.dma_semaphore, #tpu.memory_space<semaphore_mem>>) {add = true}
        %dma_wait3A_135 = arith.constant 0 : i32
        %dma_wait3A_136 = arith.constant 0 : i32
        %dma_wait3A_137 = tpu.memref_slice %arg22[%dma_wait3A_135, %dma_wait3A_136] : memref<10240x128xf32, #tpu.memory_space<vmem_shared>> -> memref<10240x128xf32, #tpu.memory_space<vmem_shared>>
        tpu.wait_indirect_dma semaphore(%run_scoped3A : memref<!tpu.dma_semaphore, #tpu.memory_space<semaphore_mem>>) src(%arg12 : memref<80x128xf32, #tpu.memory_space<vmem>>) dst(%dma_wait3A_137 : memref<10240x128xf32, #tpu.memory_space<vmem_shared>>)
        tpu.yield
      }) : () -> ()
      %add3A_104 = arith.constant 3 : i32
      %add3A_105 = arith.addi %add3A_93, %add3A_104 : i32
      %lt3A_106 = arith.constant 125 : i32
      %lt3A_107 = arith.cmpi slt, %add3A_105, %lt3A_106 : i32
      %convert_element_type3A_108 = arith.extui %lt3A_107 : i1 to i32
      %cond3A_109 = arith.constant 0 : i32
      %cond3A_110 = arith.cmpi ne, %convert_element_type3A_108, %cond3A_109 : i32
      scf.if %cond3A_110 {
        %add3A_132 = arith.constant 3 : i32
        %add3A_133 = arith.addi %add3A_93, %add3A_132 : i32
        %mul3A_134 = arith.constant 80 : i32
        %mul3A_135 = arith.muli %add3A_133, %mul3A_134 : i32
        %multiple_of3A_136 = tpu.assume_multiple %mul3A_135, 80 : i32
        %add3A_137 = arith.addi %mul3A_2, %multiple_of3A_136 : i32
        %dma_start3A_138 = tpu.memref_slice %arg4[%add3A_137] : memref<320000xi32, #tpu.memory_space<hbm>> -> memref<80xi32, #tpu.memory_space<hbm>>
        %dma_start3A_139 = tpu.memref_slice %arg4[%add3A_137] : memref<320000xi32, #tpu.memory_space<hbm>> -> memref<80xi32, #tpu.memory_space<hbm>>
        tpu.enqueue_dma source(%dma_start3A_139 : memref<80xi32, #tpu.memory_space<hbm>>) target(%arg9 : memref<80xi32, #tpu.memory_space<vmem>>) target_semaphore(%arg18 : memref<!tpu.dma_semaphore, #tpu.memory_space<semaphore_mem>>)
        %dma_start3A_140 = tpu.memref_slice %arg7[%multiple_of3A_136] : memref<10000xi32, #tpu.memory_space<vmem>> -> memref<80xi32, #tpu.memory_space<vmem>>
        %dma_start3A_141 = arith.constant 0 : i32
        %dma_start3A_142 = arith.constant 0 : i32
        %dma_start3A_143 = tpu.memref_slice %arg2[%dma_start3A_141, %dma_start3A_142] : memref<10000x128xf32, #tpu.memory_space<hbm>> -> memref<10000x128xf32, #tpu.memory_space<hbm>>
        tpu.enqueue_indirect_dma source(%dma_start3A_143 : memref<10000x128xf32, #tpu.memory_space<hbm>>) target(%arg12 : memref<80x128xf32, #tpu.memory_space<vmem>>) offsets(%dma_start3A_140 : memref<80xi32, #tpu.memory_space<vmem>>) semaphore(%arg15 : memref<!tpu.dma_semaphore, #tpu.memory_space<semaphore_mem>>)
      } else {
      }
      %mul3A_111 = arith.constant 3 : i32
      %mul3A_112 = arith.muli %scan3A_71, %mul3A_111 : i32
      %add3A_113 = arith.constant 2 : i32
      %add3A_114 = arith.addi %mul3A_112, %add3A_113 : i32
      %dma_wait3A_115 = arith.constant 0 : i32
      %dma_wait3A_116 = tpu.memref_slice %arg4[%dma_wait3A_115] : memref<320000xi32, #tpu.memory_space<hbm>> -> memref<80xi32, #tpu.memory_space<hbm>>
      %dma_wait3A_117 = arith.constant 0 : i32
      %dma_wait3A_118 = tpu.memref_slice %arg4[%dma_wait3A_117] : memref<320000xi32, #tpu.memory_space<hbm>> -> memref<80xi32, #tpu.memory_space<hbm>>
      tpu.wait_dma2 semaphore(%arg19 : memref<!tpu.dma_semaphore, #tpu.memory_space<semaphore_mem>>) src(%dma_wait3A_118 : memref<80xi32, #tpu.memory_space<hbm>>) dst(%arg10 : memref<80xi32, #tpu.memory_space<vmem>>)
      %dma_wait3A_119 = arith.constant 0 : i32
      %dma_wait3A_120 = arith.constant 0 : i32
      %dma_wait3A_121 = tpu.memref_slice %arg2[%dma_wait3A_119, %dma_wait3A_120] : memref<10000x128xf32, #tpu.memory_space<hbm>> -> memref<80x128xf32, #tpu.memory_space<hbm>>
      %dma_wait3A_122 = arith.constant 0 : i32
      %dma_wait3A_123 = arith.constant 0 : i32
      %dma_wait3A_124 = tpu.memref_slice %arg2[%dma_wait3A_122, %dma_wait3A_123] : memref<10000x128xf32, #tpu.memory_space<hbm>> -> memref<80x128xf32, #tpu.memory_space<hbm>>
      tpu.wait_dma2 semaphore(%arg16 : memref<!tpu.dma_semaphore, #tpu.memory_space<semaphore_mem>>) src(%dma_wait3A_124 : memref<80x128xf32, #tpu.memory_space<hbm>>) dst(%arg13 : memref<80x128xf32, #tpu.memory_space<vmem>>)
      "tpu.region"() ({
        %run_scoped3A = tpu.sem_alloc : memref<!tpu.dma_semaphore, #tpu.memory_space<semaphore_mem>>
        %dma_start3A_132 = arith.constant 0 : i32
        %dma_start3A_133 = arith.constant 0 : i32
        %dma_start3A_134 = tpu.memref_slice %arg22[%dma_start3A_132, %dma_start3A_133] : memref<10240x128xf32, #tpu.memory_space<vmem_shared>> -> memref<10240x128xf32, #tpu.memory_space<vmem_shared>>
        tpu.enqueue_indirect_dma source(%arg13 : memref<80x128xf32, #tpu.memory_space<vmem>>) target(%dma_start3A_134 : memref<10240x128xf32, #tpu.memory_space<vmem_shared>>) offsets(%arg10 : memref<80xi32, #tpu.memory_space<vmem>>) semaphore(%run_scoped3A : memref<!tpu.dma_semaphore, #tpu.memory_space<semaphore_mem>>) {add = true}
        %dma_wait3A_135 = arith.constant 0 : i32
        %dma_wait3A_136 = arith.constant 0 : i32
        %dma_wait3A_137 = tpu.memref_slice %arg22[%dma_wait3A_135, %dma_wait3A_136] : memref<10240x128xf32, #tpu.memory_space<vmem_shared>> -> memref<10240x128xf32, #tpu.memory_space<vmem_shared>>
        tpu.wait_indirect_dma semaphore(%run_scoped3A : memref<!tpu.dma_semaphore, #tpu.memory_space<semaphore_mem>>) src(%arg13 : memref<80x128xf32, #tpu.memory_space<vmem>>) dst(%dma_wait3A_137 : memref<10240x128xf32, #tpu.memory_space<vmem_shared>>)
        tpu.yield
      }) : () -> ()
      %add3A_125 = arith.constant 3 : i32
      %add3A_126 = arith.addi %add3A_114, %add3A_125 : i32
      %lt3A_127 = arith.constant 125 : i32
      %lt3A_128 = arith.cmpi slt, %add3A_126, %lt3A_127 : i32
      %convert_element_type3A_129 = arith.extui %lt3A_128 : i1 to i32
      %cond3A_130 = arith.constant 0 : i32
      %cond3A_131 = arith.cmpi ne, %convert_element_type3A_129, %cond3A_130 : i32
      scf.if %cond3A_131 {
        %add3A_132 = arith.constant 3 : i32
        %add3A_133 = arith.addi %add3A_114, %add3A_132 : i32
        %mul3A_134 = arith.constant 80 : i32
        %mul3A_135 = arith.muli %add3A_133, %mul3A_134 : i32
        %multiple_of3A_136 = tpu.assume_multiple %mul3A_135, 80 : i32
        %add3A_137 = arith.addi %mul3A_2, %multiple_of3A_136 : i32
        %dma_start3A_138 = tpu.memref_slice %arg4[%add3A_137] : memref<320000xi32, #tpu.memory_space<hbm>> -> memref<80xi32, #tpu.memory_space<hbm>>
        %dma_start3A_139 = tpu.memref_slice %arg4[%add3A_137] : memref<320000xi32, #tpu.memory_space<hbm>> -> memref<80xi32, #tpu.memory_space<hbm>>
        tpu.enqueue_dma source(%dma_start3A_139 : memref<80xi32, #tpu.memory_space<hbm>>) target(%arg10 : memref<80xi32, #tpu.memory_space<vmem>>) target_semaphore(%arg19 : memref<!tpu.dma_semaphore, #tpu.memory_space<semaphore_mem>>)
        %dma_start3A_140 = tpu.memref_slice %arg7[%multiple_of3A_136] : memref<10000xi32, #tpu.memory_space<vmem>> -> memref<80xi32, #tpu.memory_space<vmem>>
        %dma_start3A_141 = arith.constant 0 : i32
        %dma_start3A_142 = arith.constant 0 : i32
        %dma_start3A_143 = tpu.memref_slice %arg2[%dma_start3A_141, %dma_start3A_142] : memref<10000x128xf32, #tpu.memory_space<hbm>> -> memref<10000x128xf32, #tpu.memory_space<hbm>>
        tpu.enqueue_indirect_dma source(%dma_start3A_143 : memref<10000x128xf32, #tpu.memory_space<hbm>>) target(%arg13 : memref<80x128xf32, #tpu.memory_space<vmem>>) offsets(%dma_start3A_140 : memref<80xi32, #tpu.memory_space<vmem>>) semaphore(%arg16 : memref<!tpu.dma_semaphore, #tpu.memory_space<semaphore_mem>>)
      } else {
      }
    }
    %scan3A_49 = arith.constant 41 : i32
    %dma_wait3A_50 = arith.constant 0 : i32
    %dma_wait3A_51 = tpu.memref_slice %arg4[%dma_wait3A_50] : memref<320000xi32, #tpu.memory_space<hbm>> -> memref<80xi32, #tpu.memory_space<hbm>>
    %dma_wait3A_52 = arith.constant 0 : i32
    %dma_wait3A_53 = tpu.memref_slice %arg4[%dma_wait3A_52] : memref<320000xi32, #tpu.memory_space<hbm>> -> memref<80xi32, #tpu.memory_space<hbm>>
    tpu.wait_dma2 semaphore(%arg17 : memref<!tpu.dma_semaphore, #tpu.memory_space<semaphore_mem>>) src(%dma_wait3A_53 : memref<80xi32, #tpu.memory_space<hbm>>) dst(%arg8 : memref<80xi32, #tpu.memory_space<vmem>>)
    %dma_wait3A_54 = arith.constant 0 : i32
    %dma_wait3A_55 = arith.constant 0 : i32
    %dma_wait3A_56 = tpu.memref_slice %arg2[%dma_wait3A_54, %dma_wait3A_55] : memref<10000x128xf32, #tpu.memory_space<hbm>> -> memref<80x128xf32, #tpu.memory_space<hbm>>
    %dma_wait3A_57 = arith.constant 0 : i32
    %dma_wait3A_58 = arith.constant 0 : i32
    %dma_wait3A_59 = tpu.memref_slice %arg2[%dma_wait3A_57, %dma_wait3A_58] : memref<10000x128xf32, #tpu.memory_space<hbm>> -> memref<80x128xf32, #tpu.memory_space<hbm>>
    tpu.wait_dma2 semaphore(%arg14 : memref<!tpu.dma_semaphore, #tpu.memory_space<semaphore_mem>>) src(%dma_wait3A_59 : memref<80x128xf32, #tpu.memory_space<hbm>>) dst(%arg11 : memref<80x128xf32, #tpu.memory_space<vmem>>)
    "tpu.region"() ({
      %run_scoped3A = tpu.sem_alloc : memref<!tpu.dma_semaphore, #tpu.memory_space<semaphore_mem>>
      %dma_start3A_71 = arith.constant 0 : i32
      %dma_start3A_72 = arith.constant 0 : i32
      %dma_start3A_73 = tpu.memref_slice %arg22[%dma_start3A_71, %dma_start3A_72] : memref<10240x128xf32, #tpu.memory_space<vmem_shared>> -> memref<10240x128xf32, #tpu.memory_space<vmem_shared>>
      tpu.enqueue_indirect_dma source(%arg11 : memref<80x128xf32, #tpu.memory_space<vmem>>) target(%dma_start3A_73 : memref<10240x128xf32, #tpu.memory_space<vmem_shared>>) offsets(%arg8 : memref<80xi32, #tpu.memory_space<vmem>>) semaphore(%run_scoped3A : memref<!tpu.dma_semaphore, #tpu.memory_space<semaphore_mem>>) {add = true}
      %dma_wait3A_74 = arith.constant 0 : i32
      %dma_wait3A_75 = arith.constant 0 : i32
      %dma_wait3A_76 = tpu.memref_slice %arg22[%dma_wait3A_74, %dma_wait3A_75] : memref<10240x128xf32, #tpu.memory_space<vmem_shared>> -> memref<10240x128xf32, #tpu.memory_space<vmem_shared>>
      tpu.wait_indirect_dma semaphore(%run_scoped3A : memref<!tpu.dma_semaphore, #tpu.memory_space<semaphore_mem>>) src(%arg11 : memref<80x128xf32, #tpu.memory_space<vmem>>) dst(%dma_wait3A_76 : memref<10240x128xf32, #tpu.memory_space<vmem_shared>>)
      tpu.yield
    }) : () -> ()
    %dma_wait3A_60 = arith.constant 0 : i32
    %dma_wait3A_61 = tpu.memref_slice %arg4[%dma_wait3A_60] : memref<320000xi32, #tpu.memory_space<hbm>> -> memref<80xi32, #tpu.memory_space<hbm>>
    %dma_wait3A_62 = arith.constant 0 : i32
    %dma_wait3A_63 = tpu.memref_slice %arg4[%dma_wait3A_62] : memref<320000xi32, #tpu.memory_space<hbm>> -> memref<80xi32, #tpu.memory_space<hbm>>
    tpu.wait_dma2 semaphore(%arg18 : memref<!tpu.dma_semaphore, #tpu.memory_space<semaphore_mem>>) src(%dma_wait3A_63 : memref<80xi32, #tpu.memory_space<hbm>>) dst(%arg9 : memref<80xi32, #tpu.memory_space<vmem>>)
    %dma_wait3A_64 = arith.constant 0 : i32
    %dma_wait3A_65 = arith.constant 0 : i32
    %dma_wait3A_66 = tpu.memref_slice %arg2[%dma_wait3A_64, %dma_wait3A_65] : memref<10000x128xf32, #tpu.memory_space<hbm>> -> memref<80x128xf32, #tpu.memory_space<hbm>>
    %dma_wait3A_67 = arith.constant 0 : i32
    %dma_wait3A_68 = arith.constant 0 : i32
    %dma_wait3A_69 = tpu.memref_slice %arg2[%dma_wait3A_67, %dma_wait3A_68] : memref<10000x128xf32, #tpu.memory_space<hbm>> -> memref<80x128xf32, #tpu.memory_space<hbm>>
    tpu.wait_dma2 semaphore(%arg15 : memref<!tpu.dma_semaphore, #tpu.memory_space<semaphore_mem>>) src(%dma_wait3A_69 : memref<80x128xf32, #tpu.memory_space<hbm>>) dst(%arg12 : memref<80x128xf32, #tpu.memory_space<vmem>>)
    "tpu.region"() ({
      %run_scoped3A = tpu.sem_alloc : memref<!tpu.dma_semaphore, #tpu.memory_space<semaphore_mem>>
      %dma_start3A_71 = arith.constant 0 : i32
      %dma_start3A_72 = arith.constant 0 : i32
      %dma_start3A_73 = tpu.memref_slice %arg22[%dma_start3A_71, %dma_start3A_72] : memref<10240x128xf32, #tpu.memory_space<vmem_shared>> -> memref<10240x128xf32, #tpu.memory_space<vmem_shared>>
      tpu.enqueue_indirect_dma source(%arg12 : memref<80x128xf32, #tpu.memory_space<vmem>>) target(%dma_start3A_73 : memref<10240x128xf32, #tpu.memory_space<vmem_shared>>) offsets(%arg9 : memref<80xi32, #tpu.memory_space<vmem>>) semaphore(%run_scoped3A : memref<!tpu.dma_semaphore, #tpu.memory_space<semaphore_mem>>) {add = true}
      %dma_wait3A_74 = arith.constant 0 : i32
      %dma_wait3A_75 = arith.constant 0 : i32
      %dma_wait3A_76 = tpu.memref_slice %arg22[%dma_wait3A_74, %dma_wait3A_75] : memref<10240x128xf32, #tpu.memory_space<vmem_shared>> -> memref<10240x128xf32, #tpu.memory_space<vmem_shared>>
      tpu.wait_indirect_dma semaphore(%run_scoped3A : memref<!tpu.dma_semaphore, #tpu.memory_space<semaphore_mem>>) src(%arg12 : memref<80x128xf32, #tpu.memory_space<vmem>>) dst(%dma_wait3A_76 : memref<10240x128xf32, #tpu.memory_space<vmem_shared>>)
      tpu.yield
    }) : () -> ()
    %barrier3A_70 = arith.constant 0 : index
    tpu.barrier barrier_id(%barrier3A_70)
    "tpu.region"() ({
      %run_scoped3A = tpu.sem_alloc : memref<!tpu.dma_semaphore, #tpu.memory_space<semaphore_mem>>
      %dma_start3A_71 = arith.constant 0 : i32
      %dma_start3A_72 = tpu.memref_slice %arg6[%arg0, %mul3A_4, %dma_start3A_71] : memref<2x10240x128xf32, #tpu.memory_space<hbm>> -> memref<1x640x128xf32, #tpu.memory_space<hbm>>
      %dma_start3A_73 = tpu.memref_squeeze %dma_start3A_72 : memref<1x640x128xf32, #tpu.memory_space<hbm>> -> memref<640x128xf32, #tpu.memory_space<hbm>>
      %dma_start3A_74 = arith.constant 0 : i32
      %dma_start3A_75 = tpu.memref_slice %arg22[%mul3A_4, %dma_start3A_74] : memref<10240x128xf32, #tpu.memory_space<vmem_shared>> -> memref<640x128xf32, #tpu.memory_space<vmem_shared>>
      tpu.enqueue_dma source(%dma_start3A_75 : memref<640x128xf32, #tpu.memory_space<vmem_shared>>) target(%dma_start3A_73 : memref<640x128xf32, #tpu.memory_space<hbm>>) target_semaphore(%run_scoped3A : memref<!tpu.dma_semaphore, #tpu.memory_space<semaphore_mem>>)
      %dma_wait3A_76 = arith.constant 0 : i32
      %dma_wait3A_77 = tpu.memref_slice %arg6[%arg0, %mul3A_4, %dma_wait3A_76] : memref<2x10240x128xf32, #tpu.memory_space<hbm>> -> memref<1x640x128xf32, #tpu.memory_space<hbm>>
      %dma_wait3A_78 = tpu.memref_squeeze %dma_wait3A_77 : memref<1x640x128xf32, #tpu.memory_space<hbm>> -> memref<640x128xf32, #tpu.memory_space<hbm>>
      %dma_wait3A_79 = arith.constant 0 : i32
      %dma_wait3A_80 = tpu.memref_slice %arg22[%mul3A_4, %dma_wait3A_79] : memref<10240x128xf32, #tpu.memory_space<vmem_shared>> -> memref<640x128xf32, #tpu.memory_space<vmem_shared>>
      tpu.wait_dma2 semaphore(%run_scoped3A : memref<!tpu.dma_semaphore, #tpu.memory_space<semaphore_mem>>) src(%dma_wait3A_80 : memref<640x128xf32, #tpu.memory_space<vmem_shared>>) dst(%dma_wait3A_78 : memref<640x128xf32, #tpu.memory_space<hbm>>)
      tpu.yield
    }) : () -> ()
    return
  }
}

#map = affine_map<(d0, d1) -> (0, 0)>
#map1 = affine_map<(d0, d1) -> (0)>
#map2 = affine_map<(d0, d1) -> (0, 0, 0)>
module attributes {stable_mosaic.version = 14 : i64} {
  func.func @_msg_body(%arg0: i32, %arg1: i32, %arg2: memref<10000x128xf32, #tpu.memory_space<hbm>>, %arg3: memref<320000xi32, #tpu.memory_space<hbm>>, %arg4: memref<320000xi32, #tpu.memory_space<hbm>>, %arg5: memref<640x128xf32, #tpu.memory_space<hbm>>, %arg6: memref<2x10240x128xf32, #tpu.memory_space<hbm>>, %arg7: memref<10000xi32, #tpu.memory_space<vmem>>, %arg8: memref<80xi32, #tpu.memory_space<vmem>>, %arg9: memref<80xi32, #tpu.memory_space<vmem>>, %arg10: memref<80xi32, #tpu.memory_space<vmem>>, %arg11: memref<80x128xf32, #tpu.memory_space<vmem>>, %arg12: memref<80x128xf32, #tpu.memory_space<vmem>>, %arg13: memref<80x128xf32, #tpu.memory_space<vmem>>, %arg14: memref<!tpu.dma_semaphore, #tpu.memory_space<semaphore_mem>>, %arg15: memref<!tpu.dma_semaphore, #tpu.memory_space<semaphore_mem>>, %arg16: memref<!tpu.dma_semaphore, #tpu.memory_space<semaphore_mem>>, %arg17: memref<!tpu.dma_semaphore, #tpu.memory_space<semaphore_mem>>, %arg18: memref<!tpu.dma_semaphore, #tpu.memory_space<semaphore_mem>>, %arg19: memref<!tpu.dma_semaphore, #tpu.memory_space<semaphore_mem>>, %arg20: memref<!tpu.dma_semaphore, #tpu.memory_space<semaphore_mem>>, %arg21: memref<!tpu.dma_semaphore, #tpu.memory_space<semaphore_mem>>, %arg22: memref<10240x128xf32, #tpu.memory_space<vmem_shared>>) attributes {dimension_semantics = [#tpu.dimension_semantics<core_parallel>, #tpu.dimension_semantics<subcore_parallel>], iteration_bounds = array<i64: 2, 16>, scalar_prefetch = 0 : i64, scratch_operands = 16 : i64, tpu.core_type = #tpu.core_type<sc_vector_subcore>, window_params = [{transform_indices = #map}, {transform_indices = #map1}, {transform_indices = #map1}, {transform_indices = #map}, {transform_indices = #map2}]} {
    %mul3A = arith.constant 16 : i32
    %mul3A_0 = arith.muli %arg0, %mul3A : i32
    %add3A = arith.addi %mul3A_0, %arg1 : i32
    %mul3A_1 = arith.constant 10000 : i32
    %mul3A_2 = arith.muli %add3A, %mul3A_1 : i32
    %mul3A_3 = arith.constant 640 : i32
    %mul3A_4 = arith.muli %arg1, %mul3A_3 : i32
    %dma_start3A = arith.constant 0 : i32
    %dma_start3A_5 = tpu.memref_slice %arg22[%mul3A_4, %dma_start3A] : memref<10240x128xf32, #tpu.memory_space<vmem_shared>> -> memref<640x128xf32, #tpu.memory_space<vmem_shared>>
    tpu.enqueue_dma source(%arg5 : memref<640x128xf32, #tpu.memory_space<hbm>>) target(%dma_start3A_5 : memref<640x128xf32, #tpu.memory_space<vmem_shared>>) target_semaphore(%arg20 : memref<!tpu.dma_semaphore, #tpu.memory_space<semaphore_mem>>)
    %dma_start3A_6 = tpu.memref_slice %arg3[%mul3A_2] : memref<320000xi32, #tpu.memory_space<hbm>> -> memref<10000xi32, #tpu.memory_space<hbm>>
    %dma_start3A_7 = tpu.memref_slice %arg3[%mul3A_2] : memref<320000xi32, #tpu.memory_space<hbm>> -> memref<10000xi32, #tpu.memory_space<hbm>>
    tpu.enqueue_dma source(%dma_start3A_7 : memref<10000xi32, #tpu.memory_space<hbm>>) target(%arg7 : memref<10000xi32, #tpu.memory_space<vmem>>) target_semaphore(%arg21 : memref<!tpu.dma_semaphore, #tpu.memory_space<semaphore_mem>>)
    %multiple_of3A = arith.constant 0 : i32
    %multiple_of3A_8 = tpu.assume_multiple %multiple_of3A, 80 : i32
    %add3A_9 = arith.addi %mul3A_2, %multiple_of3A_8 : i32
    %dma_start3A_10 = tpu.memref_slice %arg4[%add3A_9] : memref<320000xi32, #tpu.memory_space<hbm>> -> memref<80xi32, #tpu.memory_space<hbm>>
    %dma_start3A_11 = tpu.memref_slice %arg4[%add3A_9] : memref<320000xi32, #tpu.memory_space<hbm>> -> memref<80xi32, #tpu.memory_space<hbm>>
    tpu.enqueue_dma source(%dma_start3A_11 : memref<80xi32, #tpu.memory_space<hbm>>) target(%arg8 : memref<80xi32, #tpu.memory_space<vmem>>) target_semaphore(%arg17 : memref<!tpu.dma_semaphore, #tpu.memory_space<semaphore_mem>>)
    %multiple_of3A_12 = arith.constant 80 : i32
    %multiple_of3A_13 = tpu.assume_multiple %multiple_of3A_12, 80 : i32
    %add3A_14 = arith.addi %mul3A_2, %multiple_of3A_13 : i32
    %dma_start3A_15 = tpu.memref_slice %arg4[%add3A_14] : memref<320000xi32, #tpu.memory_space<hbm>> -> memref<80xi32, #tpu.memory_space<hbm>>
    %dma_start3A_16 = tpu.memref_slice %arg4[%add3A_14] : memref<320000xi32, #tpu.memory_space<hbm>> -> memref<80xi32, #tpu.memory_space<hbm>>
    tpu.enqueue_dma source(%dma_start3A_16 : memref<80xi32, #tpu.memory_space<hbm>>) target(%arg9 : memref<80xi32, #tpu.memory_space<vmem>>) target_semaphore(%arg18 : memref<!tpu.dma_semaphore, #tpu.memory_space<semaphore_mem>>)
    %multiple_of3A_17 = arith.constant 160 : i32
    %multiple_of3A_18 = tpu.assume_multiple %multiple_of3A_17, 80 : i32
    %add3A_19 = arith.addi %mul3A_2, %multiple_of3A_18 : i32
    %dma_start3A_20 = tpu.memref_slice %arg4[%add3A_19] : memref<320000xi32, #tpu.memory_space<hbm>> -> memref<80xi32, #tpu.memory_space<hbm>>
    %dma_start3A_21 = tpu.memref_slice %arg4[%add3A_19] : memref<320000xi32, #tpu.memory_space<hbm>> -> memref<80xi32, #tpu.memory_space<hbm>>
    tpu.enqueue_dma source(%dma_start3A_21 : memref<80xi32, #tpu.memory_space<hbm>>) target(%arg10 : memref<80xi32, #tpu.memory_space<vmem>>) target_semaphore(%arg19 : memref<!tpu.dma_semaphore, #tpu.memory_space<semaphore_mem>>)
    %dma_wait3A = arith.constant 0 : i32
    %dma_wait3A_22 = tpu.memref_slice %arg3[%dma_wait3A] : memref<320000xi32, #tpu.memory_space<hbm>> -> memref<10000xi32, #tpu.memory_space<hbm>>
    %dma_wait3A_23 = arith.constant 0 : i32
    %dma_wait3A_24 = tpu.memref_slice %arg3[%dma_wait3A_23] : memref<320000xi32, #tpu.memory_space<hbm>> -> memref<10000xi32, #tpu.memory_space<hbm>>
    tpu.wait_dma2 semaphore(%arg21 : memref<!tpu.dma_semaphore, #tpu.memory_space<semaphore_mem>>) src(%dma_wait3A_24 : memref<10000xi32, #tpu.memory_space<hbm>>) dst(%arg7 : memref<10000xi32, #tpu.memory_space<vmem>>)
    %multiple_of3A_25 = arith.constant 0 : i32
    %multiple_of3A_26 = tpu.assume_multiple %multiple_of3A_25, 80 : i32
    %dma_start3A_27 = tpu.memref_slice %arg7[%multiple_of3A_26] : memref<10000xi32, #tpu.memory_space<vmem>> -> memref<80xi32, #tpu.memory_space<vmem>>
    %dma_start3A_28 = arith.constant 0 : i32
    %dma_start3A_29 = arith.constant 0 : i32
    %dma_start3A_30 = tpu.memref_slice %arg2[%dma_start3A_28, %dma_start3A_29] : memref<10000x128xf32, #tpu.memory_space<hbm>> -> memref<10000x128xf32, #tpu.memory_space<hbm>>
    tpu.enqueue_indirect_dma source(%dma_start3A_30 : memref<10000x128xf32, #tpu.memory_space<hbm>>) target(%arg11 : memref<80x128xf32, #tpu.memory_space<vmem>>) offsets(%dma_start3A_27 : memref<80xi32, #tpu.memory_space<vmem>>) semaphore(%arg14 : memref<!tpu.dma_semaphore, #tpu.memory_space<semaphore_mem>>)
    %multiple_of3A_31 = arith.constant 80 : i32
    %multiple_of3A_32 = tpu.assume_multiple %multiple_of3A_31, 80 : i32
    %dma_start3A_33 = tpu.memref_slice %arg7[%multiple_of3A_32] : memref<10000xi32, #tpu.memory_space<vmem>> -> memref<80xi32, #tpu.memory_space<vmem>>
    %dma_start3A_34 = arith.constant 0 : i32
    %dma_start3A_35 = arith.constant 0 : i32
    %dma_start3A_36 = tpu.memref_slice %arg2[%dma_start3A_34, %dma_start3A_35] : memref<10000x128xf32, #tpu.memory_space<hbm>> -> memref<10000x128xf32, #tpu.memory_space<hbm>>
    tpu.enqueue_indirect_dma source(%dma_start3A_36 : memref<10000x128xf32, #tpu.memory_space<hbm>>) target(%arg12 : memref<80x128xf32, #tpu.memory_space<vmem>>) offsets(%dma_start3A_33 : memref<80xi32, #tpu.memory_space<vmem>>) semaphore(%arg15 : memref<!tpu.dma_semaphore, #tpu.memory_space<semaphore_mem>>)
    %multiple_of3A_37 = arith.constant 160 : i32
    %multiple_of3A_38 = tpu.assume_multiple %multiple_of3A_37, 80 : i32
    %dma_start3A_39 = tpu.memref_slice %arg7[%multiple_of3A_38] : memref<10000xi32, #tpu.memory_space<vmem>> -> memref<80xi32, #tpu.memory_space<vmem>>
    %dma_start3A_40 = arith.constant 0 : i32
    %dma_start3A_41 = arith.constant 0 : i32
    %dma_start3A_42 = tpu.memref_slice %arg2[%dma_start3A_40, %dma_start3A_41] : memref<10000x128xf32, #tpu.memory_space<hbm>> -> memref<10000x128xf32, #tpu.memory_space<hbm>>
    tpu.enqueue_indirect_dma source(%dma_start3A_42 : memref<10000x128xf32, #tpu.memory_space<hbm>>) target(%arg13 : memref<80x128xf32, #tpu.memory_space<vmem>>) offsets(%dma_start3A_39 : memref<80xi32, #tpu.memory_space<vmem>>) semaphore(%arg16 : memref<!tpu.dma_semaphore, #tpu.memory_space<semaphore_mem>>)
    %dma_wait3A_43 = arith.constant 0 : i32
    %dma_wait3A_44 = tpu.memref_slice %arg22[%mul3A_4, %dma_wait3A_43] : memref<10240x128xf32, #tpu.memory_space<vmem_shared>> -> memref<640x128xf32, #tpu.memory_space<vmem_shared>>
    tpu.wait_dma2 semaphore(%arg20 : memref<!tpu.dma_semaphore, #tpu.memory_space<semaphore_mem>>) src(%arg5 : memref<640x128xf32, #tpu.memory_space<hbm>>) dst(%dma_wait3A_44 : memref<640x128xf32, #tpu.memory_space<vmem_shared>>)
    %barrier3A = arith.constant 0 : index
    tpu.barrier barrier_id(%barrier3A)
    %scan3A = arith.constant 0 : i32
    %scan3A_45 = arith.constant 0 : i32
    %scan3A_46 = arith.constant 41 : i32
    %scan3A_47 = arith.addi %scan3A_45, %scan3A_46 : i32
    %scan3A_48 = arith.constant 1 : i32
    scf.for %scan3A_71 = %scan3A_45 to %scan3A_47 step %scan3A_48  : i32 {
      %mul3A_72 = arith.constant 3 : i32
      %mul3A_73 = arith.muli %scan3A_71, %mul3A_72 : i32
      %add3A_74 = arith.constant 0 : i32
      %add3A_75 = arith.addi %mul3A_73, %add3A_74 : i32
      %dma_wait3A_76 = arith.constant 0 : i32
      %dma_wait3A_77 = tpu.memref_slice %arg4[%dma_wait3A_76] : memref<320000xi32, #tpu.memory_space<hbm>> -> memref<80xi32, #tpu.memory_space<hbm>>
      %dma_wait3A_78 = arith.constant 0 : i32
      %dma_wait3A_79 = tpu.memref_slice %arg4[%dma_wait3A_78] : memref<320000xi32, #tpu.memory_space<hbm>> -> memref<80xi32, #tpu.memory_space<hbm>>
      tpu.wait_dma2 semaphore(%arg17 : memref<!tpu.dma_semaphore, #tpu.memory_space<semaphore_mem>>) src(%dma_wait3A_79 : memref<80xi32, #tpu.memory_space<hbm>>) dst(%arg8 : memref<80xi32, #tpu.memory_space<vmem>>)
      %dma_wait3A_80 = arith.constant 0 : i32
      %dma_wait3A_81 = arith.constant 0 : i32
      %dma_wait3A_82 = tpu.memref_slice %arg2[%dma_wait3A_80, %dma_wait3A_81] : memref<10000x128xf32, #tpu.memory_space<hbm>> -> memref<80x128xf32, #tpu.memory_space<hbm>>
      %dma_wait3A_83 = arith.constant 0 : i32
      %dma_wait3A_84 = arith.constant 0 : i32
      %dma_wait3A_85 = tpu.memref_slice %arg2[%dma_wait3A_83, %dma_wait3A_84] : memref<10000x128xf32, #tpu.memory_space<hbm>> -> memref<80x128xf32, #tpu.memory_space<hbm>>
      tpu.wait_dma2 semaphore(%arg14 : memref<!tpu.dma_semaphore, #tpu.memory_space<semaphore_mem>>) src(%dma_wait3A_85 : memref<80x128xf32, #tpu.memory_space<hbm>>) dst(%arg11 : memref<80x128xf32, #tpu.memory_space<vmem>>)
      "tpu.region"() ({
        %run_scoped3A = tpu.sem_alloc : memref<!tpu.dma_semaphore, #tpu.memory_space<semaphore_mem>>
        %dma_start3A_132 = arith.constant 0 : i32
        %dma_start3A_133 = arith.constant 0 : i32
        %dma_start3A_134 = tpu.memref_slice %arg22[%dma_start3A_132, %dma_start3A_133] : memref<10240x128xf32, #tpu.memory_space<vmem_shared>> -> memref<10240x128xf32, #tpu.memory_space<vmem_shared>>
        tpu.enqueue_indirect_dma source(%arg11 : memref<80x128xf32, #tpu.memory_space<vmem>>) target(%dma_start3A_134 : memref<10240x128xf32, #tpu.memory_space<vmem_shared>>) offsets(%arg8 : memref<80xi32, #tpu.memory_space<vmem>>) semaphore(%run_scoped3A : memref<!tpu.dma_semaphore, #tpu.memory_space<semaphore_mem>>) {add = true}
        %dma_wait3A_135 = arith.constant 0 : i32
        %dma_wait3A_136 = arith.constant 0 : i32
        %dma_wait3A_137 = tpu.memref_slice %arg22[%dma_wait3A_135, %dma_wait3A_136] : memref<10240x128xf32, #tpu.memory_space<vmem_shared>> -> memref<10240x128xf32, #tpu.memory_space<vmem_shared>>
        tpu.wait_indirect_dma semaphore(%run_scoped3A : memref<!tpu.dma_semaphore, #tpu.memory_space<semaphore_mem>>) src(%arg11 : memref<80x128xf32, #tpu.memory_space<vmem>>) dst(%dma_wait3A_137 : memref<10240x128xf32, #tpu.memory_space<vmem_shared>>)
        tpu.yield
      }) : () -> ()
      %add3A_86 = arith.constant 3 : i32
      %add3A_87 = arith.addi %add3A_75, %add3A_86 : i32
      %lt3A = arith.constant 125 : i32
      %lt3A_88 = arith.cmpi slt, %add3A_87, %lt3A : i32
      %convert_element_type3A = arith.extui %lt3A_88 : i1 to i32
      %cond3A = arith.constant 0 : i32
      %cond3A_89 = arith.cmpi ne, %convert_element_type3A, %cond3A : i32
      scf.if %cond3A_89 {
        %add3A_132 = arith.constant 3 : i32
        %add3A_133 = arith.addi %add3A_75, %add3A_132 : i32
        %mul3A_134 = arith.constant 80 : i32
        %mul3A_135 = arith.muli %add3A_133, %mul3A_134 : i32
        %multiple_of3A_136 = tpu.assume_multiple %mul3A_135, 80 : i32
        %add3A_137 = arith.addi %mul3A_2, %multiple_of3A_136 : i32
        %dma_start3A_138 = tpu.memref_slice %arg4[%add3A_137] : memref<320000xi32, #tpu.memory_space<hbm>> -> memref<80xi32, #tpu.memory_space<hbm>>
        %dma_start3A_139 = tpu.memref_slice %arg4[%add3A_137] : memref<320000xi32, #tpu.memory_space<hbm>> -> memref<80xi32, #tpu.memory_space<hbm>>
        tpu.enqueue_dma source(%dma_start3A_139 : memref<80xi32, #tpu.memory_space<hbm>>) target(%arg8 : memref<80xi32, #tpu.memory_space<vmem>>) target_semaphore(%arg17 : memref<!tpu.dma_semaphore, #tpu.memory_space<semaphore_mem>>)
        %dma_start3A_140 = tpu.memref_slice %arg7[%multiple_of3A_136] : memref<10000xi32, #tpu.memory_space<vmem>> -> memref<80xi32, #tpu.memory_space<vmem>>
        %dma_start3A_141 = arith.constant 0 : i32
        %dma_start3A_142 = arith.constant 0 : i32
        %dma_start3A_143 = tpu.memref_slice %arg2[%dma_start3A_141, %dma_start3A_142] : memref<10000x128xf32, #tpu.memory_space<hbm>> -> memref<10000x128xf32, #tpu.memory_space<hbm>>
        tpu.enqueue_indirect_dma source(%dma_start3A_143 : memref<10000x128xf32, #tpu.memory_space<hbm>>) target(%arg11 : memref<80x128xf32, #tpu.memory_space<vmem>>) offsets(%dma_start3A_140 : memref<80xi32, #tpu.memory_space<vmem>>) semaphore(%arg14 : memref<!tpu.dma_semaphore, #tpu.memory_space<semaphore_mem>>)
      } else {
      }
      %mul3A_90 = arith.constant 3 : i32
      %mul3A_91 = arith.muli %scan3A_71, %mul3A_90 : i32
      %add3A_92 = arith.constant 1 : i32
      %add3A_93 = arith.addi %mul3A_91, %add3A_92 : i32
      %dma_wait3A_94 = arith.constant 0 : i32
      %dma_wait3A_95 = tpu.memref_slice %arg4[%dma_wait3A_94] : memref<320000xi32, #tpu.memory_space<hbm>> -> memref<80xi32, #tpu.memory_space<hbm>>
      %dma_wait3A_96 = arith.constant 0 : i32
      %dma_wait3A_97 = tpu.memref_slice %arg4[%dma_wait3A_96] : memref<320000xi32, #tpu.memory_space<hbm>> -> memref<80xi32, #tpu.memory_space<hbm>>
      tpu.wait_dma2 semaphore(%arg18 : memref<!tpu.dma_semaphore, #tpu.memory_space<semaphore_mem>>) src(%dma_wait3A_97 : memref<80xi32, #tpu.memory_space<hbm>>) dst(%arg9 : memref<80xi32, #tpu.memory_space<vmem>>)
      %dma_wait3A_98 = arith.constant 0 : i32
      %dma_wait3A_99 = arith.constant 0 : i32
      %dma_wait3A_100 = tpu.memref_slice %arg2[%dma_wait3A_98, %dma_wait3A_99] : memref<10000x128xf32, #tpu.memory_space<hbm>> -> memref<80x128xf32, #tpu.memory_space<hbm>>
      %dma_wait3A_101 = arith.constant 0 : i32
      %dma_wait3A_102 = arith.constant 0 : i32
      %dma_wait3A_103 = tpu.memref_slice %arg2[%dma_wait3A_101, %dma_wait3A_102] : memref<10000x128xf32, #tpu.memory_space<hbm>> -> memref<80x128xf32, #tpu.memory_space<hbm>>
      tpu.wait_dma2 semaphore(%arg15 : memref<!tpu.dma_semaphore, #tpu.memory_space<semaphore_mem>>) src(%dma_wait3A_103 : memref<80x128xf32, #tpu.memory_space<hbm>>) dst(%arg12 : memref<80x128xf32, #tpu.memory_space<vmem>>)
      "tpu.region"() ({
        %run_scoped3A = tpu.sem_alloc : memref<!tpu.dma_semaphore, #tpu.memory_space<semaphore_mem>>
        %dma_start3A_132 = arith.constant 0 : i32
        %dma_start3A_133 = arith.constant 0 : i32
        %dma_start3A_134 = tpu.memref_slice %arg22[%dma_start3A_132, %dma_start3A_133] : memref<10240x128xf32, #tpu.memory_space<vmem_shared>> -> memref<10240x128xf32, #tpu.memory_space<vmem_shared>>
        tpu.enqueue_indirect_dma source(%arg12 : memref<80x128xf32, #tpu.memory_space<vmem>>) target(%dma_start3A_134 : memref<10240x128xf32, #tpu.memory_space<vmem_shared>>) offsets(%arg9 : memref<80xi32, #tpu.memory_space<vmem>>) semaphore(%run_scoped3A : memref<!tpu.dma_semaphore, #tpu.memory_space<semaphore_mem>>) {add = true}
        %dma_wait3A_135 = arith.constant 0 : i32
        %dma_wait3A_136 = arith.constant 0 : i32
        %dma_wait3A_137 = tpu.memref_slice %arg22[%dma_wait3A_135, %dma_wait3A_136] : memref<10240x128xf32, #tpu.memory_space<vmem_shared>> -> memref<10240x128xf32, #tpu.memory_space<vmem_shared>>
        tpu.wait_indirect_dma semaphore(%run_scoped3A : memref<!tpu.dma_semaphore, #tpu.memory_space<semaphore_mem>>) src(%arg12 : memref<80x128xf32, #tpu.memory_space<vmem>>) dst(%dma_wait3A_137 : memref<10240x128xf32, #tpu.memory_space<vmem_shared>>)
        tpu.yield
      }) : () -> ()
      %add3A_104 = arith.constant 3 : i32
      %add3A_105 = arith.addi %add3A_93, %add3A_104 : i32
      %lt3A_106 = arith.constant 125 : i32
      %lt3A_107 = arith.cmpi slt, %add3A_105, %lt3A_106 : i32
      %convert_element_type3A_108 = arith.extui %lt3A_107 : i1 to i32
      %cond3A_109 = arith.constant 0 : i32
      %cond3A_110 = arith.cmpi ne, %convert_element_type3A_108, %cond3A_109 : i32
      scf.if %cond3A_110 {
        %add3A_132 = arith.constant 3 : i32
        %add3A_133 = arith.addi %add3A_93, %add3A_132 : i32
        %mul3A_134 = arith.constant 80 : i32
        %mul3A_135 = arith.muli %add3A_133, %mul3A_134 : i32
        %multiple_of3A_136 = tpu.assume_multiple %mul3A_135, 80 : i32
        %add3A_137 = arith.addi %mul3A_2, %multiple_of3A_136 : i32
        %dma_start3A_138 = tpu.memref_slice %arg4[%add3A_137] : memref<320000xi32, #tpu.memory_space<hbm>> -> memref<80xi32, #tpu.memory_space<hbm>>
        %dma_start3A_139 = tpu.memref_slice %arg4[%add3A_137] : memref<320000xi32, #tpu.memory_space<hbm>> -> memref<80xi32, #tpu.memory_space<hbm>>
        tpu.enqueue_dma source(%dma_start3A_139 : memref<80xi32, #tpu.memory_space<hbm>>) target(%arg9 : memref<80xi32, #tpu.memory_space<vmem>>) target_semaphore(%arg18 : memref<!tpu.dma_semaphore, #tpu.memory_space<semaphore_mem>>)
        %dma_start3A_140 = tpu.memref_slice %arg7[%multiple_of3A_136] : memref<10000xi32, #tpu.memory_space<vmem>> -> memref<80xi32, #tpu.memory_space<vmem>>
        %dma_start3A_141 = arith.constant 0 : i32
        %dma_start3A_142 = arith.constant 0 : i32
        %dma_start3A_143 = tpu.memref_slice %arg2[%dma_start3A_141, %dma_start3A_142] : memref<10000x128xf32, #tpu.memory_space<hbm>> -> memref<10000x128xf32, #tpu.memory_space<hbm>>
        tpu.enqueue_indirect_dma source(%dma_start3A_143 : memref<10000x128xf32, #tpu.memory_space<hbm>>) target(%arg12 : memref<80x128xf32, #tpu.memory_space<vmem>>) offsets(%dma_start3A_140 : memref<80xi32, #tpu.memory_space<vmem>>) semaphore(%arg15 : memref<!tpu.dma_semaphore, #tpu.memory_space<semaphore_mem>>)
      } else {
      }
      %mul3A_111 = arith.constant 3 : i32
      %mul3A_112 = arith.muli %scan3A_71, %mul3A_111 : i32
      %add3A_113 = arith.constant 2 : i32
      %add3A_114 = arith.addi %mul3A_112, %add3A_113 : i32
      %dma_wait3A_115 = arith.constant 0 : i32
      %dma_wait3A_116 = tpu.memref_slice %arg4[%dma_wait3A_115] : memref<320000xi32, #tpu.memory_space<hbm>> -> memref<80xi32, #tpu.memory_space<hbm>>
      %dma_wait3A_117 = arith.constant 0 : i32
      %dma_wait3A_118 = tpu.memref_slice %arg4[%dma_wait3A_117] : memref<320000xi32, #tpu.memory_space<hbm>> -> memref<80xi32, #tpu.memory_space<hbm>>
      tpu.wait_dma2 semaphore(%arg19 : memref<!tpu.dma_semaphore, #tpu.memory_space<semaphore_mem>>) src(%dma_wait3A_118 : memref<80xi32, #tpu.memory_space<hbm>>) dst(%arg10 : memref<80xi32, #tpu.memory_space<vmem>>)
      %dma_wait3A_119 = arith.constant 0 : i32
      %dma_wait3A_120 = arith.constant 0 : i32
      %dma_wait3A_121 = tpu.memref_slice %arg2[%dma_wait3A_119, %dma_wait3A_120] : memref<10000x128xf32, #tpu.memory_space<hbm>> -> memref<80x128xf32, #tpu.memory_space<hbm>>
      %dma_wait3A_122 = arith.constant 0 : i32
      %dma_wait3A_123 = arith.constant 0 : i32
      %dma_wait3A_124 = tpu.memref_slice %arg2[%dma_wait3A_122, %dma_wait3A_123] : memref<10000x128xf32, #tpu.memory_space<hbm>> -> memref<80x128xf32, #tpu.memory_space<hbm>>
      tpu.wait_dma2 semaphore(%arg16 : memref<!tpu.dma_semaphore, #tpu.memory_space<semaphore_mem>>) src(%dma_wait3A_124 : memref<80x128xf32, #tpu.memory_space<hbm>>) dst(%arg13 : memref<80x128xf32, #tpu.memory_space<vmem>>)
      "tpu.region"() ({
        %run_scoped3A = tpu.sem_alloc : memref<!tpu.dma_semaphore, #tpu.memory_space<semaphore_mem>>
        %dma_start3A_132 = arith.constant 0 : i32
        %dma_start3A_133 = arith.constant 0 : i32
        %dma_start3A_134 = tpu.memref_slice %arg22[%dma_start3A_132, %dma_start3A_133] : memref<10240x128xf32, #tpu.memory_space<vmem_shared>> -> memref<10240x128xf32, #tpu.memory_space<vmem_shared>>
        tpu.enqueue_indirect_dma source(%arg13 : memref<80x128xf32, #tpu.memory_space<vmem>>) target(%dma_start3A_134 : memref<10240x128xf32, #tpu.memory_space<vmem_shared>>) offsets(%arg10 : memref<80xi32, #tpu.memory_space<vmem>>) semaphore(%run_scoped3A : memref<!tpu.dma_semaphore, #tpu.memory_space<semaphore_mem>>) {add = true}
        %dma_wait3A_135 = arith.constant 0 : i32
        %dma_wait3A_136 = arith.constant 0 : i32
        %dma_wait3A_137 = tpu.memref_slice %arg22[%dma_wait3A_135, %dma_wait3A_136] : memref<10240x128xf32, #tpu.memory_space<vmem_shared>> -> memref<10240x128xf32, #tpu.memory_space<vmem_shared>>
        tpu.wait_indirect_dma semaphore(%run_scoped3A : memref<!tpu.dma_semaphore, #tpu.memory_space<semaphore_mem>>) src(%arg13 : memref<80x128xf32, #tpu.memory_space<vmem>>) dst(%dma_wait3A_137 : memref<10240x128xf32, #tpu.memory_space<vmem_shared>>)
        tpu.yield
      }) : () -> ()
      %add3A_125 = arith.constant 3 : i32
      %add3A_126 = arith.addi %add3A_114, %add3A_125 : i32
      %lt3A_127 = arith.constant 125 : i32
      %lt3A_128 = arith.cmpi slt, %add3A_126, %lt3A_127 : i32
      %convert_element_type3A_129 = arith.extui %lt3A_128 : i1 to i32
      %cond3A_130 = arith.constant 0 : i32
      %cond3A_131 = arith.cmpi ne, %convert_element_type3A_129, %cond3A_130 : i32
      scf.if %cond3A_131 {
        %add3A_132 = arith.constant 3 : i32
        %add3A_133 = arith.addi %add3A_114, %add3A_132 : i32
        %mul3A_134 = arith.constant 80 : i32
        %mul3A_135 = arith.muli %add3A_133, %mul3A_134 : i32
        %multiple_of3A_136 = tpu.assume_multiple %mul3A_135, 80 : i32
        %add3A_137 = arith.addi %mul3A_2, %multiple_of3A_136 : i32
        %dma_start3A_138 = tpu.memref_slice %arg4[%add3A_137] : memref<320000xi32, #tpu.memory_space<hbm>> -> memref<80xi32, #tpu.memory_space<hbm>>
        %dma_start3A_139 = tpu.memref_slice %arg4[%add3A_137] : memref<320000xi32, #tpu.memory_space<hbm>> -> memref<80xi32, #tpu.memory_space<hbm>>
        tpu.enqueue_dma source(%dma_start3A_139 : memref<80xi32, #tpu.memory_space<hbm>>) target(%arg10 : memref<80xi32, #tpu.memory_space<vmem>>) target_semaphore(%arg19 : memref<!tpu.dma_semaphore, #tpu.memory_space<semaphore_mem>>)
        %dma_start3A_140 = tpu.memref_slice %arg7[%multiple_of3A_136] : memref<10000xi32, #tpu.memory_space<vmem>> -> memref<80xi32, #tpu.memory_space<vmem>>
        %dma_start3A_141 = arith.constant 0 : i32
        %dma_start3A_142 = arith.constant 0 : i32
        %dma_start3A_143 = tpu.memref_slice %arg2[%dma_start3A_141, %dma_start3A_142] : memref<10000x128xf32, #tpu.memory_space<hbm>> -> memref<10000x128xf32, #tpu.memory_space<hbm>>
        tpu.enqueue_indirect_dma source(%dma_start3A_143 : memref<10000x128xf32, #tpu.memory_space<hbm>>) target(%arg13 : memref<80x128xf32, #tpu.memory_space<vmem>>) offsets(%dma_start3A_140 : memref<80xi32, #tpu.memory_space<vmem>>) semaphore(%arg16 : memref<!tpu.dma_semaphore, #tpu.memory_space<semaphore_mem>>)
      } else {
      }
    }
    %scan3A_49 = arith.constant 41 : i32
    %dma_wait3A_50 = arith.constant 0 : i32
    %dma_wait3A_51 = tpu.memref_slice %arg4[%dma_wait3A_50] : memref<320000xi32, #tpu.memory_space<hbm>> -> memref<80xi32, #tpu.memory_space<hbm>>
    %dma_wait3A_52 = arith.constant 0 : i32
    %dma_wait3A_53 = tpu.memref_slice %arg4[%dma_wait3A_52] : memref<320000xi32, #tpu.memory_space<hbm>> -> memref<80xi32, #tpu.memory_space<hbm>>
    tpu.wait_dma2 semaphore(%arg17 : memref<!tpu.dma_semaphore, #tpu.memory_space<semaphore_mem>>) src(%dma_wait3A_53 : memref<80xi32, #tpu.memory_space<hbm>>) dst(%arg8 : memref<80xi32, #tpu.memory_space<vmem>>)
    %dma_wait3A_54 = arith.constant 0 : i32
    %dma_wait3A_55 = arith.constant 0 : i32
    %dma_wait3A_56 = tpu.memref_slice %arg2[%dma_wait3A_54, %dma_wait3A_55] : memref<10000x128xf32, #tpu.memory_space<hbm>> -> memref<80x128xf32, #tpu.memory_space<hbm>>
    %dma_wait3A_57 = arith.constant 0 : i32
    %dma_wait3A_58 = arith.constant 0 : i32
    %dma_wait3A_59 = tpu.memref_slice %arg2[%dma_wait3A_57, %dma_wait3A_58] : memref<10000x128xf32, #tpu.memory_space<hbm>> -> memref<80x128xf32, #tpu.memory_space<hbm>>
    tpu.wait_dma2 semaphore(%arg14 : memref<!tpu.dma_semaphore, #tpu.memory_space<semaphore_mem>>) src(%dma_wait3A_59 : memref<80x128xf32, #tpu.memory_space<hbm>>) dst(%arg11 : memref<80x128xf32, #tpu.memory_space<vmem>>)
    "tpu.region"() ({
      %run_scoped3A = tpu.sem_alloc : memref<!tpu.dma_semaphore, #tpu.memory_space<semaphore_mem>>
      %dma_start3A_71 = arith.constant 0 : i32
      %dma_start3A_72 = arith.constant 0 : i32
      %dma_start3A_73 = tpu.memref_slice %arg22[%dma_start3A_71, %dma_start3A_72] : memref<10240x128xf32, #tpu.memory_space<vmem_shared>> -> memref<10240x128xf32, #tpu.memory_space<vmem_shared>>
      tpu.enqueue_indirect_dma source(%arg11 : memref<80x128xf32, #tpu.memory_space<vmem>>) target(%dma_start3A_73 : memref<10240x128xf32, #tpu.memory_space<vmem_shared>>) offsets(%arg8 : memref<80xi32, #tpu.memory_space<vmem>>) semaphore(%run_scoped3A : memref<!tpu.dma_semaphore, #tpu.memory_space<semaphore_mem>>) {add = true}
      %dma_wait3A_74 = arith.constant 0 : i32
      %dma_wait3A_75 = arith.constant 0 : i32
      %dma_wait3A_76 = tpu.memref_slice %arg22[%dma_wait3A_74, %dma_wait3A_75] : memref<10240x128xf32, #tpu.memory_space<vmem_shared>> -> memref<10240x128xf32, #tpu.memory_space<vmem_shared>>
      tpu.wait_indirect_dma semaphore(%run_scoped3A : memref<!tpu.dma_semaphore, #tpu.memory_space<semaphore_mem>>) src(%arg11 : memref<80x128xf32, #tpu.memory_space<vmem>>) dst(%dma_wait3A_76 : memref<10240x128xf32, #tpu.memory_space<vmem_shared>>)
      tpu.yield
    }) : () -> ()
    %dma_wait3A_60 = arith.constant 0 : i32
    %dma_wait3A_61 = tpu.memref_slice %arg4[%dma_wait3A_60] : memref<320000xi32, #tpu.memory_space<hbm>> -> memref<80xi32, #tpu.memory_space<hbm>>
    %dma_wait3A_62 = arith.constant 0 : i32
    %dma_wait3A_63 = tpu.memref_slice %arg4[%dma_wait3A_62] : memref<320000xi32, #tpu.memory_space<hbm>> -> memref<80xi32, #tpu.memory_space<hbm>>
    tpu.wait_dma2 semaphore(%arg18 : memref<!tpu.dma_semaphore, #tpu.memory_space<semaphore_mem>>) src(%dma_wait3A_63 : memref<80xi32, #tpu.memory_space<hbm>>) dst(%arg9 : memref<80xi32, #tpu.memory_space<vmem>>)
    %dma_wait3A_64 = arith.constant 0 : i32
    %dma_wait3A_65 = arith.constant 0 : i32
    %dma_wait3A_66 = tpu.memref_slice %arg2[%dma_wait3A_64, %dma_wait3A_65] : memref<10000x128xf32, #tpu.memory_space<hbm>> -> memref<80x128xf32, #tpu.memory_space<hbm>>
    %dma_wait3A_67 = arith.constant 0 : i32
    %dma_wait3A_68 = arith.constant 0 : i32
    %dma_wait3A_69 = tpu.memref_slice %arg2[%dma_wait3A_67, %dma_wait3A_68] : memref<10000x128xf32, #tpu.memory_space<hbm>> -> memref<80x128xf32, #tpu.memory_space<hbm>>
    tpu.wait_dma2 semaphore(%arg15 : memref<!tpu.dma_semaphore, #tpu.memory_space<semaphore_mem>>) src(%dma_wait3A_69 : memref<80x128xf32, #tpu.memory_space<hbm>>) dst(%arg12 : memref<80x128xf32, #tpu.memory_space<vmem>>)
    "tpu.region"() ({
      %run_scoped3A = tpu.sem_alloc : memref<!tpu.dma_semaphore, #tpu.memory_space<semaphore_mem>>
      %dma_start3A_71 = arith.constant 0 : i32
      %dma_start3A_72 = arith.constant 0 : i32
      %dma_start3A_73 = tpu.memref_slice %arg22[%dma_start3A_71, %dma_start3A_72] : memref<10240x128xf32, #tpu.memory_space<vmem_shared>> -> memref<10240x128xf32, #tpu.memory_space<vmem_shared>>
      tpu.enqueue_indirect_dma source(%arg12 : memref<80x128xf32, #tpu.memory_space<vmem>>) target(%dma_start3A_73 : memref<10240x128xf32, #tpu.memory_space<vmem_shared>>) offsets(%arg9 : memref<80xi32, #tpu.memory_space<vmem>>) semaphore(%run_scoped3A : memref<!tpu.dma_semaphore, #tpu.memory_space<semaphore_mem>>) {add = true}
      %dma_wait3A_74 = arith.constant 0 : i32
      %dma_wait3A_75 = arith.constant 0 : i32
      %dma_wait3A_76 = tpu.memref_slice %arg22[%dma_wait3A_74, %dma_wait3A_75] : memref<10240x128xf32, #tpu.memory_space<vmem_shared>> -> memref<10240x128xf32, #tpu.memory_space<vmem_shared>>
      tpu.wait_indirect_dma semaphore(%run_scoped3A : memref<!tpu.dma_semaphore, #tpu.memory_space<semaphore_mem>>) src(%arg12 : memref<80x128xf32, #tpu.memory_space<vmem>>) dst(%dma_wait3A_76 : memref<10240x128xf32, #tpu.memory_space<vmem_shared>>)
      tpu.yield
    }) : () -> ()
    %barrier3A_70 = arith.constant 0 : index
    tpu.barrier barrier_id(%barrier3A_70)
    "tpu.region"() ({
      %run_scoped3A = tpu.sem_alloc : memref<!tpu.dma_semaphore, #tpu.memory_space<semaphore_mem>>
      %dma_start3A_71 = arith.constant 0 : i32
      %dma_start3A_72 = tpu.memref_slice %arg6[%arg0, %mul3A_4, %dma_start3A_71] : memref<2x10240x128xf32, #tpu.memory_space<hbm>> -> memref<1x640x128xf32, #tpu.memory_space<hbm>>
      %dma_start3A_73 = tpu.memref_squeeze %dma_start3A_72 : memref<1x640x128xf32, #tpu.memory_space<hbm>> -> memref<640x128xf32, #tpu.memory_space<hbm>>
      %dma_start3A_74 = arith.constant 0 : i32
      %dma_start3A_75 = tpu.memref_slice %arg22[%mul3A_4, %dma_start3A_74] : memref<10240x128xf32, #tpu.memory_space<vmem_shared>> -> memref<640x128xf32, #tpu.memory_space<vmem_shared>>
      tpu.enqueue_dma source(%dma_start3A_75 : memref<640x128xf32, #tpu.memory_space<vmem_shared>>) target(%dma_start3A_73 : memref<640x128xf32, #tpu.memory_space<hbm>>) target_semaphore(%run_scoped3A : memref<!tpu.dma_semaphore, #tpu.memory_space<semaphore_mem>>)
      %dma_wait3A_76 = arith.constant 0 : i32
      %dma_wait3A_77 = tpu.memref_slice %arg6[%arg0, %mul3A_4, %dma_wait3A_76] : memref<2x10240x128xf32, #tpu.memory_space<hbm>> -> memref<1x640x128xf32, #tpu.memory_space<hbm>>
      %dma_wait3A_78 = tpu.memref_squeeze %dma_wait3A_77 : memref<1x640x128xf32, #tpu.memory_space<hbm>> -> memref<640x128xf32, #tpu.memory_space<hbm>>
      %dma_wait3A_79 = arith.constant 0 : i32
      %dma_wait3A_80 = tpu.memref_slice %arg22[%mul3A_4, %dma_wait3A_79] : memref<10240x128xf32, #tpu.memory_space<vmem_shared>> -> memref<640x128xf32, #tpu.memory_space<vmem_shared>>
      tpu.wait_dma2 semaphore(%run_scoped3A : memref<!tpu.dma_semaphore, #tpu.memory_space<semaphore_mem>>) src(%dma_wait3A_80 : memref<640x128xf32, #tpu.memory_space<vmem_shared>>) dst(%dma_wait3A_78 : memref<640x128xf32, #tpu.memory_space<hbm>>)
      tpu.yield
    }) : () -> ()
    return
  }
}

module attributes {stable_mosaic.version = 14 : i64} {
  func.func @_prep_body(%arg0: i32, %arg1: memref<2x2048xf32, #tpu.memory_space<vmem>>, %arg2: memref<2x2048xf32, #tpu.memory_space<vmem>>, %arg3: memref<2048x128xf32, #tpu.memory_space<vmem>>, %arg4: memref<2048x1xf32, #tpu.memory_space<vmem>>, %arg5: memref<2048x1xf32, #tpu.memory_space<vmem>>, %arg6: memref<2048x128xf32, #tpu.memory_space<vmem>>) attributes {dimension_semantics = [#tpu.dimension_semantics<arbitrary>], iteration_bounds = array<i64: 5>, scalar_prefetch = 0 : i64, scratch_operands = 0 : i64, tpu.core_type = #tpu.core_type<tc>, window_params = [{transform_indices = @transform_0, window_bounds = array<i64: 2, 2048>}, {transform_indices = @transform_1, window_bounds = array<i64: 2, 2048>}, {transform_indices = @transform_2, window_bounds = array<i64: 2048, 128>}, {transform_indices = @transform_3, window_bounds = array<i64: 2048, 1>}, {transform_indices = @transform_4, window_bounds = array<i64: 2048, 1>}, {transform_indices = @transform_5, window_bounds = array<i64: 2048, 128>}]} {
    %get3A = arith.constant 0 : index
    %get3A_0 = arith.constant 0 : index
    %get3A_1 = vector.load %arg1[%get3A, %get3A_0] : memref<2x2048xf32, #tpu.memory_space<vmem>>, vector<1x2048xf32>
    %get3A_2 = vector.shape_cast %get3A_1 : vector<1x2048xf32> to vector<2048xf32>
    %get3A_3 = arith.constant 1 : index
    %get3A_4 = arith.constant 0 : index
    %get3A_5 = vector.load %arg1[%get3A_3, %get3A_4] : memref<2x2048xf32, #tpu.memory_space<vmem>>, vector<1x2048xf32>
    %get3A_6 = vector.shape_cast %get3A_5 : vector<1x2048xf32> to vector<2048xf32>
    %add3A = arith.addf %get3A_2, %get3A_6 : vector<2048xf32>
    %max3A = arith.constant 1.000000e+00 : f32
    %max3A_7 = vector.broadcast %max3A : f32 to vector<2048xf32>
    %max3A_8 = arith.maximumf %add3A, %max3A_7 : vector<2048xf32>
    %rsqrt3A = math.rsqrt %max3A_8 : vector<2048xf32>
    %get3A_9 = arith.constant 0 : index
    %get3A_10 = arith.constant 0 : index
    %get3A_11 = vector.load %arg2[%get3A_9, %get3A_10] : memref<2x2048xf32, #tpu.memory_space<vmem>>, vector<1x2048xf32>
    %get3A_12 = vector.shape_cast %get3A_11 : vector<1x2048xf32> to vector<2048xf32>
    %get3A_13 = arith.constant 1 : index
    %get3A_14 = arith.constant 0 : index
    %get3A_15 = vector.load %arg2[%get3A_13, %get3A_14] : memref<2x2048xf32, #tpu.memory_space<vmem>>, vector<1x2048xf32>
    %get3A_16 = vector.shape_cast %get3A_15 : vector<1x2048xf32> to vector<2048xf32>
    %add3A_17 = arith.addf %get3A_12, %get3A_16 : vector<2048xf32>
    %max3A_18 = arith.constant 1.000000e+00 : f32
    %max3A_19 = vector.broadcast %max3A_18 : f32 to vector<2048xf32>
    %max3A_20 = arith.maximumf %add3A_17, %max3A_19 : vector<2048xf32>
    %rsqrt3A_21 = math.rsqrt %max3A_20 : vector<2048xf32>
    %reshape3A = vector.shape_cast %rsqrt3A : vector<2048xf32> to vector<2048x1xf32>
    %swap3A = arith.constant 0 : index
    %swap3A_22 = arith.constant 0 : index
    %swap3A_23 = vector.load %arg4[%swap3A, %swap3A_22] : memref<2048x1xf32, #tpu.memory_space<vmem>>, vector<2048x1xf32>
    tpu.vector_store %arg4[%swap3A, %swap3A_22], %reshape3A {strides = array<i32>} : memref<2048x1xf32, #tpu.memory_space<vmem>>, vector<2048x1xf32>,
    %reshape3A_24 = vector.shape_cast %rsqrt3A_21 : vector<2048xf32> to vector<2048x1xf32>
    %swap3A_25 = arith.constant 0 : index
    %swap3A_26 = arith.constant 0 : index
    %swap3A_27 = vector.load %arg5[%swap3A_25, %swap3A_26] : memref<2048x1xf32, #tpu.memory_space<vmem>>, vector<2048x1xf32>
    tpu.vector_store %arg5[%swap3A_25, %swap3A_26], %reshape3A_24 {strides = array<i32>} : memref<2048x1xf32, #tpu.memory_space<vmem>>, vector<2048x1xf32>,
    %get3A_28 = arith.constant 0 : index
    %get3A_29 = arith.constant 0 : index
    %get3A_30 = vector.load %arg3[%get3A_28, %get3A_29] : memref<2048x128xf32, #tpu.memory_space<vmem>>, vector<2048x128xf32>
    %mul3A = vector.broadcast %reshape3A : vector<2048x1xf32> to vector<2048x128xf32>
    %mul3A_31 = arith.mulf %get3A_30, %mul3A : vector<2048x128xf32>
    %swap3A_32 = arith.constant 0 : index
    %swap3A_33 = arith.constant 0 : index
    %swap3A_34 = vector.load %arg6[%swap3A_32, %swap3A_33] : memref<2048x128xf32, #tpu.memory_space<vmem>>, vector<2048x128xf32>
    tpu.vector_store %arg6[%swap3A_32, %swap3A_33], %mul3A_31 {strides = array<i32>} : memref<2048x128xf32, #tpu.memory_space<vmem>>, vector<2048x128xf32>,
    return
  }
  func.func @transform_0(%arg0: i32) -> (i32, i32) {
    %c0_i32 = arith.constant 0 : i32
    %c0_i32_0 = arith.constant 0 : i32
    return %c0_i32, %arg0 : i32, i32
  }
  func.func @transform_1(%arg0: i32) -> (i32, i32) {
    %c0_i32 = arith.constant 0 : i32
    %c0_i32_0 = arith.constant 0 : i32
    return %c0_i32, %arg0 : i32, i32
  }
  func.func @transform_2(%arg0: i32) -> (i32, i32) {
    %c0_i32 = arith.constant 0 : i32
    %c0_i32_0 = arith.constant 0 : i32
    return %arg0, %c0_i32 : i32, i32
  }
  func.func @transform_3(%arg0: i32) -> (i32, i32) {
    %c0_i32 = arith.constant 0 : i32
    %c0_i32_0 = arith.constant 0 : i32
    return %arg0, %c0_i32 : i32, i32
  }
  func.func @transform_4(%arg0: i32) -> (i32, i32) {
    %c0_i32 = arith.constant 0 : i32
    %c0_i32_0 = arith.constant 0 : i32
    return %arg0, %c0_i32 : i32, i32
  }
  func.func @transform_5(%arg0: i32) -> (i32, i32) {
    %c0_i32 = arith.constant 0 : i32
    %c0_i32_0 = arith.constant 0 : i32
    return %arg0, %c0_i32 : i32, i32
  }
}

module attributes {stable_mosaic.version = 14 : i64} {
  func.func @_layer_body(%arg0: i32, %arg1: memref<2x2048x128xf32, #tpu.memory_space<vmem>>, %arg2: memref<2048x1xf32, #tpu.memory_space<vmem>>, %arg3: memref<2048x1xf32, #tpu.memory_space<vmem>>, %arg4: memref<128x128xf32, #tpu.memory_space<vmem>>, %arg5: memref<1x128xf32, #tpu.memory_space<vmem>>, %arg6: memref<2048x128xf32, #tpu.memory_space<vmem>>) attributes {dimension_semantics = [#tpu.dimension_semantics<arbitrary>], iteration_bounds = array<i64: 5>, scalar_prefetch = 0 : i64, scratch_operands = 0 : i64, tpu.core_type = #tpu.core_type<tc>, window_params = [{transform_indices = @transform_0, window_bounds = array<i64: 2, 2048, 128>}, {transform_indices = @transform_1, window_bounds = array<i64: 2048, 1>}, {transform_indices = @transform_2, window_bounds = array<i64: 2048, 1>}, {pipeline_mode = #tpu.pipeline_mode<synchronous>, transform_indices = @transform_3, window_bounds = array<i64: 128, 128>}, {pipeline_mode = #tpu.pipeline_mode<synchronous>, transform_indices = @transform_4, window_bounds = array<i64: 1, 128>}, {transform_indices = @transform_5, window_bounds = array<i64: 2048, 128>}]} {
    %get3A = arith.constant 0 : index
    %get3A_0 = arith.constant 0 : index
    %get3A_1 = arith.constant 0 : index
    %get3A_2 = vector.load %arg1[%get3A, %get3A_0, %get3A_1] : memref<2x2048x128xf32, #tpu.memory_space<vmem>>, vector<1x2048x128xf32>
    %get3A_3 = vector.shape_cast %get3A_2 : vector<1x2048x128xf32> to vector<2048x128xf32>
    %get3A_4 = arith.constant 1 : index
    %get3A_5 = arith.constant 0 : index
    %get3A_6 = arith.constant 0 : index
    %get3A_7 = vector.load %arg1[%get3A_4, %get3A_5, %get3A_6] : memref<2x2048x128xf32, #tpu.memory_space<vmem>>, vector<1x2048x128xf32>
    %get3A_8 = vector.shape_cast %get3A_7 : vector<1x2048x128xf32> to vector<2048x128xf32>
    %add3A = arith.addf %get3A_3, %get3A_8 : vector<2048x128xf32>
    %get3A_9 = arith.constant 0 : index
    %get3A_10 = arith.constant 0 : index
    %get3A_11 = vector.load %arg2[%get3A_9, %get3A_10] : memref<2048x1xf32, #tpu.memory_space<vmem>>, vector<2048x1xf32>
    %mul3A = vector.broadcast %get3A_11 : vector<2048x1xf32> to vector<2048x128xf32>
    %mul3A_12 = arith.mulf %add3A, %mul3A : vector<2048x128xf32>
    %get3A_13 = arith.constant 0 : index
    %get3A_14 = arith.constant 0 : index
    %get3A_15 = vector.load %arg4[%get3A_13, %get3A_14] : memref<128x128xf32, #tpu.memory_space<vmem>>, vector<128x128xf32>
    %dot_general3A = arith.constant dense<0.000000e+00> : vector<2048x128xf32>
    %dot_general3A_16 = tpu.matmul %mul3A_12, %get3A_15, %dot_general3A {dimension_numbers = #tpu.dot_dimension_numbers<[1], [0], [0], [1], [0, 0, 1, 1], [], []>, transpose_lhs_hint = false} : vector<2048x128xf32>, vector<128x128xf32>, vector<2048x128xf32> -> vector<2048x128xf32>
    %get3A_17 = arith.constant 0 : index
    %get3A_18 = arith.constant 0 : index
    %get3A_19 = vector.load %arg5[%get3A_17, %get3A_18] : memref<1x128xf32, #tpu.memory_space<vmem>>, vector<1x128xf32>
    %add3A_20 = vector.broadcast %get3A_19 : vector<1x128xf32> to vector<2048x128xf32>
    %add3A_21 = arith.addf %dot_general3A_16, %add3A_20 : vector<2048x128xf32>
    %gt3A = arith.constant 0.000000e+00 : f32
    %gt3A_22 = vector.broadcast %gt3A : f32 to vector<2048x128xf32>
    %gt3A_23 = arith.cmpf ogt, %add3A_21, %gt3A_22 : vector<2048x128xf32>
    %min3A = arith.constant 0.000000e+00 : f32
    %min3A_24 = vector.broadcast %min3A : f32 to vector<2048x128xf32>
    %min3A_25 = arith.minimumf %add3A_21, %min3A_24 : vector<2048x128xf32>
    %exp3A = math.exp %min3A_25 : vector<2048x128xf32>
    %sub3A = arith.constant 1.000000e+00 : f32
    %sub3A_26 = vector.broadcast %sub3A : f32 to vector<2048x128xf32>
    %sub3A_27 = arith.subf %exp3A, %sub3A_26 : vector<2048x128xf32>
    %select_n3A = arith.select %gt3A_23, %add3A_21, %sub3A_27 : vector<2048x128xi1>, vector<2048x128xf32>
    %get3A_28 = arith.constant 0 : index
    %get3A_29 = arith.constant 0 : index
    %get3A_30 = vector.load %arg3[%get3A_28, %get3A_29] : memref<2048x1xf32, #tpu.memory_space<vmem>>, vector<2048x1xf32>
    %mul3A_31 = vector.broadcast %get3A_30 : vector<2048x1xf32> to vector<2048x128xf32>
    %mul3A_32 = arith.mulf %select_n3A, %mul3A_31 : vector<2048x128xf32>
    %swap3A = arith.constant 0 : index
    %swap3A_33 = arith.constant 0 : index
    %swap3A_34 = vector.load %arg6[%swap3A, %swap3A_33] : memref<2048x128xf32, #tpu.memory_space<vmem>>, vector<2048x128xf32>
    tpu.vector_store %arg6[%swap3A, %swap3A_33], %mul3A_32 {strides = array<i32>} : memref<2048x128xf32, #tpu.memory_space<vmem>>, vector<2048x128xf32>,
    return
  }
  func.func @transform_0(%arg0: i32) -> (i32, i32, i32) {
    %c0_i32 = arith.constant 0 : i32
    %c0_i32_0 = arith.constant 0 : i32
    %c0_i32_1 = arith.constant 0 : i32
    return %c0_i32, %arg0, %c0_i32_0 : i32, i32, i32
  }
  func.func @transform_1(%arg0: i32) -> (i32, i32) {
    %c0_i32 = arith.constant 0 : i32
    %c0_i32_0 = arith.constant 0 : i32
    return %arg0, %c0_i32 : i32, i32
  }
  func.func @transform_2(%arg0: i32) -> (i32, i32) {
    %c0_i32 = arith.constant 0 : i32
    %c0_i32_0 = arith.constant 0 : i32
    return %arg0, %c0_i32 : i32, i32
  }
  func.func @transform_3(%arg0: i32) -> (i32, i32) {
    %c0_i32 = arith.constant 0 : i32
    %c0_i32_0 = arith.constant 0 : i32
    %c0_i32_1 = arith.constant 0 : i32
    return %c0_i32, %c0_i32_0 : i32, i32
  }
  func.func @transform_4(%arg0: i32) -> (i32, i32) {
    %c0_i32 = arith.constant 0 : i32
    %c0_i32_0 = arith.constant 0 : i32
    %c0_i32_1 = arith.constant 0 : i32
    return %c0_i32, %c0_i32_0 : i32, i32
  }
  func.func @transform_5(%arg0: i32) -> (i32, i32) {
    %c0_i32 = arith.constant 0 : i32
    %c0_i32_0 = arith.constant 0 : i32
    return %arg0, %c0_i32 : i32, i32
  }
}

module attributes {stable_mosaic.version = 14 : i64} {
  func.func @_layer_body(%arg0: i32, %arg1: memref<2x2048x128xf32, #tpu.memory_space<vmem>>, %arg2: memref<2048x1xf32, #tpu.memory_space<vmem>>, %arg3: memref<2048x1xf32, #tpu.memory_space<vmem>>, %arg4: memref<128x128xf32, #tpu.memory_space<vmem>>, %arg5: memref<1x128xf32, #tpu.memory_space<vmem>>, %arg6: memref<2048x128xf32, #tpu.memory_space<vmem>>) attributes {dimension_semantics = [#tpu.dimension_semantics<arbitrary>], iteration_bounds = array<i64: 5>, scalar_prefetch = 0 : i64, scratch_operands = 0 : i64, tpu.core_type = #tpu.core_type<tc>, window_params = [{transform_indices = @transform_0, window_bounds = array<i64: 2, 2048, 128>}, {transform_indices = @transform_1, window_bounds = array<i64: 2048, 1>}, {transform_indices = @transform_2, window_bounds = array<i64: 2048, 1>}, {pipeline_mode = #tpu.pipeline_mode<synchronous>, transform_indices = @transform_3, window_bounds = array<i64: 128, 128>}, {pipeline_mode = #tpu.pipeline_mode<synchronous>, transform_indices = @transform_4, window_bounds = array<i64: 1, 128>}, {transform_indices = @transform_5, window_bounds = array<i64: 2048, 128>}]} {
    %get3A = arith.constant 0 : index
    %get3A_0 = arith.constant 0 : index
    %get3A_1 = arith.constant 0 : index
    %get3A_2 = vector.load %arg1[%get3A, %get3A_0, %get3A_1] : memref<2x2048x128xf32, #tpu.memory_space<vmem>>, vector<1x2048x128xf32>
    %get3A_3 = vector.shape_cast %get3A_2 : vector<1x2048x128xf32> to vector<2048x128xf32>
    %get3A_4 = arith.constant 1 : index
    %get3A_5 = arith.constant 0 : index
    %get3A_6 = arith.constant 0 : index
    %get3A_7 = vector.load %arg1[%get3A_4, %get3A_5, %get3A_6] : memref<2x2048x128xf32, #tpu.memory_space<vmem>>, vector<1x2048x128xf32>
    %get3A_8 = vector.shape_cast %get3A_7 : vector<1x2048x128xf32> to vector<2048x128xf32>
    %add3A = arith.addf %get3A_3, %get3A_8 : vector<2048x128xf32>
    %get3A_9 = arith.constant 0 : index
    %get3A_10 = arith.constant 0 : index
    %get3A_11 = vector.load %arg2[%get3A_9, %get3A_10] : memref<2048x1xf32, #tpu.memory_space<vmem>>, vector<2048x1xf32>
    %mul3A = vector.broadcast %get3A_11 : vector<2048x1xf32> to vector<2048x128xf32>
    %mul3A_12 = arith.mulf %add3A, %mul3A : vector<2048x128xf32>
    %get3A_13 = arith.constant 0 : index
    %get3A_14 = arith.constant 0 : index
    %get3A_15 = vector.load %arg4[%get3A_13, %get3A_14] : memref<128x128xf32, #tpu.memory_space<vmem>>, vector<128x128xf32>
    %dot_general3A = arith.constant dense<0.000000e+00> : vector<2048x128xf32>
    %dot_general3A_16 = tpu.matmul %mul3A_12, %get3A_15, %dot_general3A {dimension_numbers = #tpu.dot_dimension_numbers<[1], [0], [0], [1], [0, 0, 1, 1], [], []>, transpose_lhs_hint = false} : vector<2048x128xf32>, vector<128x128xf32>, vector<2048x128xf32> -> vector<2048x128xf32>
    %get3A_17 = arith.constant 0 : index
    %get3A_18 = arith.constant 0 : index
    %get3A_19 = vector.load %arg5[%get3A_17, %get3A_18] : memref<1x128xf32, #tpu.memory_space<vmem>>, vector<1x128xf32>
    %add3A_20 = vector.broadcast %get3A_19 : vector<1x128xf32> to vector<2048x128xf32>
    %add3A_21 = arith.addf %dot_general3A_16, %add3A_20 : vector<2048x128xf32>
    %gt3A = arith.constant 0.000000e+00 : f32
    %gt3A_22 = vector.broadcast %gt3A : f32 to vector<2048x128xf32>
    %gt3A_23 = arith.cmpf ogt, %add3A_21, %gt3A_22 : vector<2048x128xf32>
    %min3A = arith.constant 0.000000e+00 : f32
    %min3A_24 = vector.broadcast %min3A : f32 to vector<2048x128xf32>
    %min3A_25 = arith.minimumf %add3A_21, %min3A_24 : vector<2048x128xf32>
    %exp3A = math.exp %min3A_25 : vector<2048x128xf32>
    %sub3A = arith.constant 1.000000e+00 : f32
    %sub3A_26 = vector.broadcast %sub3A : f32 to vector<2048x128xf32>
    %sub3A_27 = arith.subf %exp3A, %sub3A_26 : vector<2048x128xf32>
    %select_n3A = arith.select %gt3A_23, %add3A_21, %sub3A_27 : vector<2048x128xi1>, vector<2048x128xf32>
    %swap3A = arith.constant 0 : index
    %swap3A_28 = arith.constant 0 : index
    %swap3A_29 = vector.load %arg6[%swap3A, %swap3A_28] : memref<2048x128xf32, #tpu.memory_space<vmem>>, vector<2048x128xf32>
    tpu.vector_store %arg6[%swap3A, %swap3A_28], %select_n3A {strides = array<i32>} : memref<2048x128xf32, #tpu.memory_space<vmem>>, vector<2048x128xf32>,
    return
  }
  func.func @transform_0(%arg0: i32) -> (i32, i32, i32) {
    %c0_i32 = arith.constant 0 : i32
    %c0_i32_0 = arith.constant 0 : i32
    %c0_i32_1 = arith.constant 0 : i32
    return %c0_i32, %arg0, %c0_i32_0 : i32, i32, i32
  }
  func.func @transform_1(%arg0: i32) -> (i32, i32) {
    %c0_i32 = arith.constant 0 : i32
    %c0_i32_0 = arith.constant 0 : i32
    return %arg0, %c0_i32 : i32, i32
  }
  func.func @transform_2(%arg0: i32) -> (i32, i32) {
    %c0_i32 = arith.constant 0 : i32
    %c0_i32_0 = arith.constant 0 : i32
    return %arg0, %c0_i32 : i32, i32
  }
  func.func @transform_3(%arg0: i32) -> (i32, i32) {
    %c0_i32 = arith.constant 0 : i32
    %c0_i32_0 = arith.constant 0 : i32
    %c0_i32_1 = arith.constant 0 : i32
    return %c0_i32, %c0_i32_0 : i32, i32
  }
  func.func @transform_4(%arg0: i32) -> (i32, i32) {
    %c0_i32 = arith.constant 0 : i32
    %c0_i32_0 = arith.constant 0 : i32
    %c0_i32_1 = arith.constant 0 : i32
    return %c0_i32, %c0_i32_0 : i32, i32
  }
  func.func @transform_5(%arg0: i32) -> (i32, i32) {
    %c0_i32 = arith.constant 0 : i32
    %c0_i32_0 = arith.constant 0 : i32
    return %arg0, %c0_i32 : i32, i32
  }
}

</mosaic_0001>

<sc_bundles>
// kernel: kernel.10.cloned.1.call-start
scs
__scs_entry_jumppad:
0x0: {  	(pc) =	sbr.rel $0x88, $3  }
0x1: {  	(tag) =	ssettag $0x0;
	lr =	simm.s32 $0x1  }
0x2: {  	[smem:$0x3F99] =	sst lr;
	_ =	strace $0xD0000000  }
0x3: {  	_ = 	snop  }
0x4: {  	_ = 	snop  }
0x5: {  	_ = 	snop  }
0x6: {  	_ = 	snop  }
0x7: {  	_ = 	snop  }
__scs_overlays_trampoline_lowered:
0x8: {  	[smem:$0x3FA8] =	sst s0  }
0x9: {  	[smem:$0x3FA9] =	sst s1  }
0xa: {  	[smem:$0x3FAA] =	sst s2  }
0xb: {  	[smem:$0x3FAB] =	sst s3  }
0xc: {  	[smem:$0x3FAC] =	sst s4  }
0xd: {  	[smem:$0x3FAD] =	sst s5  }
0xe: {  	[smem:$0x3FAE] =	sst s6  }
0xf: {  	[smem:$0x3FAF] =	sst s7  }
0x10: {  	[smem:$0x3FB0] =	sst s8  }
0x11: {  	[smem:$0x3FB1] =	sst s9;
	s0 =	simm.s32 @!p0 $0x0  }
0x12: {  	s1 =	sld [smem:$0x3F97];
	s0 =	simm.s32 @p0 $0x1  }
0x13: {  	[smem:$0x3FB2] =	sst s0;
	s0 =	simm.s32 @!p1 $0x0  }
0x14: {  	s2 =	sld [smem:$0x3F96];
	s0 =	simm.s32 @p1 $0x1  }
0x15: {  	[smem:$0x3FB3] =	sst s0;
	s0 =	simm.s32 @!p2 $0x0  }
0x16: {  	s3 =	sld [smem:$0x3FDB];
	s0 =	simm.s32 @p2 $0x1  }
0x17: {  	s4 =	simm.s32 $0x1BF5;
	[smem:$0x3FB5] =	sst s0  }
0x18: {  	s0 =	sld [smem:$0x3F98];
	_ =	swait.ge [sflag:s4], $0x0  }
0x19: {  	s7 =	sld [smem:$0x3F99]  }
0x1a: {  	s8 =	sadd.s32 $0xFFFFE003, lr  }
0x1b: {  	s9 =	sadd.s32 $0xFFFFFEF7, lr;
	s5 =	simm.s32 $0xFFFFFFFF;
	p2 =	slt.u32 s8, $0xFFFFF086  }
0x1c: {  	p1 =	slt.u32 s9, $0xF7A;
	s5 =	simm.s32 @!p2 $0x0  }
0x1d: {  	s5 =	simm.s32 @p1 $0x1;
	p0 =	seq.s32 s7, s2  }
0x1e: {  	s7 =	smul.u32 @!p0 $0xF7A, s2;
	p2 =	seq.s32 @!p0 s5, $0x0  }
0x1f: {  	s9 =	smul.u32 $0xF7A, s1;
	s8 =	simm.s32 @!p0 $0x1BF5;
	p2 =	por !p2, p0  }
0x20: {  	[sflag:s8] =	ssyncset.s32 @!p0 $0xFFFFF086;
	s6 =	sadd.s32 @!p0 s3, s7;
	s7 =	simm.s32 @!p0 $0x108  }
0x21: {  	s3 =	sadd.s32 s3, s9;
	s6 =	sadd.s32 @!p0 $0x88, s6;
	s7 =	simm.s32 @p2 $0x1082  }
0x22: {  	[simem:s7], [sflag:s8] =	dma.local @!p0 [hbm:s6], $0xF7A  }
0x23: {  	s9 =	sor.u32 $0xD0000000, s2;
	s6 =	simm.s32 $0x108;
	_ =	swait.ge @!p0 [sflag:s8], $0x0  }
0x24: {  	s3 =	sadd.s32 $0x88, s3;
	s6 =	simm.s32 @!p1 $0x1082;
	[sflag:s4] =	ssyncset.s32 $0xFFFFF086  }
0x25: {  	[simem:s6], [sflag:s4] =	dma.local [hbm:s3], $0xF7A  }
0x26: {  	[smem:$0x3F99] =	sst s1;
	(tag) =	ssettag s2;
	_ =	strace s9  }
0x27: {  	s1 =	sld [smem:$0x3FA9]  }
0x28: {  	s2 =	sld [smem:$0x3FAA]  }
0x29: {  	s4 =	sld [smem:$0x3FAC]  }
0x2a: {  	p0 =	seq.s32 s5, $0x0;
	s5 =	sld [smem:$0x3FAD]  }
0x2b: {  	s6 =	sld [smem:$0x3FAE]  }
0x2c: {  	s7 =	sld [smem:$0x3FAF]  }
0x2d: {  	s3 =	simm.s32 $0x108;
	s8 =	sld [smem:$0x3FB0]  }
0x2e: {  	s3 =	simm.s32 @!p0 $0x1082;
	s9 =	sld [smem:$0x3FB1]  }
0x2f: {  	lr =	sadd.s32 s0, s3;
	s0 =	sld [smem:$0x3FA8]  }
0x30: {  	s3 =	sld [smem:$0x3FAB]  }
0x31: {  	[smem:$0x3FB4] =	sst s10  }
0x32: {  	s10 =	sld [smem:$0x3FB2];
	_ =	sdelay $0x3  }
0x33: {  	p0 =	seq.s32 s10, $0x1;
	s10 =	sld [smem:$0x3FB4];
	_ =	sdelay $0x3  }
0x34: {  	[smem:$0x3FB4] =	sst s10  }
0x35: {  	s10 =	sld [smem:$0x3FB3];
	_ =	sdelay $0x3  }
0x36: {  	p1 =	seq.s32 s10, $0x1;
	s10 =	sld [smem:$0x3FB4];
	_ =	sdelay $0x3  }
0x37: {  	[smem:$0x3FB4] =	sst s10  }
0x38: {  	s10 =	sld [smem:$0x3FB5]  }
0x39: {  	_ = 	snop;
	(pc) =	sbr.ind lr, $3  }
0x3a: {  	_ = 	snop  }
0x3b: {  	_ = 	snop  }
0x3c: {  	p2 =	seq.s32 s10, $0x1;
	s10 =	sld [smem:$0x3FB4]  }
0x3d: {  	_ =	shalt  }
0x3e: {  	_ =	shalt  }
0x3f: {  	_ =	shalt  }
0x40: {  	_ =	shalt  }
0x41: {  	_ =	shalt  }
0x42: {  	_ =	shalt  }
0x43: {  	_ =	shalt  }
0x44: {  	_ =	shalt  }
0x45: {  	_ =	shalt  }
0x46: {  	_ =	shalt  }
0x47: {  	_ =	shalt  }
0x48: {  	_ =	shalt  }
0x49: {  	_ =	shalt  }
0x4a: {  	_ =	shalt  }
0x4b: {  	_ =	shalt  }
0x4c: {  	_ =	shalt  }
0x4d: {  	_ =	shalt  }
0x4e: {  	_ =	shalt  }
0x4f: {  	_ =	shalt  }
0x50: {  	_ =	shalt  }
0x51: {  	_ =	shalt  }
0x52: {  	_ =	shalt  }
0x53: {  	_ =	shalt  }
0x54: {  	_ =	shalt  }
0x55: {  	_ =	shalt  }
0x56: {  	_ =	shalt  }
0x57: {  	_ =	shalt  }
0x58: {  	_ =	shalt  }
0x59: {  	_ =	shalt  }
0x5a: {  	_ =	shalt  }
0x5b: {  	_ =	shalt  }
0x5c: {  	_ =	shalt  }
0x5d: {  	_ =	shalt  }
0x5e: {  	_ =	shalt  }
0x5f: {  	_ =	shalt  }
0x60: {  	_ =	shalt  }
0x61: {  	_ =	shalt  }
0x62: {  	_ =	shalt  }
0x63: {  	_ =	shalt  }
0x64: {  	_ =	shalt  }
0x65: {  	_ =	shalt  }
0x66: {  	_ =	shalt  }
0x67: {  	_ =	shalt  }
0x68: {  	_ =	shalt  }
0x69: {  	_ =	shalt  }
0x6a: {  	_ =	shalt  }
0x6b: {  	_ =	shalt  }
0x6c: {  	_ =	shalt  }
0x6d: {  	_ =	shalt  }
0x6e: {  	_ =	shalt  }
0x6f: {  	_ =	shalt  }
0x70: {  	_ =	shalt  }
0x71: {  	_ =	shalt  }
0x72: {  	_ =	shalt  }
0x73: {  	_ =	shalt  }
0x74: {  	_ =	shalt  }
0x75: {  	_ =	shalt  }
0x76: {  	_ =	shalt  }
0x77: {  	_ =	shalt  }
0x78: {  	_ =	shalt  }
0x79: {  	_ =	shalt  }
0x7a: {  	_ =	shalt  }
0x7b: {  	_ =	shalt  }
0x7c: {  	_ =	shalt  }
0x7d: {  	_ =	shalt  }
0x7e: {  	_ =	shalt  }
0x7f: {  	_ =	shalt  }
0x80: {  	_ =	shalt  }
0x81: {  	_ =	shalt  }
0x82: {  	_ =	shalt  }
0x83: {  	_ =	shalt  }
0x84: {  	_ =	shalt  }
0x85: {  	_ =	shalt  }
0x86: {  	_ =	shalt  }
0x87: {  	_ =	shalt  }
.Lfunc_end0:
.L_simem_size_0:
called_computation_lowered:
.L_overlay_start_0:
0x88: {  	s2 =	sld [smem:$0x3FD9]  }
0x89: {  	s3 =	sld [smem:$0x3FFE];
	_ =	sdelay $0x1  }
0x8a: {  	s1 =	srdreg.scid  }
0x8b: {  	s0 =	sand.u32 $0x1, s1  }
0x8c: {  	s17 =	sshll.u32 s0, $0xA;
	s2 =	sadd.s32 s3, s2  }
0x8d: {  	s2 =	sadd.s32 s2, s17  }
0x8e: {  	[smem:$0x3FC0] =	sst s2  }
0x8f: {  	_ = 	snop  }
0x90: {  	s2 =	sld [smem:$0x3FD0];
	(tm) =	ssettm $0x1  }
0x91: {  	s18 =	sld [smem:$0x3FFB];
	_ =	sdelay $0x3  }
0x92: {  	_ =	strace s18  }
0x93: {  	s3 =	sld [smem:$0x3FFC];
	_ =	sdelay $0x3  }
0x94: {  	_ =	strace s3  }
0x95: {  	s3 =	sld [smem:$0x3FFD];
	_ =	sdelay $0x3  }
0x96: {  	_ =	strace s3  }
0x97: {  	_ =	strace $0x8FFFFFFF  }
0x98: {  	s19 =	sld [smem:$0x3FDB];
	_ =	sdelay $0x1  }
0x99: {  	s4 =	simm.s32 $_scs_section_size  }
0x9a: {  	s5 =	simm.s32 $_size__tile_overlayer_lowered;
	s6 =	simm.s32 $_tile_overlayer_lowered  }
0x9b: {  	s22 =	simm.s32 $0x1BFF;
	s21 =	sshll.u32 s6, $0x1;
	s3 =	sadd.s32 s4, s19  }
0x9c: {  	s7 =	simm.s32 $0x0;
	s20 =	sshll.u32 s5, $0x1;
	s5 =	sadd.s32 s21, s3  }
0x9d: {  	[timem:s7], [sflag:s22] =	dma.local [hbm:s5], s20  }
0x9e: {  	_ =	swait.ge [sflag:s22], s20  }
0x9f: {  	s4 =	ssub.s32 $0x0, s20;
	[sflag:s22] =	ssyncset.done $0x0  }
0xa0: {  	[sflag:s22] =	ssyncadd.s32 s4;
	_ =	sdelay $0x1  }
0xa1: {  	s23 =	simm.s32 $0x1B8B  }
0xa2: {  	_ =	swait.ge [sflag:s23], $0x1  }
0xa3: {  	[sflag:s23] =	ssyncset.done $0x0  }
0xa4: {  	s25 =	simm.s32 $0x1B8E;
	s24 =	sld [smem:$0x3FFE];
	[sflag:s23] =	ssyncadd.s32 $0xFFFFFFFF  }
0xa5: {  	s26 =	simm.s32 $execute0_lowered;
	[smem:$0x3FD2] =	sst s25  }
0xa6: {  	s5 =	sshll.u32 s26, $0x1;
	_ =	strace $0x80000046;
	[dreg:$0x1] =	wrdreg $0xFFFFFFFF  }
0xa7: {  	s28 =	simm.s32 $_size_execute0_lowered;
	s3 =	sadd.s32 s3, s5;
	[dreg:$0x0] =	wrdreg $0x0  }
0xa8: {  	s5 =	sshll.u32 s28, $0x1;
	[dreg:$0x2] =	wrdreg s3  }
0xa9: {  	[dreg:$0x3] =	wrdreg s5  }
0xaa: {  	[dreg:$0x4] =	wrdreg $0xC0  }
0xab: {  	_ =	task [dreg:s7], $0x5FFFF  }
0xac: {  	[dreg:$0x1] =	wrdreg $0xFFFFFFFF  }
0xad: {  	[dreg:$0x0] =	wrdreg $0x60  }
0xae: {  	[dreg:$0x2] =	wrdreg s24  }
0xaf: {  	[dreg:$0x3] =	wrdreg s2  }
0xb0: {  	[dreg:$0x4] =	wrdreg $0x5000  }
0xb1: {  	[dreg:$0x5] =	wrdreg $0x7800  }
0xb2: {  	[dreg:$0x6] =	wrdreg $0x9  }
0xb3: {  	_ =	task.clear_ibuf [dreg:s7], $0x7FFFF;
	_ =	strace $0x90000046  }
0xb4: {  	s29 =	simm.s32 $0x9;
	_ =	strace $0x80000048  }
0xb5: {  	_ =	swait.ge [sflag:s29], $0x1  }
0xb6: {  	[sflag:s29] =	ssyncadd.s32 $0xFFFFFFFF  }
0xb7: {  	_ =	strace $0x90000048  }
0xb8: {  	_ =	sfence  }
0xb9: {  	s30 =	sld [smem:$0x0];
	_ =	sdelay $0x2  }
0xba: {  	s31 =	sshll.u32 s1, $0xD;
	s1 =	sshrl.u32 s1, $0x2  }
0xbb: {  	s3 =	sand.u32 $0x4000, s31;
	s1 =	sadd.s32 s1, s30  }
0xbc: {  	s0 =	sor.u32 s3, s0;
	s1 =	sshll.u32 s1, $0x11  }
0xbd: {  	s0 =	sor.u32 s1, s0  }
0xbe: {  	s0 =	sadd.s32 $0x8F2B, s0  }
0xbf: {  	[sflag:s0] =	ssyncadd.remote.s32 $0x1  }
0xc0: {  	_ =	sfence.sel $0xFFFF  }
0xc1: {  	[dreg:$0x0] =	wrdreg $0xFFFFFFFF;
	(pc) =	sbr.abs _section_cstart, $3  }
0xc2: {  	[dreg:$0x1] =	wrdreg $0xFFFFFFFF  }
0xc3: {  	_ =	task.clear_ibuf [dreg:s7], $0x2FFFF;
	_ =	strace $0x9FFFFFFF  }
0xc4: {  	(tm) =	ssettm $0x7FFFFFFF  }
0xc5: {  	_ =	shalt  }
tec
execute0_lowered:
.L_overlay_start_1:
0x0: {  	(tag) =	ssettag $0x1  }
0x1: {  	s0 =	rddreg [dreg:$0x0]  }
0x2: {  	s4 =	rddreg [dreg:$0x1]  }
0x3: {  	s1 =	rddreg [dreg:$0x2]  }
0x4: {  	s2 =	rddreg [dreg:$0x3];
	s3 =	simm.s32 $0x0;
	s6 =	srdreg.scid  }
0x5: {  	s7 =	stileid.u32;
	s28 =	simm.s32 $0x400;
	s29 =	simm.s32 $0x7  }
0x6: {  	s31 =	simm.s32 $0x180;
	[smem:$0x7FF] =	sst s3;
	s5 =	sadd.s32 $0xCC00, s0  }
0x7: {  	s9 =	sand.u32 $0x1, s6;
	s6 =	sadd.s32 $0x2E00, s0;
	s8 =	smul.u32 $0x500, s7  }
0x8: {  	s11 =	sadd.s32 $0x16A00, s0;
	s14 =	smul.u32 $0x280, s7;
	s21 =	sadd.s32 $0x16C00, s0  }
0x9: {  	s16 =	smul.u32 $0x2710, s7;
	_ =	strace $0x80000047;
	s10 =	sshll.u32 s9, $0x4  }
0xa: {  	[dreg:$0x5] =	wrdreg s11;
	s19 =	sshll.u32 s9, $0x7;
	s20 =	ssub.s32 $0x2, s9  }
0xb: {  	[dreg:$0x6] =	wrdreg s21;
	s9 =	smul.u32 $0x27100, s9;
	s10 =	sor.u32 s7, s10  }
0xc: {  	s8 =	sor.u32 s19, s8;
	s13 =	sshrl.u32 s20, $0x1;
	s22 =	sadd.s32 s14, s1  }
0xd: {  	s23 =	sadd.s32 s14, s2;
	s10 =	smul.u32 $0x2710, s10;
	[dreg:$0x7] =	wrdreg s22  }
0xe: {  	s12 =	sshrl.u32 s8, $0x3;
	s11 =	ssub.s32 s20, s13;
	[dreg:$0x8] =	wrdreg s23  }
0xf: {  	s21 =	sadd.s32 s16, s9;
	s8 =	simm.s32 $0x480;
	s13 =	simm.s32 $0x2  }
0x10: {  	s16 =	simm.s32 $0x6;
	s0 =	sadd.s32 s12, s0;
	s4 =	sadd.s32 s4, s12  }
0x11: {  	s9 =	sadd.s32 $0x200, s21;
	s12 =	simm.s32 $0x4;
	s10 =	sshrl.u32 s10, $0x3  }
0x12: {  	[dreg:$0x11] =	wrdreg s4;
	s0 =	sadd.s32 $0x16E00, s0;
	s9 =	sshrl.u32 s9, $0x3  }
0x13: {  	s4 =	simm.s32 $0x200;
	s24 =	sadd.s32 s5, s10;
	[dreg:$0x12] =	wrdreg s0  }
0x14: {  	s25 =	sadd.s32 s6, s10;
	s26 =	sadd.s32 $0x10, s10;
	[dreg:$0x9] =	wrdreg s24  }
0x15: {  	s15 =	sadd.s32 $0x20, s10;
	[dreg:$0xa] =	wrdreg s25;
	s30 =	sadd.s32 s5, s26  }
0x16: {  	s10 =	sadd.s32 $0x4E0, s10;
	s14 =	sadd.s32 s6, s26;
	[dreg:$0xb] =	wrdreg s30  }
0x17: {  	s17 =	sadd.s32 s5, s15;
	s18 =	sadd.s32 s6, s15;
	[dreg:$0xc] =	wrdreg s14  }
0x18: {  	s19 =	sadd.s32 s5, s10;
	s20 =	sadd.s32 s6, s10;
	[dreg:$0xd] =	wrdreg s17  }
0x19: {  	s25 =	sadd.s32 $0x280, s21;
	s26 =	smax.u32 s11, $0x1;
	[dreg:$0xe] =	wrdreg s18  }
0x1a: {  	s24 =	sadd.s32 s9, s6;
	s10 =	simm.s32 $0x280;
	[dreg:$0xf] =	wrdreg s19  }
.Ltmp0:
0x1b: {  	s11 =	simm.s32 $0x1;
	[dreg:$0x10] =	wrdreg s20;
	(pc) =	sbr.rel .LBB2_1-.Ltmp0, $4  }
0x1c: {  	s15 =	simm.s32 $0x3;
	[dreg:$0x13] =	wrdreg s26;
	s0 =	sshrl.u32 s25, $0x3  }
0x1d: {  	s25 =	sadd.s32 s9, s5;
	s30 =	sadd.s32 $0x180, s21;
	s9 =	simm.s32 $0x100  }
0x1e: {  	s14 =	simm.s32 $0x5;
	s21 =	simm.s32 $0x0;
	s22 =	sadd.s32 s0, s6  }
0x1f: {  	s23 =	sadd.s32 s0, s5;
	[dreg:$0x14] =	wrdreg s30;
	s0 =	simm.s32 $0x80  }
.LBB2_4:
0x20: {  	s7 =	rddreg [dreg:$0xf];
	s19 =	simm.s32 $0x300  }
0x21: {  	[tilespmem:s19], [sflag:$0x7] =	stream.linear.gather [hbm4b:s7+s3], $0x10, $0x38;
	[tilespmem:$0xA00] =	vst v63  }
0x22: {  	_ =	swait.ge [sflag:s29], $0x10  }
0x23: {  	[sflag:s29] =	ssyncset.done $0x0  }
0x24: {  	s20 =	simm.s32 $0x380;
	s8 =	rddreg [dreg:$0x10];
	[sflag:s29] =	ssyncadd.s32 $0xFFFFFFF0  }
0x25: {  	[tilespmem:s20], [sflag:$0x7] =	stream.linear.gather [hbm4b:s8+s3], $0x10, $0x38;
	[tilespmem:$0xA00] =	vst v63  }
0x26: {  	_ =	swait.ge [sflag:s29], $0x10  }
0x27: {  	[sflag:s29] =	ssyncset.done $0x0  }
0x28: {  	s30 =	simm.s32 $0x10;
	s8 =	simm.s32 $0x480;
	[sflag:s29] =	ssyncadd.s32 $0xFFFFFFF0  }
0x29: {  	[spmem:s1] =	stream.indirect.scatter.add.f32 [tilespmem:s8], [sflag:$0x7], $0x1, s19, s30, $0xb8;
	[tilespmem:$0xA00] =	vst v63  }
0x2a: {  	_ =	swait.ge [sflag:s29], $0x10  }
0x2b: {  	[sflag:s29] =	ssyncset.done $0x0  }
0x2c: {  	[sflag:s29] =	ssyncadd.s32 $0xFFFFFFF0  }
0x2d: {  	[spmem:s2] =	stream.indirect.scatter.add.f32 [tilespmem:s8], [sflag:$0x7], $0x1, s20, s30, $0xb8;
	[tilespmem:$0xA00] =	vst v63  }
0x2e: {  	_ =	swait.ge [sflag:s29], $0x10  }
0x2f: {  	[sflag:s29] =	ssyncset.done $0x0  }
0x30: {  	[sflag:s29] =	ssyncadd.s32 $0xFFFFFFF0  }
0x31: {  	[bflag:$0x0] =	sbarrier.arrive $0xFFFF  }
0x32: {  	s19 =	simm.s32 $0x20;
	s20 =	rddreg [dreg:$0x11]  }
0x33: {  	[hbm:s20@s19], [sflag:s26] =	dma.strided [spmem:s17@s30], $0x50, s11, $0x10   }
0x34: {  	_ =	swait.ge [sflag:s29], $0x50  }
0x35: {  	[sflag:s29] =	ssyncset.done $0x0  }
0x36: {  	s20 =	rddreg [dreg:$0x12];
	[sflag:s29] =	ssyncadd.s32 $0xFFFFFFB0  }
0x37: {  	[hbm:s20@s19], [sflag:s26] =	dma.strided [spmem:s18@s30], $0x50, s11, $0x10   }
0x38: {  	_ =	swait.ge [sflag:s29], $0x50  }
0x39: {  	s21 =	sadd.s32 $0x1, s21;
	s30 =	rddreg [dreg:$0x13]  }
0x3a: {  	p0 =	sne.s32 s21, s30  }
.Ltmp1:
0x3b: {  	_ = 	snop;
	(pc) =	sbr.rel @!p0 .LBB2_5-.Ltmp1, $3  }
0x3c: {  	_ =	sdelay $0x1  }
0x3d: {  	[sflag:s29] =	ssyncset.done $0x0  }
0x3e: {  	[sflag:s29] =	ssyncadd.s32 $0xFFFFFFB0  }
.LBB2_1:
0x3f: {  	s7 =	rddreg [dreg:$0x5]  }
0x40: {  	[tilespmem:s28], [sflag:$0x7] =	stream.linear.gather [hbm4b:s7+s3], $0x80, $0x38;
	[tilespmem:$0xA00] =	vst v63  }
0x41: {  	_ =	swait.ge [sflag:s29], $0x80  }
0x42: {  	[sflag:s29] =	ssyncset.done $0x0  }
0x43: {  	s17 =	stileid.u32;
	[sflag:s29] =	ssyncadd.s32 $0xFFFFFF80  }
0x44: {  	[tilespmem:s8], [sflag:$0x7] =	stream.linear.gather [hbm4b:s7+s3], $0x10, $0x38;
	[tilespmem:$0xA00] =	vst v63  }
0x45: {  	s17 =	sshll.u32 s17, $0x6;
	_ =	swait.ge [sflag:s29], $0x10  }
0x46: {  	s26 =	sor.u32 $0x1C07, s17;
	[sflag:s29] =	ssyncset.done $0x0;
	s18 =	rddreg [dreg:$0x7]  }
0x47: {  	s19 =	rddreg [dreg:$0x6];
	[sflag:s29] =	ssyncadd.s32 $0xFFFFFFF0;
	s17 =	sshrl.u32 s18, $0x3  }
0x48: {  	[spmem:s17], [sflag:s26] =	dma.local [hbm:s19], $0x50  }
0x49: {  	_ =	swait.ge [sflag:s29], $0x50  }
0x4a: {  	[sflag:s29] =	ssyncset.done $0x0;
	s20 =	rddreg [dreg:$0x8]  }
0x4b: {  	[sflag:s29] =	ssyncadd.s32 $0xFFFFFFB0;
	s18 =	sshrl.u32 s20, $0x3  }
0x4c: {  	[spmem:s18], [sflag:s26] =	dma.local [hbm:s19], $0x50  }
0x4d: {  	_ =	swait.ge [sflag:s29], $0x50  }
0x4e: {  	[sflag:s29] =	ssyncset.done $0x0  }
0x4f: {  	[sflag:s29] =	ssyncadd.s32 $0xFFFFFFB0  }
0x50: {  	[bflag:$0x0] =	sbarrier.arrive $0xFFFF  }
0x51: {  	s8 =	rddreg [dreg:$0x9]  }
0x52: {  	[tilespmem:s3], [sflag:$0x1] =	stream.linear.gather [hbm4b:s8+s3], $0x80, $0x38;
	[tilespmem:$0xA00] =	vst v63  }
0x53: {  	s19 =	rddreg [dreg:$0xa]  }
0x54: {  	[tilespmem:s31], [sflag:$0x4] =	stream.linear.gather [hbm4b:s19+s3], $0x80, $0x38;
	[tilespmem:$0xA00] =	vst v63  }
0x55: {  	s20 =	rddreg [dreg:$0xb]  }
0x56: {  	[tilespmem:s0], [sflag:$0x2] =	stream.linear.gather [hbm4b:s20+s3], $0x80, $0x38;
	[tilespmem:$0xA00] =	vst v63  }
0x57: {  	s8 =	rddreg [dreg:$0xc]  }
0x58: {  	[tilespmem:s4], [sflag:$0x5] =	stream.linear.gather [hbm4b:s8+s3], $0x80, $0x38;
	[tilespmem:$0xA00] =	vst v63  }
0x59: {  	s19 =	rddreg [dreg:$0xd]  }
0x5a: {  	[tilespmem:s9], [sflag:$0x3] =	stream.linear.gather [hbm4b:s19+s3], $0x80, $0x38;
	[tilespmem:$0xA00] =	vst v63  }
0x5b: {  	s20 =	rddreg [dreg:$0xe]  }
0x5c: {  	[tilespmem:s10], [sflag:$0x6] =	stream.linear.gather [hbm4b:s20+s3], $0x80, $0x38;
	[tilespmem:$0xA00] =	vst v63  }
0x5d: {  	s30 =	simm.s32 $0x0;
	s20 =	rddreg [dreg:$0x14]  }
.LBB2_2:
0x5e: {  	_ =	swait.ge [sflag:s11], $0x80  }
0x5f: {  	[sflag:s11] =	ssyncset.done $0x0  }
0x60: {  	[sflag:s11] =	ssyncadd.s32 $0xFFFFFF80  }
0x61: {  	_ =	swait.ge [sflag:s12], $0x80  }
0x62: {  	[sflag:s12] =	ssyncset.done $0x0  }
0x63: {  	[sflag:s12] =	ssyncadd.s32 $0xFFFFFF80  }
0x64: {  	[spmem:s1] =	stream.indirect.scatter.add.f32 [tilespmem:s28], [sflag:$0x7], $0x1, s3, s0, $0xb8;
	[tilespmem:$0xA00] =	vst v63  }
0x65: {  	_ =	swait.ge [sflag:s29], $0x80  }
0x66: {  	[sflag:s29] =	ssyncset.done $0x0  }
0x67: {  	[sflag:s29] =	ssyncadd.s32 $0xFFFFFF80  }
0x68: {  	[spmem:s2] =	stream.indirect.scatter.add.f32 [tilespmem:s28], [sflag:$0x7], $0x1, s31, s0, $0xb8;
	[tilespmem:$0xA00] =	vst v63  }
0x69: {  	p0 =	seq.s32 s30, $0x4B0;
	_ =	swait.ge [sflag:s29], $0x80  }
0x6a: {  	s7 =	sshrl.u32 @!p0 s20, $0x3;
	[sflag:s29] =	ssyncset.done $0x0  }
0x6b: {  	s19 =	simm.s32 @!p0 $0x0;
	s8 =	sadd.s32 @!p0 s5, s7;
	[sflag:s29] =	ssyncadd.s32 $0xFFFFFF80  }
0x6c: {  	[tilespmem:s19], [sflag:$0x1] =	stream.linear.gather @!p0 [hbm4b:s8+s19], $0x80, $0x38;
	[tilespmem:$0xA00] =	vst v63  }
0x6d: {  	s7 =	sadd.s32 @!p0 s6, s7;
	s8 =	simm.s32 @!p0 $0x180  }
0x6e: {  	[tilespmem:s8], [sflag:$0x4] =	stream.linear.gather @!p0 [hbm4b:s7+s19], $0x80, $0x38;
	[tilespmem:$0xA00] =	vst v63  }
0x6f: {  	_ =	swait.ge [sflag:s13], $0x80  }
0x70: {  	[sflag:s13] =	ssyncset.done $0x0  }
0x71: {  	[sflag:s13] =	ssyncadd.s32 $0xFFFFFF80  }
0x72: {  	_ =	swait.ge [sflag:s14], $0x80  }
0x73: {  	[sflag:s14] =	ssyncset.done $0x0  }
0x74: {  	[sflag:s14] =	ssyncadd.s32 $0xFFFFFF80  }
0x75: {  	[spmem:s1] =	stream.indirect.scatter.add.f32 [tilespmem:s28], [sflag:$0x7], $0x1, s0, s0, $0xb8;
	[tilespmem:$0xA00] =	vst v63  }
0x76: {  	_ =	swait.ge [sflag:s29], $0x80  }
0x77: {  	[sflag:s29] =	ssyncset.done $0x0  }
0x78: {  	[sflag:s29] =	ssyncadd.s32 $0xFFFFFF80  }
0x79: {  	[spmem:s2] =	stream.indirect.scatter.add.f32 [tilespmem:s28], [sflag:$0x7], $0x1, s4, s0, $0xb8;
	[tilespmem:$0xA00] =	vst v63  }
0x7a: {  	_ =	swait.ge [sflag:s29], $0x80  }
0x7b: {  	[sflag:s29] =	ssyncset.done $0x0  }
0x7c: {  	s7 =	sadd.s32 @!p0 s30, s25;
	s8 =	simm.s32 @!p0 $0x80;
	[sflag:s29] =	ssyncadd.s32 $0xFFFFFF80  }
0x7d: {  	[tilespmem:s8], [sflag:$0x2] =	stream.linear.gather @!p0 [hbm4b:s7+s19], $0x80, $0x38;
	[tilespmem:$0xA00] =	vst v63  }
0x7e: {  	s7 =	sadd.s32 @!p0 s30, s24;
	s8 =	simm.s32 @!p0 $0x200  }
0x7f: {  	[tilespmem:s8], [sflag:$0x5] =	stream.linear.gather @!p0 [hbm4b:s7+s19], $0x80, $0x38;
	[tilespmem:$0xA00] =	vst v63  }
0x80: {  	_ =	swait.ge [sflag:s15], $0x80  }
0x81: {  	[sflag:s15] =	ssyncset.done $0x0  }
0x82: {  	[sflag:s15] =	ssyncadd.s32 $0xFFFFFF80  }
0x83: {  	_ =	swait.ge [sflag:s16], $0x80  }
0x84: {  	[sflag:s16] =	ssyncset.done $0x0  }
0x85: {  	[sflag:s16] =	ssyncadd.s32 $0xFFFFFF80  }
0x86: {  	[spmem:s1] =	stream.indirect.scatter.add.f32 [tilespmem:s28], [sflag:$0x7], $0x1, s9, s0, $0xb8;
	[tilespmem:$0xA00] =	vst v63  }
0x87: {  	_ =	swait.ge [sflag:s29], $0x80  }
0x88: {  	[sflag:s29] =	ssyncset.done $0x0  }
.Ltmp2:
0x89: {  	[sflag:s29] =	ssyncadd.s32 $0xFFFFFF80;
	(pc) =	sbr.rel @p0 .LBB2_4-.Ltmp2, $4  }
0x8a: {  	[spmem:s2] =	stream.indirect.scatter.add.f32 [tilespmem:s28], [sflag:$0x7], $0x1, s10, s0, $0xb8;
	[tilespmem:$0xA00] =	vst v63  }
0x8b: {  	_ =	swait.ge [sflag:s29], $0x80  }
0x8c: {  	[sflag:s29] =	ssyncset.done $0x0  }
0x8d: {  	[sflag:s29] =	ssyncadd.s32 $0xFFFFFF80  }
.Ltmp3:
0x8e: {  	(pc) =	sbr.rel .LBB2_2-.Ltmp3, $4  }
0x8f: {  	s7 =	sadd.s32 s30, s23  }
0x90: {  	[tilespmem:s9], [sflag:$0x3] =	stream.linear.gather [hbm4b:s7+s3], $0x80, $0x38;
	[tilespmem:$0xA00] =	vst v63  }
0x91: {  	s19 =	sadd.s32 s30, s22;
	s30 =	sadd.s32 $0x30, s30;
	s20 =	sadd.s32 $0x180, s20  }
0x92: {  	[tilespmem:s10], [sflag:$0x6] =	stream.linear.gather [hbm4b:s19+s3], $0x80, $0x38;
	[tilespmem:$0xA00] =	vst v63  }
.LBB2_5:
0x93: {  	_ =	sfence.sel $0x180000  }
0x94: {  	[bflag:$0x0] =	sbarrier.arrive $0xFFFF  }
0x95: {  	_ =	strace $0x90000047  }
0x96: {  	s0 =	stileid.u32;
	[bflag:$0x2] =	sbarrier.arrive $0xFFFF  }
0x97: {  	p0 =	sne.s32 s0, $0x0;
	s0 =	rddreg [dreg:$0x4]  }
0x98: {  	s0 =	sadd.s32 @!p0 $0x100000, s0  }
0x99: {  	[sflag:s0] =	ssyncadd.tile.s32 @!p0 $0x1;
	_ =	shalt  }
.Lfunc_end2:
_tile_overlayer_lowered:
.L_overlay_start_2:
0x9a: {  	(tag) =	ssettag $0x2  }
0x9b: {  	s0 =	rddreg [dreg:$0x0];
	s2 =	stileid.u32  }
0x9c: {  	s1 =	rddreg [dreg:$0x1];
	p0 =	sne.s32 s2, $0x0  }
0x9d: {  	s3 =	rddreg [dreg:$0x2];
	[bflag:$0x3] =	sbarrier.arrive $0xFFFF;
	s2 =	simm.s32 @!p0 $0x1C07  }
0x9e: {  	[timem:s3], [sflag:s2] =	dma.local @!p0 [hbm:s0], s1  }
0x9f: {  	s0 =	simm.s32 @!p0 $0x7  }
0xa0: {  	_ =	swait.ge @!p0 [sflag:s0], s1  }
0xa1: {  	s1 =	ssub.s32 @!p0 $0x0, s1;
	[sflag:s0] =	ssyncset.done @!p0 $0x0  }
0xa2: {  	[sflag:s0] =	ssyncadd.s32 @!p0 s1  }
0xa3: {  	[bflag:$0x3] =	sbarrier.arrive $0xFFFF  }
0xa4: {  	_ =	shalt  }

// kernel: kernel.13.cloned.1.call-start
scs
__scs_entry_jumppad:
0x0: {  	(pc) =	sbr.rel $0x88, $3  }
0x1: {  	(tag) =	ssettag $0x0;
	lr =	simm.s32 $0x1  }
0x2: {  	[smem:$0x3F99] =	sst lr;
	_ =	strace $0xD0000000  }
0x3: {  	_ = 	snop  }
0x4: {  	_ = 	snop  }
0x5: {  	_ = 	snop  }
0x6: {  	_ = 	snop  }
0x7: {  	_ = 	snop  }
__scs_overlays_trampoline_lowered:
0x8: {  	[smem:$0x3FA8] =	sst s0  }
0x9: {  	[smem:$0x3FA9] =	sst s1  }
0xa: {  	[smem:$0x3FAA] =	sst s2  }
0xb: {  	[smem:$0x3FAB] =	sst s3  }
0xc: {  	[smem:$0x3FAC] =	sst s4  }
0xd: {  	[smem:$0x3FAD] =	sst s5  }
0xe: {  	[smem:$0x3FAE] =	sst s6  }
0xf: {  	[smem:$0x3FAF] =	sst s7  }
0x10: {  	[smem:$0x3FB0] =	sst s8  }
0x11: {  	[smem:$0x3FB1] =	sst s9;
	s0 =	simm.s32 @!p0 $0x0  }
0x12: {  	s1 =	sld [smem:$0x3F97];
	s0 =	simm.s32 @p0 $0x1  }
0x13: {  	[smem:$0x3FB2] =	sst s0;
	s0 =	simm.s32 @!p1 $0x0  }
0x14: {  	s2 =	sld [smem:$0x3F96];
	s0 =	simm.s32 @p1 $0x1  }
0x15: {  	[smem:$0x3FB3] =	sst s0;
	s0 =	simm.s32 @!p2 $0x0  }
0x16: {  	s3 =	sld [smem:$0x3FDB];
	s0 =	simm.s32 @p2 $0x1  }
0x17: {  	s4 =	simm.s32 $0x1BF5;
	[smem:$0x3FB5] =	sst s0  }
0x18: {  	s0 =	sld [smem:$0x3F98];
	_ =	swait.ge [sflag:s4], $0x0  }
0x19: {  	s7 =	sld [smem:$0x3F99]  }
0x1a: {  	s8 =	sadd.s32 $0xFFFFE003, lr  }
0x1b: {  	s9 =	sadd.s32 $0xFFFFFEF7, lr;
	s5 =	simm.s32 $0xFFFFFFFF;
	p2 =	slt.u32 s8, $0xFFFFF086  }
0x1c: {  	p1 =	slt.u32 s9, $0xF7A;
	s5 =	simm.s32 @!p2 $0x0  }
0x1d: {  	s5 =	simm.s32 @p1 $0x1;
	p0 =	seq.s32 s7, s2  }
0x1e: {  	s7 =	smul.u32 @!p0 $0xF7A, s2;
	p2 =	seq.s32 @!p0 s5, $0x0  }
0x1f: {  	s9 =	smul.u32 $0xF7A, s1;
	s8 =	simm.s32 @!p0 $0x1BF5;
	p2 =	por !p2, p0  }
0x20: {  	[sflag:s8] =	ssyncset.s32 @!p0 $0xFFFFF086;
	s6 =	sadd.s32 @!p0 s3, s7;
	s7 =	simm.s32 @!p0 $0x108  }
0x21: {  	s3 =	sadd.s32 s3, s9;
	s6 =	sadd.s32 @!p0 $0x88, s6;
	s7 =	simm.s32 @p2 $0x1082  }
0x22: {  	[simem:s7], [sflag:s8] =	dma.local @!p0 [hbm:s6], $0xF7A  }
0x23: {  	s9 =	sor.u32 $0xD0000000, s2;
	s6 =	simm.s32 $0x108;
	_ =	swait.ge @!p0 [sflag:s8], $0x0  }
0x24: {  	s3 =	sadd.s32 $0x88, s3;
	s6 =	simm.s32 @!p1 $0x1082;
	[sflag:s4] =	ssyncset.s32 $0xFFFFF086  }
0x25: {  	[simem:s6], [sflag:s4] =	dma.local [hbm:s3], $0xF7A  }
0x26: {  	[smem:$0x3F99] =	sst s1;
	(tag) =	ssettag s2;
	_ =	strace s9  }
0x27: {  	s1 =	sld [smem:$0x3FA9]  }
0x28: {  	s2 =	sld [smem:$0x3FAA]  }
0x29: {  	s4 =	sld [smem:$0x3FAC]  }
0x2a: {  	p0 =	seq.s32 s5, $0x0;
	s5 =	sld [smem:$0x3FAD]  }
0x2b: {  	s6 =	sld [smem:$0x3FAE]  }
0x2c: {  	s7 =	sld [smem:$0x3FAF]  }
0x2d: {  	s3 =	simm.s32 $0x108;
	s8 =	sld [smem:$0x3FB0]  }
0x2e: {  	s3 =	simm.s32 @!p0 $0x1082;
	s9 =	sld [smem:$0x3FB1]  }
0x2f: {  	lr =	sadd.s32 s0, s3;
	s0 =	sld [smem:$0x3FA8]  }
0x30: {  	s3 =	sld [smem:$0x3FAB]  }
0x31: {  	[smem:$0x3FB4] =	sst s10  }
0x32: {  	s10 =	sld [smem:$0x3FB2];
	_ =	sdelay $0x3  }
0x33: {  	p0 =	seq.s32 s10, $0x1;
	s10 =	sld [smem:$0x3FB4];
	_ =	sdelay $0x3  }
0x34: {  	[smem:$0x3FB4] =	sst s10  }
0x35: {  	s10 =	sld [smem:$0x3FB3];
	_ =	sdelay $0x3  }
0x36: {  	p1 =	seq.s32 s10, $0x1;
	s10 =	sld [smem:$0x3FB4];
	_ =	sdelay $0x3  }
0x37: {  	[smem:$0x3FB4] =	sst s10  }
0x38: {  	s10 =	sld [smem:$0x3FB5]  }
0x39: {  	_ = 	snop;
	(pc) =	sbr.ind lr, $3  }
0x3a: {  	_ = 	snop  }
0x3b: {  	_ = 	snop  }
0x3c: {  	p2 =	seq.s32 s10, $0x1;
	s10 =	sld [smem:$0x3FB4]  }
0x3d: {  	_ =	shalt  }
0x3e: {  	_ =	shalt  }
0x3f: {  	_ =	shalt  }
0x40: {  	_ =	shalt  }
0x41: {  	_ =	shalt  }
0x42: {  	_ =	shalt  }
0x43: {  	_ =	shalt  }
0x44: {  	_ =	shalt  }
0x45: {  	_ =	shalt  }
0x46: {  	_ =	shalt  }
0x47: {  	_ =	shalt  }
0x48: {  	_ =	shalt  }
0x49: {  	_ =	shalt  }
0x4a: {  	_ =	shalt  }
0x4b: {  	_ =	shalt  }
0x4c: {  	_ =	shalt  }
0x4d: {  	_ =	shalt  }
0x4e: {  	_ =	shalt  }
0x4f: {  	_ =	shalt  }
0x50: {  	_ =	shalt  }
0x51: {  	_ =	shalt  }
0x52: {  	_ =	shalt  }
0x53: {  	_ =	shalt  }
0x54: {  	_ =	shalt  }
0x55: {  	_ =	shalt  }
0x56: {  	_ =	shalt  }
0x57: {  	_ =	shalt  }
0x58: {  	_ =	shalt  }
0x59: {  	_ =	shalt  }
0x5a: {  	_ =	shalt  }
0x5b: {  	_ =	shalt  }
0x5c: {  	_ =	shalt  }
0x5d: {  	_ =	shalt  }
0x5e: {  	_ =	shalt  }
0x5f: {  	_ =	shalt  }
0x60: {  	_ =	shalt  }
0x61: {  	_ =	shalt  }
0x62: {  	_ =	shalt  }
0x63: {  	_ =	shalt  }
0x64: {  	_ =	shalt  }
0x65: {  	_ =	shalt  }
0x66: {  	_ =	shalt  }
0x67: {  	_ =	shalt  }
0x68: {  	_ =	shalt  }
0x69: {  	_ =	shalt  }
0x6a: {  	_ =	shalt  }
0x6b: {  	_ =	shalt  }
0x6c: {  	_ =	shalt  }
0x6d: {  	_ =	shalt  }
0x6e: {  	_ =	shalt  }
0x6f: {  	_ =	shalt  }
0x70: {  	_ =	shalt  }
0x71: {  	_ =	shalt  }
0x72: {  	_ =	shalt  }
0x73: {  	_ =	shalt  }
0x74: {  	_ =	shalt  }
0x75: {  	_ =	shalt  }
0x76: {  	_ =	shalt  }
0x77: {  	_ =	shalt  }
0x78: {  	_ =	shalt  }
0x79: {  	_ =	shalt  }
0x7a: {  	_ =	shalt  }
0x7b: {  	_ =	shalt  }
0x7c: {  	_ =	shalt  }
0x7d: {  	_ =	shalt  }
0x7e: {  	_ =	shalt  }
0x7f: {  	_ =	shalt  }
0x80: {  	_ =	shalt  }
0x81: {  	_ =	shalt  }
0x82: {  	_ =	shalt  }
0x83: {  	_ =	shalt  }
0x84: {  	_ =	shalt  }
0x85: {  	_ =	shalt  }
0x86: {  	_ =	shalt  }
0x87: {  	_ =	shalt  }
.Lfunc_end0:
.L_simem_size_0:
called_computation.1_lowered:
.L_overlay_start_0:
0x88: {  	s2 =	sld [smem:$0x3FD9]  }
0x89: {  	s3 =	sld [smem:$0x3FFE];
	_ =	sdelay $0x1  }
0x8a: {  	s1 =	srdreg.scid  }
0x8b: {  	s0 =	sand.u32 $0x1, s1  }
0x8c: {  	s17 =	sshll.u32 s0, $0xA;
	s2 =	sadd.s32 s3, s2  }
0x8d: {  	s2 =	sadd.s32 s2, s17  }
0x8e: {  	[smem:$0x3FC0] =	sst s2  }
0x8f: {  	_ = 	snop  }
0x90: {  	s2 =	sld [smem:$0x3FD0];
	(tm) =	ssettm $0x1  }
0x91: {  	s18 =	sld [smem:$0x3FFB];
	_ =	sdelay $0x3  }
0x92: {  	_ =	strace s18  }
0x93: {  	s3 =	sld [smem:$0x3FFC];
	_ =	sdelay $0x3  }
0x94: {  	_ =	strace s3  }
0x95: {  	s3 =	sld [smem:$0x3FFD];
	_ =	sdelay $0x3  }
0x96: {  	_ =	strace s3  }
0x97: {  	_ =	strace $0x8FFFFFFF  }
0x98: {  	s19 =	sld [smem:$0x3FDB];
	_ =	sdelay $0x1  }
0x99: {  	s4 =	simm.s32 $_scs_section_size  }
0x9a: {  	s5 =	simm.s32 $_size__tile_overlayer_lowered;
	s6 =	simm.s32 $_tile_overlayer_lowered  }
0x9b: {  	s22 =	simm.s32 $0x1BFF;
	s21 =	sshll.u32 s6, $0x1;
	s3 =	sadd.s32 s4, s19  }
0x9c: {  	s7 =	simm.s32 $0x0;
	s20 =	sshll.u32 s5, $0x1;
	s5 =	sadd.s32 s21, s3  }
0x9d: {  	[timem:s7], [sflag:s22] =	dma.local [hbm:s5], s20  }
0x9e: {  	_ =	swait.ge [sflag:s22], s20  }
0x9f: {  	s4 =	ssub.s32 $0x0, s20;
	[sflag:s22] =	ssyncset.done $0x0  }
0xa0: {  	[sflag:s22] =	ssyncadd.s32 s4;
	_ =	sdelay $0x1  }
0xa1: {  	s23 =	simm.s32 $0x1B8B  }
0xa2: {  	_ =	swait.ge [sflag:s23], $0x1  }
0xa3: {  	[sflag:s23] =	ssyncset.done $0x0  }
0xa4: {  	s25 =	simm.s32 $0x1B8E;
	s24 =	sld [smem:$0x3FFE];
	[sflag:s23] =	ssyncadd.s32 $0xFFFFFFFF  }
0xa5: {  	s26 =	simm.s32 $execute0_lowered;
	[smem:$0x3FD2] =	sst s25  }
0xa6: {  	s5 =	sshll.u32 s26, $0x1;
	_ =	strace $0x80000049;
	[dreg:$0x1] =	wrdreg $0xFFFFFFFF  }
0xa7: {  	s28 =	simm.s32 $_size_execute0_lowered;
	s3 =	sadd.s32 s3, s5;
	[dreg:$0x0] =	wrdreg $0x0  }
0xa8: {  	s5 =	sshll.u32 s28, $0x1;
	[dreg:$0x2] =	wrdreg s3  }
0xa9: {  	[dreg:$0x3] =	wrdreg s5  }
0xaa: {  	[dreg:$0x4] =	wrdreg $0xC0  }
0xab: {  	_ =	task [dreg:s7], $0x5FFFF  }
0xac: {  	[dreg:$0x1] =	wrdreg $0xFFFFFFFF  }
0xad: {  	[dreg:$0x0] =	wrdreg $0x60  }
0xae: {  	[dreg:$0x2] =	wrdreg s2  }
0xaf: {  	[dreg:$0x3] =	wrdreg s24  }
0xb0: {  	[dreg:$0x4] =	wrdreg $0xA1000  }
0xb1: {  	[dreg:$0x5] =	wrdreg $0x9  }
0xb2: {  	_ =	task.clear_ibuf [dreg:s7], $0x6FFFF;
	_ =	strace $0x90000049  }
0xb3: {  	s29 =	simm.s32 $0x9;
	_ =	strace $0x8000004B  }
0xb4: {  	_ =	swait.ge [sflag:s29], $0x1  }
0xb5: {  	[sflag:s29] =	ssyncadd.s32 $0xFFFFFFFF  }
0xb6: {  	_ =	strace $0x9000004B  }
0xb7: {  	_ =	sfence  }
0xb8: {  	s30 =	sld [smem:$0x0];
	_ =	sdelay $0x2  }
0xb9: {  	s31 =	sshll.u32 s1, $0xD;
	s1 =	sshrl.u32 s1, $0x2  }
0xba: {  	s3 =	sand.u32 $0x4000, s31;
	s1 =	sadd.s32 s1, s30  }
0xbb: {  	s0 =	sor.u32 s3, s0;
	s1 =	sshll.u32 s1, $0x11  }
0xbc: {  	s0 =	sor.u32 s1, s0  }
0xbd: {  	s0 =	sadd.s32 $0x8F2B, s0  }
0xbe: {  	[sflag:s0] =	ssyncadd.remote.s32 $0x1  }
0xbf: {  	_ =	sfence.sel $0xFFFF  }
0xc0: {  	[dreg:$0x0] =	wrdreg $0xFFFFFFFF;
	(pc) =	sbr.abs _section_cstart, $3  }
0xc1: {  	[dreg:$0x1] =	wrdreg $0xFFFFFFFF  }
0xc2: {  	_ =	task.clear_ibuf [dreg:s7], $0x2FFFF;
	_ =	strace $0x9FFFFFFF  }
0xc3: {  	(tm) =	ssettm $0x7FFFFFFF  }
tec
execute0_lowered:
.L_overlay_start_1:
0x0: {  	(tag) =	ssettag $0x1  }
0x1: {  	s0 =	srdreg.scid;
	s1 =	rddreg [dreg:$0x0]  }
0x2: {  	s12 =	stileid.u32;
	s6 =	rddreg [dreg:$0x1]  }
0x3: {  	s3 =	rddreg [dreg:$0x2];
	s4 =	simm.s32 $0x0;
	s28 =	simm.s32 $0x5100  }
0x4: {  	s30 =	simm.s32 $0x7900;
	s31 =	simm.s32 $0x7;
	s29 =	simm.s32 $0x9  }
0x5: {  	s0 =	sand.u32 $0x1, s0;
	[smem:$0x7FF] =	sst s4;
	s8 =	smul.u32 $0x14000, s12  }
0x6: {  	s5 =	sadd.s32 $0x2E00, s6;
	s9 =	smul.u32 $0x50000, s12;
	s11 =	sadd.s32 $0x16A00, s6  }
0x7: {  	s17 =	sshll.u32 s12, $0x6;
	s19 =	smul.u32 $0x2710, s12;
	s2 =	sshll.u32 s0, $0x4  }
0x8: {  	s7 =	smul.u32 $0x140000, s0;
	_ =	strace $0x8000004A;
	[dreg:$0x4] =	wrdreg s11  }
0x9: {  	s13 =	ssub.s32 $0x2, s0;
	s0 =	smul.u32 $0x27100, s0;
	[dreg:$0x5] =	wrdreg s17  }
0xa: {  	s11 =	simm.s32 $0x3;
	s2 =	sor.u32 s12, s2;
	s14 =	sshrl.u32 s13, $0x1  }
0xb: {  	s16 =	sshrl.u32 s9, $0x2;
	s9 =	sor.u32 $0x1C07, s17;
	s12 =	simm.s32 $0x0  }
0xc: {  	s2 =	smul.u32 $0x2710, s2;
	s7 =	sadd.s32 s8, s7;
	s15 =	ssub.s32 s13, s14  }
0xd: {  	s8 =	sadd.s32 s16, s3;
	[dreg:$0x6] =	wrdreg s9;
	s0 =	sadd.s32 s19, s0  }
0xe: {  	s7 =	sshrl.u32 s7, $0x3;
	s22 =	smax.u32 s15, $0x1;
	s24 =	sadd.s32 $0x190, s0  }
0xf: {  	s25 =	sadd.s32 $0x140, s0;
	s19 =	sadd.s32 $0xF0, s0;
	s2 =	sshrl.u32 s2, $0x3  }
0x10: {  	[dreg:$0xc] =	wrdreg s22;
	s10 =	sadd.s32 s2, s6;
	s18 =	sadd.s32 s5, s2  }
0x11: {  	s0 =	simm.s32 $0x1;
	s10 =	sadd.s32 $0xCC00, s10;
	[dreg:$0x7] =	wrdreg s18  }
0x12: {  	s22 =	simm.s32 $0x2800;
	s20 =	sadd.s32 $0xA, s18;
	[dreg:$0x8] =	wrdreg s10  }
0x13: {  	s6 =	sadd.s32 s7, s6;
	s21 =	sadd.s32 $0x14, s18;
	[dreg:$0x9] =	wrdreg s20  }
0x14: {  	s2 =	sshrl.u32 s24, $0x3;
	s6 =	sadd.s32 $0x19200, s6;
	[dreg:$0xa] =	wrdreg s21  }
0x15: {  	s24 =	simm.s32 $0x8;
	s23 =	sadd.s32 $0x4CE, s18;
	[dreg:$0xb] =	wrdreg s6  }
0x16: {  	s26 =	sadd.s32 $0x4D8, s18;
	s17 =	sadd.s32 s2, s5;
	[dreg:$0xd] =	wrdreg s23  }
0x17: {  	s2 =	simm.s32 $0x4;
	[dreg:$0xe] =	wrdreg s26;
	s6 =	sshrl.u32 s25, $0x3  }
0x18: {  	s20 =	sshrl.u32 s8, $0x3;
	s21 =	simm.s32 $0x2780;
	s23 =	simm.s32 $0x2880  }
0x19: {  	s25 =	simm.s32 $0x50;
	s26 =	simm.s32 $0x2900;
	s8 =	simm.s32 $0x2  }
0x1a: {  	s10 =	simm.s32 $0x6;
	s18 =	sadd.s32 s6, s5;
	s6 =	simm.s32 $0x5  }
.LBB2_1:
0x1b: {  	s7 =	rddreg [dreg:$0x4]  }
0x1c: {  	s9 =	rddreg [dreg:$0x6]  }
0x1d: {  	[spmem:s20], [sflag:s9] =	dma.local [hbm:s7], $0x2800  }
0x1e: {  	s7 =	rddreg [dreg:$0x8]  }
0x1f: {  	[tilespmem:s4], [sflag:$0x8] =	stream.linear.gather [hbm4b:s7+s4], $0x2710, $0x38;
	[tilespmem:$0x1E100] =	vst v63  }
0x20: {  	s15 =	rddreg [dreg:$0x7]  }
0x21: {  	[tilespmem:s21], [sflag:$0x4] =	stream.linear.gather [hbm4b:s15+s4], $0x50, $0x38;
	[tilespmem:$0x1E100] =	vst v63  }
0x22: {  	s16 =	rddreg [dreg:$0x9]  }
0x23: {  	[tilespmem:s22], [sflag:$0x5] =	stream.linear.gather [hbm4b:s16+s4], $0x50, $0x38;
	[tilespmem:$0x1E100] =	vst v63  }
0x24: {  	s9 =	rddreg [dreg:$0xa]  }
0x25: {  	[tilespmem:s23], [sflag:$0x6] =	stream.linear.gather [hbm4b:s9+s4], $0x50, $0x38;
	[tilespmem:$0x1E100] =	vst v63  }
0x26: {  	_ =	swait.ge [sflag:s24], $0x2710  }
0x27: {  	[sflag:s24] =	ssyncset.done $0x0  }
0x28: {  	[sflag:s24] =	ssyncadd.s32 $0xFFFFD8F0  }
0x29: {  	[tilespmem:s26], [sflag:$0x1] =	stream.indirect.gather [hbm4b:s1+s25], $0x80, s4, s25, $0xb8;
	[tilespmem:$0x1E100] =	vst v63  }
0x2a: {  	_ = 	snop  }
0x2b: {  	[tilespmem:s28], [sflag:$0x2] =	stream.indirect.gather [hbm4b:s1+s25], $0x80, s25, s25, $0xb8;
	[tilespmem:$0x1E100] =	vst v63  }
0x2c: {  	s13 =	simm.s32 $0xA0  }
0x2d: {  	[tilespmem:s30], [sflag:$0x3] =	stream.indirect.gather [hbm4b:s1+s25], $0x80, s13, s25, $0xb8;
	[tilespmem:$0x1E100] =	vst v63  }
0x2e: {  	_ =	swait.ge [sflag:s31], $0x2800  }
0x2f: {  	[sflag:s31] =	ssyncset.done $0x0  }
0x30: {  	[sflag:s31] =	ssyncadd.s32 $0xFFFFD800  }
0x31: {  	[bflag:$0x0] =	sbarrier.arrive $0xFFFF  }
0x32: {  	_ =	swait.ge [sflag:s2], $0x50  }
0x33: {  	[sflag:s2] =	ssyncset.done $0x0  }
0x34: {  	[sflag:s2] =	ssyncadd.s32 $0xFFFFFFB0  }
0x35: {  	_ =	swait.ge [sflag:s0], $0x2800  }
0x36: {  	[sflag:s0] =	ssyncset.done $0x0  }
0x37: {  	[sflag:s0] =	ssyncadd.s32 $0xFFFFD800  }
0x38: {  	[spmem:s3] =	stream.indirect.scatter.add.f32 [tilespmem:s26], [sflag:$0x9], $0x80, s21, s25, $0xb8;
	[tilespmem:$0x1E100] =	vst v63  }
0x39: {  	_ =	swait.ge [sflag:s29], $0x2800  }
0x3a: {  	s14 =	sshrl.u32 s19, $0x3;
	[sflag:s29] =	ssyncset.done $0x0  }
0x3b: {  	s7 =	sadd.s32 s5, s14;
	[sflag:s29] =	ssyncadd.s32 $0xFFFFD800  }
0x3c: {  	[tilespmem:s21], [sflag:$0x4] =	stream.linear.gather [hbm4b:s7+s4], $0x50, $0x38;
	[tilespmem:$0x1E100] =	vst v63  }
0x3d: {  	s15 =	simm.s32 $0xF0  }
0x3e: {  	[tilespmem:s26], [sflag:$0x1] =	stream.indirect.gather [hbm4b:s1+s25], $0x80, s15, s25, $0xb8;
	[tilespmem:$0x1E100] =	vst v63  }
0x3f: {  	_ =	swait.ge [sflag:s6], $0x50  }
0x40: {  	[sflag:s6] =	ssyncset.done $0x0  }
0x41: {  	[sflag:s6] =	ssyncadd.s32 $0xFFFFFFB0  }
0x42: {  	_ =	swait.ge [sflag:s8], $0x2800  }
0x43: {  	[sflag:s8] =	ssyncset.done $0x0  }
0x44: {  	[sflag:s8] =	ssyncadd.s32 $0xFFFFD800  }
0x45: {  	[spmem:s3] =	stream.indirect.scatter.add.f32 [tilespmem:s28], [sflag:$0x9], $0x80, s22, s25, $0xb8;
	[tilespmem:$0x1E100] =	vst v63  }
0x46: {  	_ =	swait.ge [sflag:s29], $0x2800  }
0x47: {  	[sflag:s29] =	ssyncset.done $0x0  }
0x48: {  	[sflag:s29] =	ssyncadd.s32 $0xFFFFD800  }
0x49: {  	[tilespmem:s22], [sflag:$0x5] =	stream.linear.gather [hbm4b:s18+s4], $0x50, $0x38;
	[tilespmem:$0x1E100] =	vst v63  }
0x4a: {  	s16 =	simm.s32 $0x140  }
0x4b: {  	[tilespmem:s28], [sflag:$0x2] =	stream.indirect.gather [hbm4b:s1+s25], $0x80, s16, s25, $0xb8;
	[tilespmem:$0x1E100] =	vst v63  }
0x4c: {  	_ =	swait.ge [sflag:s10], $0x50  }
0x4d: {  	[sflag:s10] =	ssyncset.done $0x0  }
0x4e: {  	[sflag:s10] =	ssyncadd.s32 $0xFFFFFFB0  }
0x4f: {  	_ =	swait.ge [sflag:s11], $0x2800  }
0x50: {  	[sflag:s11] =	ssyncset.done $0x0  }
0x51: {  	[sflag:s11] =	ssyncadd.s32 $0xFFFFD800  }
0x52: {  	[spmem:s3] =	stream.indirect.scatter.add.f32 [tilespmem:s30], [sflag:$0x9], $0x80, s23, s25, $0xb8;
	[tilespmem:$0x1E100] =	vst v63  }
0x53: {  	s14 =	sadd.s32 $0x1E, s17;
	_ =	swait.ge [sflag:s29], $0x2800  }
0x54: {  	s13 =	simm.s32 $0x3C0;
	s7 =	sadd.s32 $0xF0, s19;
	[sflag:s29] =	ssyncset.done $0x0  }
0x55: {  	s15 =	sadd.s32 $0x1E, s18;
	s16 =	simm.s32 $0x190;
	[sflag:s29] =	ssyncadd.s32 $0xFFFFD800  }
0x56: {  	[tilespmem:s23], [sflag:$0x6] =	stream.linear.gather [hbm4b:s17+s4], $0x50, $0x38;
	[tilespmem:$0x1E100] =	vst v63  }
.LBB2_2:
0x57: {  	[tilespmem:s30], [sflag:$0x3] =	stream.indirect.gather [hbm4b:s1+s25], $0x80, s16, s25, $0xb8;
	[tilespmem:$0x1E100] =	vst v63  }
0x58: {  	s16 =	smov.u32 s13  }
0x59: {  	p0 =	sne.s32 s13, $0x9240;
	s13 =	sadd.s32 $0x3C0, s13;
	_ =	swait.ge [sflag:s2], $0x50  }
0x5a: {  	[sflag:s2] =	ssyncset.done $0x0  }
0x5b: {  	[sflag:s2] =	ssyncadd.s32 $0xFFFFFFB0  }
0x5c: {  	_ =	swait.ge [sflag:s0], $0x2800  }
0x5d: {  	[sflag:s0] =	ssyncset.done $0x0  }
0x5e: {  	[sflag:s0] =	ssyncadd.s32 $0xFFFFD800  }
0x5f: {  	[spmem:s3] =	stream.indirect.scatter.add.f32 [tilespmem:s26], [sflag:$0x9], $0x80, s21, s25, $0xb8;
	[tilespmem:$0x1E100] =	vst v63  }
0x60: {  	_ =	swait.ge [sflag:s29], $0x2800  }
0x61: {  	s9 =	sshrl.u32 s7, $0x3;
	[sflag:s29] =	ssyncset.done $0x0  }
0x62: {  	s9 =	sadd.s32 s5, s9;
	s16 =	sshra.s32 s16, $0x2;
	[sflag:s29] =	ssyncadd.s32 $0xFFFFD800  }
0x63: {  	[tilespmem:s21], [sflag:$0x4] =	stream.linear.gather [hbm4b:s9+s4], $0x50, $0x38;
	[tilespmem:$0x1E100] =	vst v63  }
0x64: {  	s9 =	sadd.s32 $0xF0, s16  }
0x65: {  	[tilespmem:s26], [sflag:$0x1] =	stream.indirect.gather [hbm4b:s1+s25], $0x80, s9, s25, $0xb8;
	[tilespmem:$0x1E100] =	vst v63  }
0x66: {  	_ =	swait.ge [sflag:s6], $0x50  }
0x67: {  	[sflag:s6] =	ssyncset.done $0x0  }
0x68: {  	[sflag:s6] =	ssyncadd.s32 $0xFFFFFFB0  }
0x69: {  	_ =	swait.ge [sflag:s8], $0x2800  }
0x6a: {  	[sflag:s8] =	ssyncset.done $0x0  }
0x6b: {  	[sflag:s8] =	ssyncadd.s32 $0xFFFFD800  }
0x6c: {  	[spmem:s3] =	stream.indirect.scatter.add.f32 [tilespmem:s28], [sflag:$0x9], $0x80, s22, s25, $0xb8;
	[tilespmem:$0x1E100] =	vst v63  }
0x6d: {  	_ =	swait.ge [sflag:s29], $0x2800  }
0x6e: {  	[sflag:s29] =	ssyncset.done $0x0  }
0x6f: {  	[sflag:s29] =	ssyncadd.s32 $0xFFFFD800  }
0x70: {  	[tilespmem:s22], [sflag:$0x5] =	stream.linear.gather [hbm4b:s15+s4], $0x50, $0x38;
	[tilespmem:$0x1E100] =	vst v63  }
0x71: {  	s9 =	sadd.s32 $0x140, s16  }
0x72: {  	[tilespmem:s28], [sflag:$0x2] =	stream.indirect.gather [hbm4b:s1+s25], $0x80, s9, s25, $0xb8;
	[tilespmem:$0x1E100] =	vst v63  }
0x73: {  	_ =	swait.ge [sflag:s10], $0x50  }
0x74: {  	[sflag:s10] =	ssyncset.done $0x0  }
0x75: {  	[sflag:s10] =	ssyncadd.s32 $0xFFFFFFB0  }
0x76: {  	_ =	swait.ge [sflag:s11], $0x2800  }
0x77: {  	[sflag:s11] =	ssyncset.done $0x0  }
0x78: {  	[sflag:s11] =	ssyncadd.s32 $0xFFFFD800  }
0x79: {  	[spmem:s3] =	stream.indirect.scatter.add.f32 [tilespmem:s30], [sflag:$0x9], $0x80, s23, s25, $0xb8;
	[tilespmem:$0x1E100] =	vst v63  }
.Ltmp0:
0x7a: {  	_ =	swait.ge [sflag:s29], $0x2800;
	(pc) =	sbr.rel @p0 .LBB2_2-.Ltmp0, $4  }
0x7b: {  	[sflag:s29] =	ssyncset.done $0x0  }
0x7c: {  	s7 =	sadd.s32 $0xF0, s7;
	[sflag:s29] =	ssyncadd.s32 $0xFFFFD800  }
0x7d: {  	[tilespmem:s23], [sflag:$0x6] =	stream.linear.gather [hbm4b:s14+s4], $0x50, $0x38;
	[tilespmem:$0x1E100] =	vst v63  }
0x7e: {  	s16 =	sadd.s32 $0x190, s16;
	s15 =	sadd.s32 $0x1E, s15;
	s14 =	sadd.s32 $0x1E, s14  }
0x7f: {  	[tilespmem:s30], [sflag:$0x3] =	stream.indirect.gather [hbm4b:s1+s25], $0x80, s16, s25, $0xb8;
	[tilespmem:$0x1E100] =	vst v63  }
0x80: {  	_ =	swait.ge [sflag:s2], $0x50  }
0x81: {  	[sflag:s2] =	ssyncset.done $0x0  }
0x82: {  	[sflag:s2] =	ssyncadd.s32 $0xFFFFFFB0  }
0x83: {  	_ =	swait.ge [sflag:s0], $0x2800  }
0x84: {  	[sflag:s0] =	ssyncset.done $0x0  }
0x85: {  	[sflag:s0] =	ssyncadd.s32 $0xFFFFD800  }
0x86: {  	[spmem:s3] =	stream.indirect.scatter.add.f32 [tilespmem:s26], [sflag:$0x9], $0x80, s21, s25, $0xb8;
	[tilespmem:$0x1E100] =	vst v63  }
0x87: {  	_ =	swait.ge [sflag:s29], $0x2800  }
0x88: {  	[sflag:s29] =	ssyncset.done $0x0  }
0x89: {  	s7 =	rddreg [dreg:$0xd];
	[sflag:s29] =	ssyncadd.s32 $0xFFFFD800  }
0x8a: {  	[tilespmem:s21], [sflag:$0x4] =	stream.linear.gather [hbm4b:s7+s4], $0x50, $0x38;
	[tilespmem:$0x1E100] =	vst v63  }
0x8b: {  	s9 =	simm.s32 $0x2670  }
0x8c: {  	[tilespmem:s26], [sflag:$0x1] =	stream.indirect.gather [hbm4b:s1+s25], $0x80, s9, s25, $0xb8;
	[tilespmem:$0x1E100] =	vst v63  }
0x8d: {  	_ =	swait.ge [sflag:s6], $0x50  }
0x8e: {  	[sflag:s6] =	ssyncset.done $0x0  }
0x8f: {  	[sflag:s6] =	ssyncadd.s32 $0xFFFFFFB0  }
0x90: {  	_ =	swait.ge [sflag:s8], $0x2800  }
0x91: {  	[sflag:s8] =	ssyncset.done $0x0  }
0x92: {  	[sflag:s8] =	ssyncadd.s32 $0xFFFFD800  }
0x93: {  	[spmem:s3] =	stream.indirect.scatter.add.f32 [tilespmem:s28], [sflag:$0x9], $0x80, s22, s25, $0xb8;
	[tilespmem:$0x1E100] =	vst v63  }
0x94: {  	_ =	swait.ge [sflag:s29], $0x2800  }
0x95: {  	[sflag:s29] =	ssyncset.done $0x0  }
0x96: {  	s13 =	rddreg [dreg:$0xe];
	[sflag:s29] =	ssyncadd.s32 $0xFFFFD800  }
0x97: {  	[tilespmem:s22], [sflag:$0x5] =	stream.linear.gather [hbm4b:s13+s4], $0x50, $0x38;
	[tilespmem:$0x1E100] =	vst v63  }
0x98: {  	s14 =	simm.s32 $0x26C0  }
0x99: {  	[tilespmem:s28], [sflag:$0x2] =	stream.indirect.gather [hbm4b:s1+s25], $0x80, s14, s25, $0xb8;
	[tilespmem:$0x1E100] =	vst v63  }
0x9a: {  	_ =	swait.ge [sflag:s10], $0x50  }
0x9b: {  	[sflag:s10] =	ssyncset.done $0x0  }
0x9c: {  	[sflag:s10] =	ssyncadd.s32 $0xFFFFFFB0  }
0x9d: {  	_ =	swait.ge [sflag:s11], $0x2800  }
0x9e: {  	[sflag:s11] =	ssyncset.done $0x0  }
0x9f: {  	[sflag:s11] =	ssyncadd.s32 $0xFFFFD800  }
0xa0: {  	[spmem:s3] =	stream.indirect.scatter.add.f32 [tilespmem:s30], [sflag:$0x9], $0x80, s23, s25, $0xb8;
	[tilespmem:$0x1E100] =	vst v63  }
0xa1: {  	_ =	swait.ge [sflag:s29], $0x2800  }
0xa2: {  	[sflag:s29] =	ssyncset.done $0x0  }
0xa3: {  	[sflag:s29] =	ssyncadd.s32 $0xFFFFD800  }
0xa4: {  	_ =	swait.ge [sflag:s2], $0x50  }
0xa5: {  	[sflag:s2] =	ssyncset.done $0x0  }
0xa6: {  	[sflag:s2] =	ssyncadd.s32 $0xFFFFFFB0  }
0xa7: {  	_ =	swait.ge [sflag:s0], $0x2800  }
0xa8: {  	[sflag:s0] =	ssyncset.done $0x0  }
0xa9: {  	[sflag:s0] =	ssyncadd.s32 $0xFFFFD800  }
0xaa: {  	[spmem:s3] =	stream.indirect.scatter.add.f32 [tilespmem:s26], [sflag:$0x9], $0x80, s21, s25, $0xb8;
	[tilespmem:$0x1E100] =	vst v63  }
0xab: {  	_ =	swait.ge [sflag:s29], $0x2800  }
0xac: {  	[sflag:s29] =	ssyncset.done $0x0  }
0xad: {  	[sflag:s29] =	ssyncadd.s32 $0xFFFFD800  }
0xae: {  	_ =	swait.ge [sflag:s6], $0x50  }
0xaf: {  	[sflag:s6] =	ssyncset.done $0x0  }
0xb0: {  	[sflag:s6] =	ssyncadd.s32 $0xFFFFFFB0  }
0xb1: {  	_ =	swait.ge [sflag:s8], $0x2800  }
0xb2: {  	[sflag:s8] =	ssyncset.done $0x0  }
0xb3: {  	[sflag:s8] =	ssyncadd.s32 $0xFFFFD800  }
0xb4: {  	[spmem:s3] =	stream.indirect.scatter.add.f32 [tilespmem:s28], [sflag:$0x9], $0x80, s22, s25, $0xb8;
	[tilespmem:$0x1E100] =	vst v63  }
0xb5: {  	_ =	swait.ge [sflag:s29], $0x2800  }
0xb6: {  	[sflag:s29] =	ssyncset.done $0x0  }
0xb7: {  	[sflag:s29] =	ssyncadd.s32 $0xFFFFD800  }
0xb8: {  	[bflag:$0x0] =	sbarrier.arrive $0xFFFF  }
0xb9: {  	s15 =	rddreg [dreg:$0x5]  }
0xba: {  	s9 =	rddreg [dreg:$0xb];
	s7 =	sor.u32 $0x1C09, s15  }
0xbb: {  	[hbm:s9], [sflag:s7] =	dma.local [spmem:s20], $0x2800  }
0xbc: {  	_ =	swait.ge [sflag:s29], $0x2800  }
0xbd: {  	s12 =	sadd.s32 $0x1, s12;
	s16 =	rddreg [dreg:$0xc]  }
0xbe: {  	p0 =	sne.s32 s12, s16  }
.Ltmp1:
0xbf: {  	_ = 	snop;
	(pc) =	sbr.rel @p0 .LBB2_1-.Ltmp1, $3  }
0xc0: {  	_ =	sdelay $0x1  }
0xc1: {  	[sflag:s29] =	ssyncset.done $0x0  }
0xc2: {  	[sflag:s29] =	ssyncadd.s32 $0xFFFFD800  }
0xc3: {  	_ =	sfence.sel $0x180000  }
0xc4: {  	[bflag:$0x0] =	sbarrier.arrive $0xFFFF  }
0xc5: {  	_ =	strace $0x9000004A  }
0xc6: {  	s0 =	stileid.u32;
	[bflag:$0x2] =	sbarrier.arrive $0xFFFF  }
0xc7: {  	p0 =	sne.s32 s0, $0x0;
	s0 =	rddreg [dreg:$0x3]  }
0xc8: {  	s0 =	sadd.s32 @!p0 $0x100000, s0  }
0xc9: {  	[sflag:s0] =	ssyncadd.tile.s32 @!p0 $0x1;
	_ =	shalt  }
.Lfunc_end2:
_tile_overlayer_lowered:
.L_overlay_start_2:
0xca: {  	(tag) =	ssettag $0x2  }
0xcb: {  	s0 =	rddreg [dreg:$0x0];
	s2 =	stileid.u32  }
0xcc: {  	s1 =	rddreg [dreg:$0x1];
	p0 =	sne.s32 s2, $0x0  }
0xcd: {  	s3 =	rddreg [dreg:$0x2];
	[bflag:$0x3] =	sbarrier.arrive $0xFFFF;
	s2 =	simm.s32 @!p0 $0x1C09  }
0xce: {  	[timem:s3], [sflag:s2] =	dma.local @!p0 [hbm:s0], s1  }
0xcf: {  	s0 =	simm.s32 @!p0 $0x9  }
0xd0: {  	_ =	swait.ge @!p0 [sflag:s0], s1  }
0xd1: {  	s1 =	ssub.s32 @!p0 $0x0, s1;
	[sflag:s0] =	ssyncset.done @!p0 $0x0  }
0xd2: {  	[sflag:s0] =	ssyncadd.s32 @!p0 s1  }
0xd3: {  	[bflag:$0x3] =	sbarrier.arrive $0xFFFF  }
0xd4: {  	_ =	shalt  }

// kernel: kernel.16.cloned.1.call-start
scs
__scs_entry_jumppad:
0x0: {  	(pc) =	sbr.rel $0x88, $3  }
0x1: {  	(tag) =	ssettag $0x0;
	lr =	simm.s32 $0x1  }
0x2: {  	[smem:$0x3F99] =	sst lr;
	_ =	strace $0xD0000000  }
0x3: {  	_ = 	snop  }
0x4: {  	_ = 	snop  }
0x5: {  	_ = 	snop  }
0x6: {  	_ = 	snop  }
0x7: {  	_ = 	snop  }
__scs_overlays_trampoline_lowered:
0x8: {  	[smem:$0x3FA8] =	sst s0  }
0x9: {  	[smem:$0x3FA9] =	sst s1  }
0xa: {  	[smem:$0x3FAA] =	sst s2  }
0xb: {  	[smem:$0x3FAB] =	sst s3  }
0xc: {  	[smem:$0x3FAC] =	sst s4  }
0xd: {  	[smem:$0x3FAD] =	sst s5  }
0xe: {  	[smem:$0x3FAE] =	sst s6  }
0xf: {  	[smem:$0x3FAF] =	sst s7  }
0x10: {  	[smem:$0x3FB0] =	sst s8  }
0x11: {  	[smem:$0x3FB1] =	sst s9;
	s0 =	simm.s32 @!p0 $0x0  }
0x12: {  	s1 =	sld [smem:$0x3F97];
	s0 =	simm.s32 @p0 $0x1  }
0x13: {  	[smem:$0x3FB2] =	sst s0;
	s0 =	simm.s32 @!p1 $0x0  }
0x14: {  	s2 =	sld [smem:$0x3F96];
	s0 =	simm.s32 @p1 $0x1  }
0x15: {  	[smem:$0x3FB3] =	sst s0;
	s0 =	simm.s32 @!p2 $0x0  }
0x16: {  	s3 =	sld [smem:$0x3FDB];
	s0 =	simm.s32 @p2 $0x1  }
0x17: {  	s4 =	simm.s32 $0x1BF5;
	[smem:$0x3FB5] =	sst s0  }
0x18: {  	s0 =	sld [smem:$0x3F98];
	_ =	swait.ge [sflag:s4], $0x0  }
0x19: {  	s7 =	sld [smem:$0x3F99]  }
0x1a: {  	s8 =	sadd.s32 $0xFFFFE003, lr  }
0x1b: {  	s9 =	sadd.s32 $0xFFFFFEF7, lr;
	s5 =	simm.s32 $0xFFFFFFFF;
	p2 =	slt.u32 s8, $0xFFFFF086  }
0x1c: {  	p1 =	slt.u32 s9, $0xF7A;
	s5 =	simm.s32 @!p2 $0x0  }
0x1d: {  	s5 =	simm.s32 @p1 $0x1;
	p0 =	seq.s32 s7, s2  }
0x1e: {  	s7 =	smul.u32 @!p0 $0xF7A, s2;
	p2 =	seq.s32 @!p0 s5, $0x0  }
0x1f: {  	s9 =	smul.u32 $0xF7A, s1;
	s8 =	simm.s32 @!p0 $0x1BF5;
	p2 =	por !p2, p0  }
0x20: {  	[sflag:s8] =	ssyncset.s32 @!p0 $0xFFFFF086;
	s6 =	sadd.s32 @!p0 s3, s7;
	s7 =	simm.s32 @!p0 $0x108  }
0x21: {  	s3 =	sadd.s32 s3, s9;
	s6 =	sadd.s32 @!p0 $0x88, s6;
	s7 =	simm.s32 @p2 $0x1082  }
0x22: {  	[simem:s7], [sflag:s8] =	dma.local @!p0 [hbm:s6], $0xF7A  }
0x23: {  	s9 =	sor.u32 $0xD0000000, s2;
	s6 =	simm.s32 $0x108;
	_ =	swait.ge @!p0 [sflag:s8], $0x0  }
0x24: {  	s3 =	sadd.s32 $0x88, s3;
	s6 =	simm.s32 @!p1 $0x1082;
	[sflag:s4] =	ssyncset.s32 $0xFFFFF086  }
0x25: {  	[simem:s6], [sflag:s4] =	dma.local [hbm:s3], $0xF7A  }
0x26: {  	[smem:$0x3F99] =	sst s1;
	(tag) =	ssettag s2;
	_ =	strace s9  }
0x27: {  	s1 =	sld [smem:$0x3FA9]  }
0x28: {  	s2 =	sld [smem:$0x3FAA]  }
0x29: {  	s4 =	sld [smem:$0x3FAC]  }
0x2a: {  	p0 =	seq.s32 s5, $0x0;
	s5 =	sld [smem:$0x3FAD]  }
0x2b: {  	s6 =	sld [smem:$0x3FAE]  }
0x2c: {  	s7 =	sld [smem:$0x3FAF]  }
0x2d: {  	s3 =	simm.s32 $0x108;
	s8 =	sld [smem:$0x3FB0]  }
0x2e: {  	s3 =	simm.s32 @!p0 $0x1082;
	s9 =	sld [smem:$0x3FB1]  }
0x2f: {  	lr =	sadd.s32 s0, s3;
	s0 =	sld [smem:$0x3FA8]  }
0x30: {  	s3 =	sld [smem:$0x3FAB]  }
0x31: {  	[smem:$0x3FB4] =	sst s10  }
0x32: {  	s10 =	sld [smem:$0x3FB2];
	_ =	sdelay $0x3  }
0x33: {  	p0 =	seq.s32 s10, $0x1;
	s10 =	sld [smem:$0x3FB4];
	_ =	sdelay $0x3  }
0x34: {  	[smem:$0x3FB4] =	sst s10  }
0x35: {  	s10 =	sld [smem:$0x3FB3];
	_ =	sdelay $0x3  }
0x36: {  	p1 =	seq.s32 s10, $0x1;
	s10 =	sld [smem:$0x3FB4];
	_ =	sdelay $0x3  }
0x37: {  	[smem:$0x3FB4] =	sst s10  }
0x38: {  	s10 =	sld [smem:$0x3FB5]  }
0x39: {  	_ = 	snop;
	(pc) =	sbr.ind lr, $3  }
0x3a: {  	_ = 	snop  }
0x3b: {  	_ = 	snop  }
0x3c: {  	p2 =	seq.s32 s10, $0x1;
	s10 =	sld [smem:$0x3FB4]  }
0x3d: {  	_ =	shalt  }
0x3e: {  	_ =	shalt  }
0x3f: {  	_ =	shalt  }
0x40: {  	_ =	shalt  }
0x41: {  	_ =	shalt  }
0x42: {  	_ =	shalt  }
0x43: {  	_ =	shalt  }
0x44: {  	_ =	shalt  }
0x45: {  	_ =	shalt  }
0x46: {  	_ =	shalt  }
0x47: {  	_ =	shalt  }
0x48: {  	_ =	shalt  }
0x49: {  	_ =	shalt  }
0x4a: {  	_ =	shalt  }
0x4b: {  	_ =	shalt  }
0x4c: {  	_ =	shalt  }
0x4d: {  	_ =	shalt  }
0x4e: {  	_ =	shalt  }
0x4f: {  	_ =	shalt  }
0x50: {  	_ =	shalt  }
0x51: {  	_ =	shalt  }
0x52: {  	_ =	shalt  }
0x53: {  	_ =	shalt  }
0x54: {  	_ =	shalt  }
0x55: {  	_ =	shalt  }
0x56: {  	_ =	shalt  }
0x57: {  	_ =	shalt  }
0x58: {  	_ =	shalt  }
0x59: {  	_ =	shalt  }
0x5a: {  	_ =	shalt  }
0x5b: {  	_ =	shalt  }
0x5c: {  	_ =	shalt  }
0x5d: {  	_ =	shalt  }
0x5e: {  	_ =	shalt  }
0x5f: {  	_ =	shalt  }
0x60: {  	_ =	shalt  }
0x61: {  	_ =	shalt  }
0x62: {  	_ =	shalt  }
0x63: {  	_ =	shalt  }
0x64: {  	_ =	shalt  }
0x65: {  	_ =	shalt  }
0x66: {  	_ =	shalt  }
0x67: {  	_ =	shalt  }
0x68: {  	_ =	shalt  }
0x69: {  	_ =	shalt  }
0x6a: {  	_ =	shalt  }
0x6b: {  	_ =	shalt  }
0x6c: {  	_ =	shalt  }
0x6d: {  	_ =	shalt  }
0x6e: {  	_ =	shalt  }
0x6f: {  	_ =	shalt  }
0x70: {  	_ =	shalt  }
0x71: {  	_ =	shalt  }
0x72: {  	_ =	shalt  }
0x73: {  	_ =	shalt  }
0x74: {  	_ =	shalt  }
0x75: {  	_ =	shalt  }
0x76: {  	_ =	shalt  }
0x77: {  	_ =	shalt  }
0x78: {  	_ =	shalt  }
0x79: {  	_ =	shalt  }
0x7a: {  	_ =	shalt  }
0x7b: {  	_ =	shalt  }
0x7c: {  	_ =	shalt  }
0x7d: {  	_ =	shalt  }
0x7e: {  	_ =	shalt  }
0x7f: {  	_ =	shalt  }
0x80: {  	_ =	shalt  }
0x81: {  	_ =	shalt  }
0x82: {  	_ =	shalt  }
0x83: {  	_ =	shalt  }
0x84: {  	_ =	shalt  }
0x85: {  	_ =	shalt  }
0x86: {  	_ =	shalt  }
0x87: {  	_ =	shalt  }
.Lfunc_end0:
.L_simem_size_0:
called_computation.2_lowered:
.L_overlay_start_0:
0x88: {  	s2 =	sld [smem:$0x3FD9]  }
0x89: {  	s3 =	sld [smem:$0x3FFE];
	_ =	sdelay $0x1  }
0x8a: {  	s1 =	srdreg.scid  }
0x8b: {  	s0 =	sand.u32 $0x1, s1  }
0x8c: {  	s17 =	sshll.u32 s0, $0xA;
	s2 =	sadd.s32 s3, s2  }
0x8d: {  	s2 =	sadd.s32 s2, s17  }
0x8e: {  	[smem:$0x3FC0] =	sst s2  }
0x8f: {  	_ = 	snop  }
0x90: {  	s2 =	sld [smem:$0x3FD0];
	(tm) =	ssettm $0x1  }
0x91: {  	s18 =	sld [smem:$0x3FFB];
	_ =	sdelay $0x3  }
0x92: {  	_ =	strace s18  }
0x93: {  	s3 =	sld [smem:$0x3FFC];
	_ =	sdelay $0x3  }
0x94: {  	_ =	strace s3  }
0x95: {  	s3 =	sld [smem:$0x3FFD];
	_ =	sdelay $0x3  }
0x96: {  	_ =	strace s3  }
0x97: {  	_ =	strace $0x8FFFFFFF  }
0x98: {  	s19 =	sld [smem:$0x3FDB];
	_ =	sdelay $0x1  }
0x99: {  	s4 =	simm.s32 $_scs_section_size  }
0x9a: {  	s5 =	simm.s32 $_size__tile_overlayer_lowered;
	s6 =	simm.s32 $_tile_overlayer_lowered  }
0x9b: {  	s22 =	simm.s32 $0x1BFF;
	s21 =	sshll.u32 s6, $0x1;
	s3 =	sadd.s32 s4, s19  }
0x9c: {  	s7 =	simm.s32 $0x0;
	s20 =	sshll.u32 s5, $0x1;
	s5 =	sadd.s32 s21, s3  }
0x9d: {  	[timem:s7], [sflag:s22] =	dma.local [hbm:s5], s20  }
0x9e: {  	_ =	swait.ge [sflag:s22], s20  }
0x9f: {  	s4 =	ssub.s32 $0x0, s20;
	[sflag:s22] =	ssyncset.done $0x0  }
0xa0: {  	[sflag:s22] =	ssyncadd.s32 s4;
	_ =	sdelay $0x1  }
0xa1: {  	s23 =	simm.s32 $0x1B8B  }
0xa2: {  	_ =	swait.ge [sflag:s23], $0x1  }
0xa3: {  	[sflag:s23] =	ssyncset.done $0x0  }
0xa4: {  	s25 =	simm.s32 $0x1B8E;
	s24 =	sld [smem:$0x3FFE];
	[sflag:s23] =	ssyncadd.s32 $0xFFFFFFFF  }
0xa5: {  	s26 =	simm.s32 $execute0_lowered;
	[smem:$0x3FD2] =	sst s25  }
0xa6: {  	s5 =	sshll.u32 s26, $0x1;
	_ =	strace $0x8000004C;
	[dreg:$0x1] =	wrdreg $0xFFFFFFFF  }
0xa7: {  	s28 =	simm.s32 $_size_execute0_lowered;
	s3 =	sadd.s32 s3, s5;
	[dreg:$0x0] =	wrdreg $0x0  }
0xa8: {  	s5 =	sshll.u32 s28, $0x1;
	[dreg:$0x2] =	wrdreg s3  }
0xa9: {  	[dreg:$0x3] =	wrdreg s5  }
0xaa: {  	[dreg:$0x4] =	wrdreg $0xC0  }
0xab: {  	_ =	task [dreg:s7], $0x5FFFF  }
0xac: {  	[dreg:$0x1] =	wrdreg $0xFFFFFFFF  }
0xad: {  	[dreg:$0x0] =	wrdreg $0x60  }
0xae: {  	[dreg:$0x2] =	wrdreg s2  }
0xaf: {  	[dreg:$0x3] =	wrdreg s24  }
0xb0: {  	[dreg:$0x4] =	wrdreg $0xA1000  }
0xb1: {  	[dreg:$0x5] =	wrdreg $0x9  }
0xb2: {  	_ =	task.clear_ibuf [dreg:s7], $0x6FFFF;
	_ =	strace $0x9000004C  }
0xb3: {  	s29 =	simm.s32 $0x9;
	_ =	strace $0x8000004E  }
0xb4: {  	_ =	swait.ge [sflag:s29], $0x1  }
0xb5: {  	[sflag:s29] =	ssyncadd.s32 $0xFFFFFFFF  }
0xb6: {  	_ =	strace $0x9000004E  }
0xb7: {  	_ =	sfence  }
0xb8: {  	s30 =	sld [smem:$0x0];
	_ =	sdelay $0x2  }
0xb9: {  	s31 =	sshll.u32 s1, $0xD;
	s1 =	sshrl.u32 s1, $0x2  }
0xba: {  	s3 =	sand.u32 $0x4000, s31;
	s1 =	sadd.s32 s1, s30  }
0xbb: {  	s0 =	sor.u32 s3, s0;
	s1 =	sshll.u32 s1, $0x11  }
0xbc: {  	s0 =	sor.u32 s1, s0  }
0xbd: {  	s0 =	sadd.s32 $0x8F2B, s0  }
0xbe: {  	[sflag:s0] =	ssyncadd.remote.s32 $0x1  }
0xbf: {  	_ =	sfence.sel $0xFFFF  }
0xc0: {  	[dreg:$0x0] =	wrdreg $0xFFFFFFFF;
	(pc) =	sbr.abs _section_cstart, $3  }
0xc1: {  	[dreg:$0x1] =	wrdreg $0xFFFFFFFF  }
0xc2: {  	_ =	task.clear_ibuf [dreg:s7], $0x2FFFF;
	_ =	strace $0x9FFFFFFF  }
0xc3: {  	(tm) =	ssettm $0x7FFFFFFF  }
tec
execute0_lowered:
.L_overlay_start_1:
0x0: {  	(tag) =	ssettag $0x1  }
0x1: {  	s0 =	srdreg.scid;
	s1 =	rddreg [dreg:$0x0]  }
0x2: {  	s12 =	stileid.u32;
	s6 =	rddreg [dreg:$0x1]  }
0x3: {  	s3 =	rddreg [dreg:$0x2];
	s4 =	simm.s32 $0x0;
	s28 =	simm.s32 $0x5100  }
0x4: {  	s30 =	simm.s32 $0x7900;
	s31 =	simm.s32 $0x7;
	s29 =	simm.s32 $0x9  }
0x5: {  	s0 =	sand.u32 $0x1, s0;
	[smem:$0x7FF] =	sst s4;
	s8 =	smul.u32 $0x14000, s12  }
0x6: {  	s5 =	sadd.s32 $0x2E00, s6;
	s9 =	smul.u32 $0x50000, s12;
	s11 =	sadd.s32 $0x16A00, s6  }
0x7: {  	s17 =	sshll.u32 s12, $0x6;
	s19 =	smul.u32 $0x2710, s12;
	s2 =	sshll.u32 s0, $0x4  }
0x8: {  	s7 =	smul.u32 $0x140000, s0;
	_ =	strace $0x8000004D;
	[dreg:$0x4] =	wrdreg s11  }
0x9: {  	s13 =	ssub.s32 $0x2, s0;
	s0 =	smul.u32 $0x27100, s0;
	[dreg:$0x5] =	wrdreg s17  }
0xa: {  	s11 =	simm.s32 $0x3;
	s2 =	sor.u32 s12, s2;
	s14 =	sshrl.u32 s13, $0x1  }
0xb: {  	s16 =	sshrl.u32 s9, $0x2;
	s9 =	sor.u32 $0x1C07, s17;
	s12 =	simm.s32 $0x0  }
0xc: {  	s2 =	smul.u32 $0x2710, s2;
	s7 =	sadd.s32 s8, s7;
	s15 =	ssub.s32 s13, s14  }
0xd: {  	s8 =	sadd.s32 s16, s3;
	[dreg:$0x6] =	wrdreg s9;
	s0 =	sadd.s32 s19, s0  }
0xe: {  	s7 =	sshrl.u32 s7, $0x3;
	s22 =	smax.u32 s15, $0x1;
	s24 =	sadd.s32 $0x190, s0  }
0xf: {  	s25 =	sadd.s32 $0x140, s0;
	s19 =	sadd.s32 $0xF0, s0;
	s2 =	sshrl.u32 s2, $0x3  }
0x10: {  	[dreg:$0xc] =	wrdreg s22;
	s10 =	sadd.s32 s2, s6;
	s18 =	sadd.s32 s5, s2  }
0x11: {  	s0 =	simm.s32 $0x1;
	s10 =	sadd.s32 $0xCC00, s10;
	[dreg:$0x7] =	wrdreg s18  }
0x12: {  	s22 =	simm.s32 $0x2800;
	s20 =	sadd.s32 $0xA, s18;
	[dreg:$0x8] =	wrdreg s10  }
0x13: {  	s6 =	sadd.s32 s7, s6;
	s21 =	sadd.s32 $0x14, s18;
	[dreg:$0x9] =	wrdreg s20  }
0x14: {  	s2 =	sshrl.u32 s24, $0x3;
	s6 =	sadd.s32 $0x19200, s6;
	[dreg:$0xa] =	wrdreg s21  }
0x15: {  	s24 =	simm.s32 $0x8;
	s23 =	sadd.s32 $0x4CE, s18;
	[dreg:$0xb] =	wrdreg s6  }
0x16: {  	s26 =	sadd.s32 $0x4D8, s18;
	s17 =	sadd.s32 s2, s5;
	[dreg:$0xd] =	wrdreg s23  }
0x17: {  	s2 =	simm.s32 $0x4;
	[dreg:$0xe] =	wrdreg s26;
	s6 =	sshrl.u32 s25, $0x3  }
0x18: {  	s20 =	sshrl.u32 s8, $0x3;
	s21 =	simm.s32 $0x2780;
	s23 =	simm.s32 $0x2880  }
0x19: {  	s25 =	simm.s32 $0x50;
	s26 =	simm.s32 $0x2900;
	s8 =	simm.s32 $0x2  }
0x1a: {  	s10 =	simm.s32 $0x6;
	s18 =	sadd.s32 s6, s5;
	s6 =	simm.s32 $0x5  }
.LBB2_1:
0x1b: {  	s7 =	rddreg [dreg:$0x4]  }
0x1c: {  	s9 =	rddreg [dreg:$0x6]  }
0x1d: {  	[spmem:s20], [sflag:s9] =	dma.local [hbm:s7], $0x2800  }
0x1e: {  	s7 =	rddreg [dreg:$0x8]  }
0x1f: {  	[tilespmem:s4], [sflag:$0x8] =	stream.linear.gather [hbm4b:s7+s4], $0x2710, $0x38;
	[tilespmem:$0x1E100] =	vst v63  }
0x20: {  	s15 =	rddreg [dreg:$0x7]  }
0x21: {  	[tilespmem:s21], [sflag:$0x4] =	stream.linear.gather [hbm4b:s15+s4], $0x50, $0x38;
	[tilespmem:$0x1E100] =	vst v63  }
0x22: {  	s16 =	rddreg [dreg:$0x9]  }
0x23: {  	[tilespmem:s22], [sflag:$0x5] =	stream.linear.gather [hbm4b:s16+s4], $0x50, $0x38;
	[tilespmem:$0x1E100] =	vst v63  }
0x24: {  	s9 =	rddreg [dreg:$0xa]  }
0x25: {  	[tilespmem:s23], [sflag:$0x6] =	stream.linear.gather [hbm4b:s9+s4], $0x50, $0x38;
	[tilespmem:$0x1E100] =	vst v63  }
0x26: {  	_ =	swait.ge [sflag:s24], $0x2710  }
0x27: {  	[sflag:s24] =	ssyncset.done $0x0  }
0x28: {  	[sflag:s24] =	ssyncadd.s32 $0xFFFFD8F0  }
0x29: {  	[tilespmem:s26], [sflag:$0x1] =	stream.indirect.gather [hbm4b:s1+s25], $0x80, s4, s25, $0xb8;
	[tilespmem:$0x1E100] =	vst v63  }
0x2a: {  	_ = 	snop  }
0x2b: {  	[tilespmem:s28], [sflag:$0x2] =	stream.indirect.gather [hbm4b:s1+s25], $0x80, s25, s25, $0xb8;
	[tilespmem:$0x1E100] =	vst v63  }
0x2c: {  	s13 =	simm.s32 $0xA0  }
0x2d: {  	[tilespmem:s30], [sflag:$0x3] =	stream.indirect.gather [hbm4b:s1+s25], $0x80, s13, s25, $0xb8;
	[tilespmem:$0x1E100] =	vst v63  }
0x2e: {  	_ =	swait.ge [sflag:s31], $0x2800  }
0x2f: {  	[sflag:s31] =	ssyncset.done $0x0  }
0x30: {  	[sflag:s31] =	ssyncadd.s32 $0xFFFFD800  }
0x31: {  	[bflag:$0x0] =	sbarrier.arrive $0xFFFF  }
0x32: {  	_ =	swait.ge [sflag:s2], $0x50  }
0x33: {  	[sflag:s2] =	ssyncset.done $0x0  }
0x34: {  	[sflag:s2] =	ssyncadd.s32 $0xFFFFFFB0  }
0x35: {  	_ =	swait.ge [sflag:s0], $0x2800  }
0x36: {  	[sflag:s0] =	ssyncset.done $0x0  }
0x37: {  	[sflag:s0] =	ssyncadd.s32 $0xFFFFD800  }
0x38: {  	[spmem:s3] =	stream.indirect.scatter.add.f32 [tilespmem:s26], [sflag:$0x9], $0x80, s21, s25, $0xb8;
	[tilespmem:$0x1E100] =	vst v63  }
0x39: {  	_ =	swait.ge [sflag:s29], $0x2800  }
0x3a: {  	s14 =	sshrl.u32 s19, $0x3;
	[sflag:s29] =	ssyncset.done $0x0  }
0x3b: {  	s7 =	sadd.s32 s5, s14;
	[sflag:s29] =	ssyncadd.s32 $0xFFFFD800  }
0x3c: {  	[tilespmem:s21], [sflag:$0x4] =	stream.linear.gather [hbm4b:s7+s4], $0x50, $0x38;
	[tilespmem:$0x1E100] =	vst v63  }
0x3d: {  	s15 =	simm.s32 $0xF0  }
0x3e: {  	[tilespmem:s26], [sflag:$0x1] =	stream.indirect.gather [hbm4b:s1+s25], $0x80, s15, s25, $0xb8;
	[tilespmem:$0x1E100] =	vst v63  }
0x3f: {  	_ =	swait.ge [sflag:s6], $0x50  }
0x40: {  	[sflag:s6] =	ssyncset.done $0x0  }
0x41: {  	[sflag:s6] =	ssyncadd.s32 $0xFFFFFFB0  }
0x42: {  	_ =	swait.ge [sflag:s8], $0x2800  }
0x43: {  	[sflag:s8] =	ssyncset.done $0x0  }
0x44: {  	[sflag:s8] =	ssyncadd.s32 $0xFFFFD800  }
0x45: {  	[spmem:s3] =	stream.indirect.scatter.add.f32 [tilespmem:s28], [sflag:$0x9], $0x80, s22, s25, $0xb8;
	[tilespmem:$0x1E100] =	vst v63  }
0x46: {  	_ =	swait.ge [sflag:s29], $0x2800  }
0x47: {  	[sflag:s29] =	ssyncset.done $0x0  }
0x48: {  	[sflag:s29] =	ssyncadd.s32 $0xFFFFD800  }
0x49: {  	[tilespmem:s22], [sflag:$0x5] =	stream.linear.gather [hbm4b:s18+s4], $0x50, $0x38;
	[tilespmem:$0x1E100] =	vst v63  }
0x4a: {  	s16 =	simm.s32 $0x140  }
0x4b: {  	[tilespmem:s28], [sflag:$0x2] =	stream.indirect.gather [hbm4b:s1+s25], $0x80, s16, s25, $0xb8;
	[tilespmem:$0x1E100] =	vst v63  }
0x4c: {  	_ =	swait.ge [sflag:s10], $0x50  }
0x4d: {  	[sflag:s10] =	ssyncset.done $0x0  }
0x4e: {  	[sflag:s10] =	ssyncadd.s32 $0xFFFFFFB0  }
0x4f: {  	_ =	swait.ge [sflag:s11], $0x2800  }
0x50: {  	[sflag:s11] =	ssyncset.done $0x0  }
0x51: {  	[sflag:s11] =	ssyncadd.s32 $0xFFFFD800  }
0x52: {  	[spmem:s3] =	stream.indirect.scatter.add.f32 [tilespmem:s30], [sflag:$0x9], $0x80, s23, s25, $0xb8;
	[tilespmem:$0x1E100] =	vst v63  }
0x53: {  	s14 =	sadd.s32 $0x1E, s17;
	_ =	swait.ge [sflag:s29], $0x2800  }
0x54: {  	s13 =	simm.s32 $0x3C0;
	s7 =	sadd.s32 $0xF0, s19;
	[sflag:s29] =	ssyncset.done $0x0  }
0x55: {  	s15 =	sadd.s32 $0x1E, s18;
	s16 =	simm.s32 $0x190;
	[sflag:s29] =	ssyncadd.s32 $0xFFFFD800  }
0x56: {  	[tilespmem:s23], [sflag:$0x6] =	stream.linear.gather [hbm4b:s17+s4], $0x50, $0x38;
	[tilespmem:$0x1E100] =	vst v63  }
.LBB2_2:
0x57: {  	[tilespmem:s30], [sflag:$0x3] =	stream.indirect.gather [hbm4b:s1+s25], $0x80, s16, s25, $0xb8;
	[tilespmem:$0x1E100] =	vst v63  }
0x58: {  	s16 =	smov.u32 s13  }
0x59: {  	p0 =	sne.s32 s13, $0x9240;
	s13 =	sadd.s32 $0x3C0, s13;
	_ =	swait.ge [sflag:s2], $0x50  }
0x5a: {  	[sflag:s2] =	ssyncset.done $0x0  }
0x5b: {  	[sflag:s2] =	ssyncadd.s32 $0xFFFFFFB0  }
0x5c: {  	_ =	swait.ge [sflag:s0], $0x2800  }
0x5d: {  	[sflag:s0] =	ssyncset.done $0x0  }
0x5e: {  	[sflag:s0] =	ssyncadd.s32 $0xFFFFD800  }
0x5f: {  	[spmem:s3] =	stream.indirect.scatter.add.f32 [tilespmem:s26], [sflag:$0x9], $0x80, s21, s25, $0xb8;
	[tilespmem:$0x1E100] =	vst v63  }
0x60: {  	_ =	swait.ge [sflag:s29], $0x2800  }
0x61: {  	s9 =	sshrl.u32 s7, $0x3;
	[sflag:s29] =	ssyncset.done $0x0  }
0x62: {  	s9 =	sadd.s32 s5, s9;
	s16 =	sshra.s32 s16, $0x2;
	[sflag:s29] =	ssyncadd.s32 $0xFFFFD800  }
0x63: {  	[tilespmem:s21], [sflag:$0x4] =	stream.linear.gather [hbm4b:s9+s4], $0x50, $0x38;
	[tilespmem:$0x1E100] =	vst v63  }
0x64: {  	s9 =	sadd.s32 $0xF0, s16  }
0x65: {  	[tilespmem:s26], [sflag:$0x1] =	stream.indirect.gather [hbm4b:s1+s25], $0x80, s9, s25, $0xb8;
	[tilespmem:$0x1E100] =	vst v63  }
0x66: {  	_ =	swait.ge [sflag:s6], $0x50  }
0x67: {  	[sflag:s6] =	ssyncset.done $0x0  }
0x68: {  	[sflag:s6] =	ssyncadd.s32 $0xFFFFFFB0  }
0x69: {  	_ =	swait.ge [sflag:s8], $0x2800  }
0x6a: {  	[sflag:s8] =	ssyncset.done $0x0  }
0x6b: {  	[sflag:s8] =	ssyncadd.s32 $0xFFFFD800  }
0x6c: {  	[spmem:s3] =	stream.indirect.scatter.add.f32 [tilespmem:s28], [sflag:$0x9], $0x80, s22, s25, $0xb8;
	[tilespmem:$0x1E100] =	vst v63  }
0x6d: {  	_ =	swait.ge [sflag:s29], $0x2800  }
0x6e: {  	[sflag:s29] =	ssyncset.done $0x0  }
0x6f: {  	[sflag:s29] =	ssyncadd.s32 $0xFFFFD800  }
0x70: {  	[tilespmem:s22], [sflag:$0x5] =	stream.linear.gather [hbm4b:s15+s4], $0x50, $0x38;
	[tilespmem:$0x1E100] =	vst v63  }
0x71: {  	s9 =	sadd.s32 $0x140, s16  }
0x72: {  	[tilespmem:s28], [sflag:$0x2] =	stream.indirect.gather [hbm4b:s1+s25], $0x80, s9, s25, $0xb8;
	[tilespmem:$0x1E100] =	vst v63  }
0x73: {  	_ =	swait.ge [sflag:s10], $0x50  }
0x74: {  	[sflag:s10] =	ssyncset.done $0x0  }
0x75: {  	[sflag:s10] =	ssyncadd.s32 $0xFFFFFFB0  }
0x76: {  	_ =	swait.ge [sflag:s11], $0x2800  }
0x77: {  	[sflag:s11] =	ssyncset.done $0x0  }
0x78: {  	[sflag:s11] =	ssyncadd.s32 $0xFFFFD800  }
0x79: {  	[spmem:s3] =	stream.indirect.scatter.add.f32 [tilespmem:s30], [sflag:$0x9], $0x80, s23, s25, $0xb8;
	[tilespmem:$0x1E100] =	vst v63  }
.Ltmp0:
0x7a: {  	_ =	swait.ge [sflag:s29], $0x2800;
	(pc) =	sbr.rel @p0 .LBB2_2-.Ltmp0, $4  }
0x7b: {  	[sflag:s29] =	ssyncset.done $0x0  }
0x7c: {  	s7 =	sadd.s32 $0xF0, s7;
	[sflag:s29] =	ssyncadd.s32 $0xFFFFD800  }
0x7d: {  	[tilespmem:s23], [sflag:$0x6] =	stream.linear.gather [hbm4b:s14+s4], $0x50, $0x38;
	[tilespmem:$0x1E100] =	vst v63  }
0x7e: {  	s16 =	sadd.s32 $0x190, s16;
	s15 =	sadd.s32 $0x1E, s15;
	s14 =	sadd.s32 $0x1E, s14  }
0x7f: {  	[tilespmem:s30], [sflag:$0x3] =	stream.indirect.gather [hbm4b:s1+s25], $0x80, s16, s25, $0xb8;
	[tilespmem:$0x1E100] =	vst v63  }
0x80: {  	_ =	swait.ge [sflag:s2], $0x50  }
0x81: {  	[sflag:s2] =	ssyncset.done $0x0  }
0x82: {  	[sflag:s2] =	ssyncadd.s32 $0xFFFFFFB0  }
0x83: {  	_ =	swait.ge [sflag:s0], $0x2800  }
0x84: {  	[sflag:s0] =	ssyncset.done $0x0  }
0x85: {  	[sflag:s0] =	ssyncadd.s32 $0xFFFFD800  }
0x86: {  	[spmem:s3] =	stream.indirect.scatter.add.f32 [tilespmem:s26], [sflag:$0x9], $0x80, s21, s25, $0xb8;
	[tilespmem:$0x1E100] =	vst v63  }
0x87: {  	_ =	swait.ge [sflag:s29], $0x2800  }
0x88: {  	[sflag:s29] =	ssyncset.done $0x0  }
0x89: {  	s7 =	rddreg [dreg:$0xd];
	[sflag:s29] =	ssyncadd.s32 $0xFFFFD800  }
0x8a: {  	[tilespmem:s21], [sflag:$0x4] =	stream.linear.gather [hbm4b:s7+s4], $0x50, $0x38;
	[tilespmem:$0x1E100] =	vst v63  }
0x8b: {  	s9 =	simm.s32 $0x2670  }
0x8c: {  	[tilespmem:s26], [sflag:$0x1] =	stream.indirect.gather [hbm4b:s1+s25], $0x80, s9, s25, $0xb8;
	[tilespmem:$0x1E100] =	vst v63  }
0x8d: {  	_ =	swait.ge [sflag:s6], $0x50  }
0x8e: {  	[sflag:s6] =	ssyncset.done $0x0  }
0x8f: {  	[sflag:s6] =	ssyncadd.s32 $0xFFFFFFB0  }
0x90: {  	_ =	swait.ge [sflag:s8], $0x2800  }
0x91: {  	[sflag:s8] =	ssyncset.done $0x0  }
0x92: {  	[sflag:s8] =	ssyncadd.s32 $0xFFFFD800  }
0x93: {  	[spmem:s3] =	stream.indirect.scatter.add.f32 [tilespmem:s28], [sflag:$0x9], $0x80, s22, s25, $0xb8;
	[tilespmem:$0x1E100] =	vst v63  }
0x94: {  	_ =	swait.ge [sflag:s29], $0x2800  }
0x95: {  	[sflag:s29] =	ssyncset.done $0x0  }
0x96: {  	s13 =	rddreg [dreg:$0xe];
	[sflag:s29] =	ssyncadd.s32 $0xFFFFD800  }
0x97: {  	[tilespmem:s22], [sflag:$0x5] =	stream.linear.gather [hbm4b:s13+s4], $0x50, $0x38;
	[tilespmem:$0x1E100] =	vst v63  }
0x98: {  	s14 =	simm.s32 $0x26C0  }
0x99: {  	[tilespmem:s28], [sflag:$0x2] =	stream.indirect.gather [hbm4b:s1+s25], $0x80, s14, s25, $0xb8;
	[tilespmem:$0x1E100] =	vst v63  }
0x9a: {  	_ =	swait.ge [sflag:s10], $0x50  }
0x9b: {  	[sflag:s10] =	ssyncset.done $0x0  }
0x9c: {  	[sflag:s10] =	ssyncadd.s32 $0xFFFFFFB0  }
0x9d: {  	_ =	swait.ge [sflag:s11], $0x2800  }
0x9e: {  	[sflag:s11] =	ssyncset.done $0x0  }
0x9f: {  	[sflag:s11] =	ssyncadd.s32 $0xFFFFD800  }
0xa0: {  	[spmem:s3] =	stream.indirect.scatter.add.f32 [tilespmem:s30], [sflag:$0x9], $0x80, s23, s25, $0xb8;
	[tilespmem:$0x1E100] =	vst v63  }
0xa1: {  	_ =	swait.ge [sflag:s29], $0x2800  }
0xa2: {  	[sflag:s29] =	ssyncset.done $0x0  }
0xa3: {  	[sflag:s29] =	ssyncadd.s32 $0xFFFFD800  }
0xa4: {  	_ =	swait.ge [sflag:s2], $0x50  }
0xa5: {  	[sflag:s2] =	ssyncset.done $0x0  }
0xa6: {  	[sflag:s2] =	ssyncadd.s32 $0xFFFFFFB0  }
0xa7: {  	_ =	swait.ge [sflag:s0], $0x2800  }
0xa8: {  	[sflag:s0] =	ssyncset.done $0x0  }
0xa9: {  	[sflag:s0] =	ssyncadd.s32 $0xFFFFD800  }
0xaa: {  	[spmem:s3] =	stream.indirect.scatter.add.f32 [tilespmem:s26], [sflag:$0x9], $0x80, s21, s25, $0xb8;
	[tilespmem:$0x1E100] =	vst v63  }
0xab: {  	_ =	swait.ge [sflag:s29], $0x2800  }
0xac: {  	[sflag:s29] =	ssyncset.done $0x0  }
0xad: {  	[sflag:s29] =	ssyncadd.s32 $0xFFFFD800  }
0xae: {  	_ =	swait.ge [sflag:s6], $0x50  }
0xaf: {  	[sflag:s6] =	ssyncset.done $0x0  }
0xb0: {  	[sflag:s6] =	ssyncadd.s32 $0xFFFFFFB0  }
0xb1: {  	_ =	swait.ge [sflag:s8], $0x2800  }
0xb2: {  	[sflag:s8] =	ssyncset.done $0x0  }
0xb3: {  	[sflag:s8] =	ssyncadd.s32 $0xFFFFD800  }
0xb4: {  	[spmem:s3] =	stream.indirect.scatter.add.f32 [tilespmem:s28], [sflag:$0x9], $0x80, s22, s25, $0xb8;
	[tilespmem:$0x1E100] =	vst v63  }
0xb5: {  	_ =	swait.ge [sflag:s29], $0x2800  }
0xb6: {  	[sflag:s29] =	ssyncset.done $0x0  }
0xb7: {  	[sflag:s29] =	ssyncadd.s32 $0xFFFFD800  }
0xb8: {  	[bflag:$0x0] =	sbarrier.arrive $0xFFFF  }
0xb9: {  	s15 =	rddreg [dreg:$0x5]  }
0xba: {  	s9 =	rddreg [dreg:$0xb];
	s7 =	sor.u32 $0x1C09, s15  }
0xbb: {  	[hbm:s9], [sflag:s7] =	dma.local [spmem:s20], $0x2800  }
0xbc: {  	_ =	swait.ge [sflag:s29], $0x2800  }
0xbd: {  	s12 =	sadd.s32 $0x1, s12;
	s16 =	rddreg [dreg:$0xc]  }
0xbe: {  	p0 =	sne.s32 s12, s16  }
.Ltmp1:
0xbf: {  	_ = 	snop;
	(pc) =	sbr.rel @p0 .LBB2_1-.Ltmp1, $3  }
0xc0: {  	_ =	sdelay $0x1  }
0xc1: {  	[sflag:s29] =	ssyncset.done $0x0  }
0xc2: {  	[sflag:s29] =	ssyncadd.s32 $0xFFFFD800  }
0xc3: {  	_ =	sfence.sel $0x180000  }
0xc4: {  	[bflag:$0x0] =	sbarrier.arrive $0xFFFF  }
0xc5: {  	_ =	strace $0x9000004D  }
0xc6: {  	s0 =	stileid.u32;
	[bflag:$0x2] =	sbarrier.arrive $0xFFFF  }
0xc7: {  	p0 =	sne.s32 s0, $0x0;
	s0 =	rddreg [dreg:$0x3]  }
0xc8: {  	s0 =	sadd.s32 @!p0 $0x100000, s0  }
0xc9: {  	[sflag:s0] =	ssyncadd.tile.s32 @!p0 $0x1;
	_ =	shalt  }
.Lfunc_end2:
_tile_overlayer_lowered:
.L_overlay_start_2:
0xca: {  	(tag) =	ssettag $0x2  }
0xcb: {  	s0 =	rddreg [dreg:$0x0];
	s2 =	stileid.u32  }
0xcc: {  	s1 =	rddreg [dreg:$0x1];
	p0 =	sne.s32 s2, $0x0  }
0xcd: {  	s3 =	rddreg [dreg:$0x2];
	[bflag:$0x3] =	sbarrier.arrive $0xFFFF;
	s2 =	simm.s32 @!p0 $0x1C09  }
0xce: {  	[timem:s3], [sflag:s2] =	dma.local @!p0 [hbm:s0], s1  }
0xcf: {  	s0 =	simm.s32 @!p0 $0x9  }
0xd0: {  	_ =	swait.ge @!p0 [sflag:s0], s1  }
0xd1: {  	s1 =	ssub.s32 @!p0 $0x0, s1;
	[sflag:s0] =	ssyncset.done @!p0 $0x0  }
0xd2: {  	[sflag:s0] =	ssyncadd.s32 @!p0 s1  }
0xd3: {  	[bflag:$0x3] =	sbarrier.arrive $0xFFFF  }
0xd4: {  	_ =	shalt  }

// kernel: kernel.19.cloned.1.call-start
scs
__scs_entry_jumppad:
0x0: {  	(pc) =	sbr.rel $0x88, $3  }
0x1: {  	(tag) =	ssettag $0x0;
	lr =	simm.s32 $0x1  }
0x2: {  	[smem:$0x3F99] =	sst lr;
	_ =	strace $0xD0000000  }
0x3: {  	_ = 	snop  }
0x4: {  	_ = 	snop  }
0x5: {  	_ = 	snop  }
0x6: {  	_ = 	snop  }
0x7: {  	_ = 	snop  }
__scs_overlays_trampoline_lowered:
0x8: {  	[smem:$0x3FA8] =	sst s0  }
0x9: {  	[smem:$0x3FA9] =	sst s1  }
0xa: {  	[smem:$0x3FAA] =	sst s2  }
0xb: {  	[smem:$0x3FAB] =	sst s3  }
0xc: {  	[smem:$0x3FAC] =	sst s4  }
0xd: {  	[smem:$0x3FAD] =	sst s5  }
0xe: {  	[smem:$0x3FAE] =	sst s6  }
0xf: {  	[smem:$0x3FAF] =	sst s7  }
0x10: {  	[smem:$0x3FB0] =	sst s8  }
0x11: {  	[smem:$0x3FB1] =	sst s9;
	s0 =	simm.s32 @!p0 $0x0  }
0x12: {  	s1 =	sld [smem:$0x3F97];
	s0 =	simm.s32 @p0 $0x1  }
0x13: {  	[smem:$0x3FB2] =	sst s0;
	s0 =	simm.s32 @!p1 $0x0  }
0x14: {  	s2 =	sld [smem:$0x3F96];
	s0 =	simm.s32 @p1 $0x1  }
0x15: {  	[smem:$0x3FB3] =	sst s0;
	s0 =	simm.s32 @!p2 $0x0  }
0x16: {  	s3 =	sld [smem:$0x3FDB];
	s0 =	simm.s32 @p2 $0x1  }
0x17: {  	s4 =	simm.s32 $0x1BF5;
	[smem:$0x3FB5] =	sst s0  }
0x18: {  	s0 =	sld [smem:$0x3F98];
	_ =	swait.ge [sflag:s4], $0x0  }
0x19: {  	s7 =	sld [smem:$0x3F99]  }
0x1a: {  	s8 =	sadd.s32 $0xFFFFE003, lr  }
0x1b: {  	s9 =	sadd.s32 $0xFFFFFEF7, lr;
	s5 =	simm.s32 $0xFFFFFFFF;
	p2 =	slt.u32 s8, $0xFFFFF086  }
0x1c: {  	p1 =	slt.u32 s9, $0xF7A;
	s5 =	simm.s32 @!p2 $0x0  }
0x1d: {  	s5 =	simm.s32 @p1 $0x1;
	p0 =	seq.s32 s7, s2  }
0x1e: {  	s7 =	smul.u32 @!p0 $0xF7A, s2;
	p2 =	seq.s32 @!p0 s5, $0x0  }
0x1f: {  	s9 =	smul.u32 $0xF7A, s1;
	s8 =	simm.s32 @!p0 $0x1BF5;
	p2 =	por !p2, p0  }
0x20: {  	[sflag:s8] =	ssyncset.s32 @!p0 $0xFFFFF086;
	s6 =	sadd.s32 @!p0 s3, s7;
	s7 =	simm.s32 @!p0 $0x108  }
0x21: {  	s3 =	sadd.s32 s3, s9;
	s6 =	sadd.s32 @!p0 $0x88, s6;
	s7 =	simm.s32 @p2 $0x1082  }
0x22: {  	[simem:s7], [sflag:s8] =	dma.local @!p0 [hbm:s6], $0xF7A  }
0x23: {  	s9 =	sor.u32 $0xD0000000, s2;
	s6 =	simm.s32 $0x108;
	_ =	swait.ge @!p0 [sflag:s8], $0x0  }
0x24: {  	s3 =	sadd.s32 $0x88, s3;
	s6 =	simm.s32 @!p1 $0x1082;
	[sflag:s4] =	ssyncset.s32 $0xFFFFF086  }
0x25: {  	[simem:s6], [sflag:s4] =	dma.local [hbm:s3], $0xF7A  }
0x26: {  	[smem:$0x3F99] =	sst s1;
	(tag) =	ssettag s2;
	_ =	strace s9  }
0x27: {  	s1 =	sld [smem:$0x3FA9]  }
0x28: {  	s2 =	sld [smem:$0x3FAA]  }
0x29: {  	s4 =	sld [smem:$0x3FAC]  }
0x2a: {  	p0 =	seq.s32 s5, $0x0;
	s5 =	sld [smem:$0x3FAD]  }
0x2b: {  	s6 =	sld [smem:$0x3FAE]  }
0x2c: {  	s7 =	sld [smem:$0x3FAF]  }
0x2d: {  	s3 =	simm.s32 $0x108;
	s8 =	sld [smem:$0x3FB0]  }
0x2e: {  	s3 =	simm.s32 @!p0 $0x1082;
	s9 =	sld [smem:$0x3FB1]  }
0x2f: {  	lr =	sadd.s32 s0, s3;
	s0 =	sld [smem:$0x3FA8]  }
0x30: {  	s3 =	sld [smem:$0x3FAB]  }
0x31: {  	[smem:$0x3FB4] =	sst s10  }
0x32: {  	s10 =	sld [smem:$0x3FB2];
	_ =	sdelay $0x3  }
0x33: {  	p0 =	seq.s32 s10, $0x1;
	s10 =	sld [smem:$0x3FB4];
	_ =	sdelay $0x3  }
0x34: {  	[smem:$0x3FB4] =	sst s10  }
0x35: {  	s10 =	sld [smem:$0x3FB3];
	_ =	sdelay $0x3  }
0x36: {  	p1 =	seq.s32 s10, $0x1;
	s10 =	sld [smem:$0x3FB4];
	_ =	sdelay $0x3  }
0x37: {  	[smem:$0x3FB4] =	sst s10  }
0x38: {  	s10 =	sld [smem:$0x3FB5]  }
0x39: {  	_ = 	snop;
	(pc) =	sbr.ind lr, $3  }
0x3a: {  	_ = 	snop  }
0x3b: {  	_ = 	snop  }
0x3c: {  	p2 =	seq.s32 s10, $0x1;
	s10 =	sld [smem:$0x3FB4]  }
0x3d: {  	_ =	shalt  }
0x3e: {  	_ =	shalt  }
0x3f: {  	_ =	shalt  }
0x40: {  	_ =	shalt  }
0x41: {  	_ =	shalt  }
0x42: {  	_ =	shalt  }
0x43: {  	_ =	shalt  }
0x44: {  	_ =	shalt  }
0x45: {  	_ =	shalt  }
0x46: {  	_ =	shalt  }
0x47: {  	_ =	shalt  }
0x48: {  	_ =	shalt  }
0x49: {  	_ =	shalt  }
0x4a: {  	_ =	shalt  }
0x4b: {  	_ =	shalt  }
0x4c: {  	_ =	shalt  }
0x4d: {  	_ =	shalt  }
0x4e: {  	_ =	shalt  }
0x4f: {  	_ =	shalt  }
0x50: {  	_ =	shalt  }
0x51: {  	_ =	shalt  }
0x52: {  	_ =	shalt  }
0x53: {  	_ =	shalt  }
0x54: {  	_ =	shalt  }
0x55: {  	_ =	shalt  }
0x56: {  	_ =	shalt  }
0x57: {  	_ =	shalt  }
0x58: {  	_ =	shalt  }
0x59: {  	_ =	shalt  }
0x5a: {  	_ =	shalt  }
0x5b: {  	_ =	shalt  }
0x5c: {  	_ =	shalt  }
0x5d: {  	_ =	shalt  }
0x5e: {  	_ =	shalt  }
0x5f: {  	_ =	shalt  }
0x60: {  	_ =	shalt  }
0x61: {  	_ =	shalt  }
0x62: {  	_ =	shalt  }
0x63: {  	_ =	shalt  }
0x64: {  	_ =	shalt  }
0x65: {  	_ =	shalt  }
0x66: {  	_ =	shalt  }
0x67: {  	_ =	shalt  }
0x68: {  	_ =	shalt  }
0x69: {  	_ =	shalt  }
0x6a: {  	_ =	shalt  }
0x6b: {  	_ =	shalt  }
0x6c: {  	_ =	shalt  }
0x6d: {  	_ =	shalt  }
0x6e: {  	_ =	shalt  }
0x6f: {  	_ =	shalt  }
0x70: {  	_ =	shalt  }
0x71: {  	_ =	shalt  }
0x72: {  	_ =	shalt  }
0x73: {  	_ =	shalt  }
0x74: {  	_ =	shalt  }
0x75: {  	_ =	shalt  }
0x76: {  	_ =	shalt  }
0x77: {  	_ =	shalt  }
0x78: {  	_ =	shalt  }
0x79: {  	_ =	shalt  }
0x7a: {  	_ =	shalt  }
0x7b: {  	_ =	shalt  }
0x7c: {  	_ =	shalt  }
0x7d: {  	_ =	shalt  }
0x7e: {  	_ =	shalt  }
0x7f: {  	_ =	shalt  }
0x80: {  	_ =	shalt  }
0x81: {  	_ =	shalt  }
0x82: {  	_ =	shalt  }
0x83: {  	_ =	shalt  }
0x84: {  	_ =	shalt  }
0x85: {  	_ =	shalt  }
0x86: {  	_ =	shalt  }
0x87: {  	_ =	shalt  }
.Lfunc_end0:
.L_simem_size_0:
called_computation.3_lowered:
.L_overlay_start_0:
0x88: {  	s2 =	sld [smem:$0x3FD9]  }
0x89: {  	s3 =	sld [smem:$0x3FFE];
	_ =	sdelay $0x1  }
0x8a: {  	s1 =	srdreg.scid  }
0x8b: {  	s0 =	sand.u32 $0x1, s1  }
0x8c: {  	s17 =	sshll.u32 s0, $0xA;
	s2 =	sadd.s32 s3, s2  }
0x8d: {  	s2 =	sadd.s32 s2, s17  }
0x8e: {  	[smem:$0x3FC0] =	sst s2  }
0x8f: {  	_ = 	snop  }
0x90: {  	s2 =	sld [smem:$0x3FD0];
	(tm) =	ssettm $0x1  }
0x91: {  	s18 =	sld [smem:$0x3FFB];
	_ =	sdelay $0x3  }
0x92: {  	_ =	strace s18  }
0x93: {  	s3 =	sld [smem:$0x3FFC];
	_ =	sdelay $0x3  }
0x94: {  	_ =	strace s3  }
0x95: {  	s3 =	sld [smem:$0x3FFD];
	_ =	sdelay $0x3  }
0x96: {  	_ =	strace s3  }
0x97: {  	_ =	strace $0x8FFFFFFF  }
0x98: {  	s19 =	sld [smem:$0x3FDB];
	_ =	sdelay $0x1  }
0x99: {  	s4 =	simm.s32 $_scs_section_size  }
0x9a: {  	s5 =	simm.s32 $_size__tile_overlayer_lowered;
	s6 =	simm.s32 $_tile_overlayer_lowered  }
0x9b: {  	s22 =	simm.s32 $0x1BFF;
	s21 =	sshll.u32 s6, $0x1;
	s3 =	sadd.s32 s4, s19  }
0x9c: {  	s7 =	simm.s32 $0x0;
	s20 =	sshll.u32 s5, $0x1;
	s5 =	sadd.s32 s21, s3  }
0x9d: {  	[timem:s7], [sflag:s22] =	dma.local [hbm:s5], s20  }
0x9e: {  	_ =	swait.ge [sflag:s22], s20  }
0x9f: {  	s4 =	ssub.s32 $0x0, s20;
	[sflag:s22] =	ssyncset.done $0x0  }
0xa0: {  	[sflag:s22] =	ssyncadd.s32 s4;
	_ =	sdelay $0x1  }
0xa1: {  	s23 =	simm.s32 $0x1B8B  }
0xa2: {  	_ =	swait.ge [sflag:s23], $0x1  }
0xa3: {  	[sflag:s23] =	ssyncset.done $0x0  }
0xa4: {  	s25 =	simm.s32 $0x1B8E;
	s24 =	sld [smem:$0x3FFE];
	[sflag:s23] =	ssyncadd.s32 $0xFFFFFFFF  }
0xa5: {  	s26 =	simm.s32 $execute0_lowered;
	[smem:$0x3FD2] =	sst s25  }
0xa6: {  	s5 =	sshll.u32 s26, $0x1;
	_ =	strace $0x8000004F;
	[dreg:$0x1] =	wrdreg $0xFFFFFFFF  }
0xa7: {  	s28 =	simm.s32 $_size_execute0_lowered;
	s3 =	sadd.s32 s3, s5;
	[dreg:$0x0] =	wrdreg $0x0  }
0xa8: {  	s5 =	sshll.u32 s28, $0x1;
	[dreg:$0x2] =	wrdreg s3  }
0xa9: {  	[dreg:$0x3] =	wrdreg s5  }
0xaa: {  	[dreg:$0x4] =	wrdreg $0xC0  }
0xab: {  	_ =	task [dreg:s7], $0x5FFFF  }
0xac: {  	[dreg:$0x1] =	wrdreg $0xFFFFFFFF  }
0xad: {  	[dreg:$0x0] =	wrdreg $0x60  }
0xae: {  	[dreg:$0x2] =	wrdreg s2  }
0xaf: {  	[dreg:$0x3] =	wrdreg s24  }
0xb0: {  	[dreg:$0x4] =	wrdreg $0xA1000  }
0xb1: {  	[dreg:$0x5] =	wrdreg $0x9  }
0xb2: {  	_ =	task.clear_ibuf [dreg:s7], $0x6FFFF;
	_ =	strace $0x9000004F  }
0xb3: {  	s29 =	simm.s32 $0x9;
	_ =	strace $0x80000051  }
0xb4: {  	_ =	swait.ge [sflag:s29], $0x1  }
0xb5: {  	[sflag:s29] =	ssyncadd.s32 $0xFFFFFFFF  }
0xb6: {  	_ =	strace $0x90000051  }
0xb7: {  	_ =	sfence  }
0xb8: {  	s30 =	sld [smem:$0x0];
	_ =	sdelay $0x2  }
0xb9: {  	s31 =	sshll.u32 s1, $0xD;
	s1 =	sshrl.u32 s1, $0x2  }
0xba: {  	s3 =	sand.u32 $0x4000, s31;
	s1 =	sadd.s32 s1, s30  }
0xbb: {  	s0 =	sor.u32 s3, s0;
	s1 =	sshll.u32 s1, $0x11  }
0xbc: {  	s0 =	sor.u32 s1, s0  }
0xbd: {  	s0 =	sadd.s32 $0x8F2B, s0  }
0xbe: {  	[sflag:s0] =	ssyncadd.remote.s32 $0x1  }
0xbf: {  	_ =	sfence.sel $0xFFFF  }
0xc0: {  	[dreg:$0x0] =	wrdreg $0xFFFFFFFF;
	(pc) =	sbr.abs _section_cstart, $3  }
0xc1: {  	[dreg:$0x1] =	wrdreg $0xFFFFFFFF  }
0xc2: {  	_ =	task.clear_ibuf [dreg:s7], $0x2FFFF;
	_ =	strace $0x9FFFFFFF  }
0xc3: {  	(tm) =	ssettm $0x7FFFFFFF  }
tec
execute0_lowered:
.L_overlay_start_1:
0x0: {  	(tag) =	ssettag $0x1  }
0x1: {  	s0 =	srdreg.scid;
	s1 =	rddreg [dreg:$0x0]  }
0x2: {  	s12 =	stileid.u32;
	s6 =	rddreg [dreg:$0x1]  }
0x3: {  	s3 =	rddreg [dreg:$0x2];
	s4 =	simm.s32 $0x0;
	s28 =	simm.s32 $0x5100  }
0x4: {  	s30 =	simm.s32 $0x7900;
	s31 =	simm.s32 $0x7;
	s29 =	simm.s32 $0x9  }
0x5: {  	s0 =	sand.u32 $0x1, s0;
	[smem:$0x7FF] =	sst s4;
	s8 =	smul.u32 $0x14000, s12  }
0x6: {  	s5 =	sadd.s32 $0x2E00, s6;
	s9 =	smul.u32 $0x50000, s12;
	s11 =	sadd.s32 $0x16A00, s6  }
0x7: {  	s17 =	sshll.u32 s12, $0x6;
	s19 =	smul.u32 $0x2710, s12;
	s2 =	sshll.u32 s0, $0x4  }
0x8: {  	s7 =	smul.u32 $0x140000, s0;
	_ =	strace $0x80000050;
	[dreg:$0x4] =	wrdreg s11  }
0x9: {  	s13 =	ssub.s32 $0x2, s0;
	s0 =	smul.u32 $0x27100, s0;
	[dreg:$0x5] =	wrdreg s17  }
0xa: {  	s11 =	simm.s32 $0x3;
	s2 =	sor.u32 s12, s2;
	s14 =	sshrl.u32 s13, $0x1  }
0xb: {  	s16 =	sshrl.u32 s9, $0x2;
	s9 =	sor.u32 $0x1C07, s17;
	s12 =	simm.s32 $0x0  }
0xc: {  	s2 =	smul.u32 $0x2710, s2;
	s7 =	sadd.s32 s8, s7;
	s15 =	ssub.s32 s13, s14  }
0xd: {  	s8 =	sadd.s32 s16, s3;
	[dreg:$0x6] =	wrdreg s9;
	s0 =	sadd.s32 s19, s0  }
0xe: {  	s7 =	sshrl.u32 s7, $0x3;
	s22 =	smax.u32 s15, $0x1;
	s24 =	sadd.s32 $0x190, s0  }
0xf: {  	s25 =	sadd.s32 $0x140, s0;
	s19 =	sadd.s32 $0xF0, s0;
	s2 =	sshrl.u32 s2, $0x3  }
0x10: {  	[dreg:$0xc] =	wrdreg s22;
	s10 =	sadd.s32 s2, s6;
	s18 =	sadd.s32 s5, s2  }
0x11: {  	s0 =	simm.s32 $0x1;
	s10 =	sadd.s32 $0xCC00, s10;
	[dreg:$0x7] =	wrdreg s18  }
0x12: {  	s22 =	simm.s32 $0x2800;
	s20 =	sadd.s32 $0xA, s18;
	[dreg:$0x8] =	wrdreg s10  }
0x13: {  	s6 =	sadd.s32 s7, s6;
	s21 =	sadd.s32 $0x14, s18;
	[dreg:$0x9] =	wrdreg s20  }
0x14: {  	s2 =	sshrl.u32 s24, $0x3;
	s6 =	sadd.s32 $0x19200, s6;
	[dreg:$0xa] =	wrdreg s21  }
0x15: {  	s24 =	simm.s32 $0x8;
	s23 =	sadd.s32 $0x4CE, s18;
	[dreg:$0xb] =	wrdreg s6  }
0x16: {  	s26 =	sadd.s32 $0x4D8, s18;
	s17 =	sadd.s32 s2, s5;
	[dreg:$0xd] =	wrdreg s23  }
0x17: {  	s2 =	simm.s32 $0x4;
	[dreg:$0xe] =	wrdreg s26;
	s6 =	sshrl.u32 s25, $0x3  }
0x18: {  	s20 =	sshrl.u32 s8, $0x3;
	s21 =	simm.s32 $0x2780;
	s23 =	simm.s32 $0x2880  }
0x19: {  	s25 =	simm.s32 $0x50;
	s26 =	simm.s32 $0x2900;
	s8 =	simm.s32 $0x2  }
0x1a: {  	s10 =	simm.s32 $0x6;
	s18 =	sadd.s32 s6, s5;
	s6 =	simm.s32 $0x5  }
.LBB2_1:
0x1b: {  	s7 =	rddreg [dreg:$0x4]  }
0x1c: {  	s9 =	rddreg [dreg:$0x6]  }
0x1d: {  	[spmem:s20], [sflag:s9] =	dma.local [hbm:s7], $0x2800  }
0x1e: {  	s7 =	rddreg [dreg:$0x8]  }
0x1f: {  	[tilespmem:s4], [sflag:$0x8] =	stream.linear.gather [hbm4b:s7+s4], $0x2710, $0x38;
	[tilespmem:$0x1E100] =	vst v63  }
0x20: {  	s15 =	rddreg [dreg:$0x7]  }
0x21: {  	[tilespmem:s21], [sflag:$0x4] =	stream.linear.gather [hbm4b:s15+s4], $0x50, $0x38;
	[tilespmem:$0x1E100] =	vst v63  }
0x22: {  	s16 =	rddreg [dreg:$0x9]  }
0x23: {  	[tilespmem:s22], [sflag:$0x5] =	stream.linear.gather [hbm4b:s16+s4], $0x50, $0x38;
	[tilespmem:$0x1E100] =	vst v63  }
0x24: {  	s9 =	rddreg [dreg:$0xa]  }
0x25: {  	[tilespmem:s23], [sflag:$0x6] =	stream.linear.gather [hbm4b:s9+s4], $0x50, $0x38;
	[tilespmem:$0x1E100] =	vst v63  }
0x26: {  	_ =	swait.ge [sflag:s24], $0x2710  }
0x27: {  	[sflag:s24] =	ssyncset.done $0x0  }
0x28: {  	[sflag:s24] =	ssyncadd.s32 $0xFFFFD8F0  }
0x29: {  	[tilespmem:s26], [sflag:$0x1] =	stream.indirect.gather [hbm4b:s1+s25], $0x80, s4, s25, $0xb8;
	[tilespmem:$0x1E100] =	vst v63  }
0x2a: {  	_ = 	snop  }
0x2b: {  	[tilespmem:s28], [sflag:$0x2] =	stream.indirect.gather [hbm4b:s1+s25], $0x80, s25, s25, $0xb8;
	[tilespmem:$0x1E100] =	vst v63  }
0x2c: {  	s13 =	simm.s32 $0xA0  }
0x2d: {  	[tilespmem:s30], [sflag:$0x3] =	stream.indirect.gather [hbm4b:s1+s25], $0x80, s13, s25, $0xb8;
	[tilespmem:$0x1E100] =	vst v63  }
0x2e: {  	_ =	swait.ge [sflag:s31], $0x2800  }
0x2f: {  	[sflag:s31] =	ssyncset.done $0x0  }
0x30: {  	[sflag:s31] =	ssyncadd.s32 $0xFFFFD800  }
0x31: {  	[bflag:$0x0] =	sbarrier.arrive $0xFFFF  }
0x32: {  	_ =	swait.ge [sflag:s2], $0x50  }
0x33: {  	[sflag:s2] =	ssyncset.done $0x0  }
0x34: {  	[sflag:s2] =	ssyncadd.s32 $0xFFFFFFB0  }
0x35: {  	_ =	swait.ge [sflag:s0], $0x2800  }
0x36: {  	[sflag:s0] =	ssyncset.done $0x0  }
0x37: {  	[sflag:s0] =	ssyncadd.s32 $0xFFFFD800  }
0x38: {  	[spmem:s3] =	stream.indirect.scatter.add.f32 [tilespmem:s26], [sflag:$0x9], $0x80, s21, s25, $0xb8;
	[tilespmem:$0x1E100] =	vst v63  }
0x39: {  	_ =	swait.ge [sflag:s29], $0x2800  }
0x3a: {  	s14 =	sshrl.u32 s19, $0x3;
	[sflag:s29] =	ssyncset.done $0x0  }
0x3b: {  	s7 =	sadd.s32 s5, s14;
	[sflag:s29] =	ssyncadd.s32 $0xFFFFD800  }
0x3c: {  	[tilespmem:s21], [sflag:$0x4] =	stream.linear.gather [hbm4b:s7+s4], $0x50, $0x38;
	[tilespmem:$0x1E100] =	vst v63  }
0x3d: {  	s15 =	simm.s32 $0xF0  }
0x3e: {  	[tilespmem:s26], [sflag:$0x1] =	stream.indirect.gather [hbm4b:s1+s25], $0x80, s15, s25, $0xb8;
	[tilespmem:$0x1E100] =	vst v63  }
0x3f: {  	_ =	swait.ge [sflag:s6], $0x50  }
0x40: {  	[sflag:s6] =	ssyncset.done $0x0  }
0x41: {  	[sflag:s6] =	ssyncadd.s32 $0xFFFFFFB0  }
0x42: {  	_ =	swait.ge [sflag:s8], $0x2800  }
0x43: {  	[sflag:s8] =	ssyncset.done $0x0  }
0x44: {  	[sflag:s8] =	ssyncadd.s32 $0xFFFFD800  }
0x45: {  	[spmem:s3] =	stream.indirect.scatter.add.f32 [tilespmem:s28], [sflag:$0x9], $0x80, s22, s25, $0xb8;
	[tilespmem:$0x1E100] =	vst v63  }
0x46: {  	_ =	swait.ge [sflag:s29], $0x2800  }
0x47: {  	[sflag:s29] =	ssyncset.done $0x0  }
0x48: {  	[sflag:s29] =	ssyncadd.s32 $0xFFFFD800  }
0x49: {  	[tilespmem:s22], [sflag:$0x5] =	stream.linear.gather [hbm4b:s18+s4], $0x50, $0x38;
	[tilespmem:$0x1E100] =	vst v63  }
0x4a: {  	s16 =	simm.s32 $0x140  }
0x4b: {  	[tilespmem:s28], [sflag:$0x2] =	stream.indirect.gather [hbm4b:s1+s25], $0x80, s16, s25, $0xb8;
	[tilespmem:$0x1E100] =	vst v63  }
0x4c: {  	_ =	swait.ge [sflag:s10], $0x50  }
0x4d: {  	[sflag:s10] =	ssyncset.done $0x0  }
0x4e: {  	[sflag:s10] =	ssyncadd.s32 $0xFFFFFFB0  }
0x4f: {  	_ =	swait.ge [sflag:s11], $0x2800  }
0x50: {  	[sflag:s11] =	ssyncset.done $0x0  }
0x51: {  	[sflag:s11] =	ssyncadd.s32 $0xFFFFD800  }
0x52: {  	[spmem:s3] =	stream.indirect.scatter.add.f32 [tilespmem:s30], [sflag:$0x9], $0x80, s23, s25, $0xb8;
	[tilespmem:$0x1E100] =	vst v63  }
0x53: {  	s14 =	sadd.s32 $0x1E, s17;
	_ =	swait.ge [sflag:s29], $0x2800  }
0x54: {  	s13 =	simm.s32 $0x3C0;
	s7 =	sadd.s32 $0xF0, s19;
	[sflag:s29] =	ssyncset.done $0x0  }
0x55: {  	s15 =	sadd.s32 $0x1E, s18;
	s16 =	simm.s32 $0x190;
	[sflag:s29] =	ssyncadd.s32 $0xFFFFD800  }
0x56: {  	[tilespmem:s23], [sflag:$0x6] =	stream.linear.gather [hbm4b:s17+s4], $0x50, $0x38;
	[tilespmem:$0x1E100] =	vst v63  }
.LBB2_2:
0x57: {  	[tilespmem:s30], [sflag:$0x3] =	stream.indirect.gather [hbm4b:s1+s25], $0x80, s16, s25, $0xb8;
	[tilespmem:$0x1E100] =	vst v63  }
0x58: {  	s16 =	smov.u32 s13  }
0x59: {  	p0 =	sne.s32 s13, $0x9240;
	s13 =	sadd.s32 $0x3C0, s13;
	_ =	swait.ge [sflag:s2], $0x50  }
0x5a: {  	[sflag:s2] =	ssyncset.done $0x0  }
0x5b: {  	[sflag:s2] =	ssyncadd.s32 $0xFFFFFFB0  }
0x5c: {  	_ =	swait.ge [sflag:s0], $0x2800  }
0x5d: {  	[sflag:s0] =	ssyncset.done $0x0  }
0x5e: {  	[sflag:s0] =	ssyncadd.s32 $0xFFFFD800  }
0x5f: {  	[spmem:s3] =	stream.indirect.scatter.add.f32 [tilespmem:s26], [sflag:$0x9], $0x80, s21, s25, $0xb8;
	[tilespmem:$0x1E100] =	vst v63  }
0x60: {  	_ =	swait.ge [sflag:s29], $0x2800  }
0x61: {  	s9 =	sshrl.u32 s7, $0x3;
	[sflag:s29] =	ssyncset.done $0x0  }
0x62: {  	s9 =	sadd.s32 s5, s9;
	s16 =	sshra.s32 s16, $0x2;
	[sflag:s29] =	ssyncadd.s32 $0xFFFFD800  }
0x63: {  	[tilespmem:s21], [sflag:$0x4] =	stream.linear.gather [hbm4b:s9+s4], $0x50, $0x38;
	[tilespmem:$0x1E100] =	vst v63  }
0x64: {  	s9 =	sadd.s32 $0xF0, s16  }
0x65: {  	[tilespmem:s26], [sflag:$0x1] =	stream.indirect.gather [hbm4b:s1+s25], $0x80, s9, s25, $0xb8;
	[tilespmem:$0x1E100] =	vst v63  }
0x66: {  	_ =	swait.ge [sflag:s6], $0x50  }
0x67: {  	[sflag:s6] =	ssyncset.done $0x0  }
0x68: {  	[sflag:s6] =	ssyncadd.s32 $0xFFFFFFB0  }
0x69: {  	_ =	swait.ge [sflag:s8], $0x2800  }
0x6a: {  	[sflag:s8] =	ssyncset.done $0x0  }
0x6b: {  	[sflag:s8] =	ssyncadd.s32 $0xFFFFD800  }
0x6c: {  	[spmem:s3] =	stream.indirect.scatter.add.f32 [tilespmem:s28], [sflag:$0x9], $0x80, s22, s25, $0xb8;
	[tilespmem:$0x1E100] =	vst v63  }
0x6d: {  	_ =	swait.ge [sflag:s29], $0x2800  }
0x6e: {  	[sflag:s29] =	ssyncset.done $0x0  }
0x6f: {  	[sflag:s29] =	ssyncadd.s32 $0xFFFFD800  }
0x70: {  	[tilespmem:s22], [sflag:$0x5] =	stream.linear.gather [hbm4b:s15+s4], $0x50, $0x38;
	[tilespmem:$0x1E100] =	vst v63  }
0x71: {  	s9 =	sadd.s32 $0x140, s16  }
0x72: {  	[tilespmem:s28], [sflag:$0x2] =	stream.indirect.gather [hbm4b:s1+s25], $0x80, s9, s25, $0xb8;
	[tilespmem:$0x1E100] =	vst v63  }
0x73: {  	_ =	swait.ge [sflag:s10], $0x50  }
0x74: {  	[sflag:s10] =	ssyncset.done $0x0  }
0x75: {  	[sflag:s10] =	ssyncadd.s32 $0xFFFFFFB0  }
0x76: {  	_ =	swait.ge [sflag:s11], $0x2800  }
0x77: {  	[sflag:s11] =	ssyncset.done $0x0  }
0x78: {  	[sflag:s11] =	ssyncadd.s32 $0xFFFFD800  }
0x79: {  	[spmem:s3] =	stream.indirect.scatter.add.f32 [tilespmem:s30], [sflag:$0x9], $0x80, s23, s25, $0xb8;
	[tilespmem:$0x1E100] =	vst v63  }
.Ltmp0:
0x7a: {  	_ =	swait.ge [sflag:s29], $0x2800;
	(pc) =	sbr.rel @p0 .LBB2_2-.Ltmp0, $4  }
0x7b: {  	[sflag:s29] =	ssyncset.done $0x0  }
0x7c: {  	s7 =	sadd.s32 $0xF0, s7;
	[sflag:s29] =	ssyncadd.s32 $0xFFFFD800  }
0x7d: {  	[tilespmem:s23], [sflag:$0x6] =	stream.linear.gather [hbm4b:s14+s4], $0x50, $0x38;
	[tilespmem:$0x1E100] =	vst v63  }
0x7e: {  	s16 =	sadd.s32 $0x190, s16;
	s15 =	sadd.s32 $0x1E, s15;
	s14 =	sadd.s32 $0x1E, s14  }
0x7f: {  	[tilespmem:s30], [sflag:$0x3] =	stream.indirect.gather [hbm4b:s1+s25], $0x80, s16, s25, $0xb8;
	[tilespmem:$0x1E100] =	vst v63  }
0x80: {  	_ =	swait.ge [sflag:s2], $0x50  }
0x81: {  	[sflag:s2] =	ssyncset.done $0x0  }
0x82: {  	[sflag:s2] =	ssyncadd.s32 $0xFFFFFFB0  }
0x83: {  	_ =	swait.ge [sflag:s0], $0x2800  }
0x84: {  	[sflag:s0] =	ssyncset.done $0x0  }
0x85: {  	[sflag:s0] =	ssyncadd.s32 $0xFFFFD800  }
0x86: {  	[spmem:s3] =	stream.indirect.scatter.add.f32 [tilespmem:s26], [sflag:$0x9], $0x80, s21, s25, $0xb8;
	[tilespmem:$0x1E100] =	vst v63  }
0x87: {  	_ =	swait.ge [sflag:s29], $0x2800  }
0x88: {  	[sflag:s29] =	ssyncset.done $0x0  }
0x89: {  	s7 =	rddreg [dreg:$0xd];
	[sflag:s29] =	ssyncadd.s32 $0xFFFFD800  }
0x8a: {  	[tilespmem:s21], [sflag:$0x4] =	stream.linear.gather [hbm4b:s7+s4], $0x50, $0x38;
	[tilespmem:$0x1E100] =	vst v63  }
0x8b: {  	s9 =	simm.s32 $0x2670  }
0x8c: {  	[tilespmem:s26], [sflag:$0x1] =	stream.indirect.gather [hbm4b:s1+s25], $0x80, s9, s25, $0xb8;
	[tilespmem:$0x1E100] =	vst v63  }
0x8d: {  	_ =	swait.ge [sflag:s6], $0x50  }
0x8e: {  	[sflag:s6] =	ssyncset.done $0x0  }
0x8f: {  	[sflag:s6] =	ssyncadd.s32 $0xFFFFFFB0  }
0x90: {  	_ =	swait.ge [sflag:s8], $0x2800  }
0x91: {  	[sflag:s8] =	ssyncset.done $0x0  }
0x92: {  	[sflag:s8] =	ssyncadd.s32 $0xFFFFD800  }
0x93: {  	[spmem:s3] =	stream.indirect.scatter.add.f32 [tilespmem:s28], [sflag:$0x9], $0x80, s22, s25, $0xb8;
	[tilespmem:$0x1E100] =	vst v63  }
0x94: {  	_ =	swait.ge [sflag:s29], $0x2800  }
0x95: {  	[sflag:s29] =	ssyncset.done $0x0  }
0x96: {  	s13 =	rddreg [dreg:$0xe];
	[sflag:s29] =	ssyncadd.s32 $0xFFFFD800  }
0x97: {  	[tilespmem:s22], [sflag:$0x5] =	stream.linear.gather [hbm4b:s13+s4], $0x50, $0x38;
	[tilespmem:$0x1E100] =	vst v63  }
0x98: {  	s14 =	simm.s32 $0x26C0  }
0x99: {  	[tilespmem:s28], [sflag:$0x2] =	stream.indirect.gather [hbm4b:s1+s25], $0x80, s14, s25, $0xb8;
	[tilespmem:$0x1E100] =	vst v63  }
0x9a: {  	_ =	swait.ge [sflag:s10], $0x50  }
0x9b: {  	[sflag:s10] =	ssyncset.done $0x0  }
0x9c: {  	[sflag:s10] =	ssyncadd.s32 $0xFFFFFFB0  }
0x9d: {  	_ =	swait.ge [sflag:s11], $0x2800  }
0x9e: {  	[sflag:s11] =	ssyncset.done $0x0  }
0x9f: {  	[sflag:s11] =	ssyncadd.s32 $0xFFFFD800  }
0xa0: {  	[spmem:s3] =	stream.indirect.scatter.add.f32 [tilespmem:s30], [sflag:$0x9], $0x80, s23, s25, $0xb8;
	[tilespmem:$0x1E100] =	vst v63  }
0xa1: {  	_ =	swait.ge [sflag:s29], $0x2800  }
0xa2: {  	[sflag:s29] =	ssyncset.done $0x0  }
0xa3: {  	[sflag:s29] =	ssyncadd.s32 $0xFFFFD800  }
0xa4: {  	_ =	swait.ge [sflag:s2], $0x50  }
0xa5: {  	[sflag:s2] =	ssyncset.done $0x0  }
0xa6: {  	[sflag:s2] =	ssyncadd.s32 $0xFFFFFFB0  }
0xa7: {  	_ =	swait.ge [sflag:s0], $0x2800  }
0xa8: {  	[sflag:s0] =	ssyncset.done $0x0  }
0xa9: {  	[sflag:s0] =	ssyncadd.s32 $0xFFFFD800  }
0xaa: {  	[spmem:s3] =	stream.indirect.scatter.add.f32 [tilespmem:s26], [sflag:$0x9], $0x80, s21, s25, $0xb8;
	[tilespmem:$0x1E100] =	vst v63  }
0xab: {  	_ =	swait.ge [sflag:s29], $0x2800  }
0xac: {  	[sflag:s29] =	ssyncset.done $0x0  }
0xad: {  	[sflag:s29] =	ssyncadd.s32 $0xFFFFD800  }
0xae: {  	_ =	swait.ge [sflag:s6], $0x50  }
0xaf: {  	[sflag:s6] =	ssyncset.done $0x0  }
0xb0: {  	[sflag:s6] =	ssyncadd.s32 $0xFFFFFFB0  }
0xb1: {  	_ =	swait.ge [sflag:s8], $0x2800  }
0xb2: {  	[sflag:s8] =	ssyncset.done $0x0  }
0xb3: {  	[sflag:s8] =	ssyncadd.s32 $0xFFFFD800  }
0xb4: {  	[spmem:s3] =	stream.indirect.scatter.add.f32 [tilespmem:s28], [sflag:$0x9], $0x80, s22, s25, $0xb8;
	[tilespmem:$0x1E100] =	vst v63  }
0xb5: {  	_ =	swait.ge [sflag:s29], $0x2800  }
0xb6: {  	[sflag:s29] =	ssyncset.done $0x0  }
0xb7: {  	[sflag:s29] =	ssyncadd.s32 $0xFFFFD800  }
0xb8: {  	[bflag:$0x0] =	sbarrier.arrive $0xFFFF  }
0xb9: {  	s15 =	rddreg [dreg:$0x5]  }
0xba: {  	s9 =	rddreg [dreg:$0xb];
	s7 =	sor.u32 $0x1C09, s15  }
0xbb: {  	[hbm:s9], [sflag:s7] =	dma.local [spmem:s20], $0x2800  }
0xbc: {  	_ =	swait.ge [sflag:s29], $0x2800  }
0xbd: {  	s12 =	sadd.s32 $0x1, s12;
	s16 =	rddreg [dreg:$0xc]  }
0xbe: {  	p0 =	sne.s32 s12, s16  }
.Ltmp1:
0xbf: {  	_ = 	snop;
	(pc) =	sbr.rel @p0 .LBB2_1-.Ltmp1, $3  }
0xc0: {  	_ =	sdelay $0x1  }
0xc1: {  	[sflag:s29] =	ssyncset.done $0x0  }
0xc2: {  	[sflag:s29] =	ssyncadd.s32 $0xFFFFD800  }
0xc3: {  	_ =	sfence.sel $0x180000  }
0xc4: {  	[bflag:$0x0] =	sbarrier.arrive $0xFFFF  }
0xc5: {  	_ =	strace $0x90000050  }
0xc6: {  	s0 =	stileid.u32;
	[bflag:$0x2] =	sbarrier.arrive $0xFFFF  }
0xc7: {  	p0 =	sne.s32 s0, $0x0;
	s0 =	rddreg [dreg:$0x3]  }
0xc8: {  	s0 =	sadd.s32 @!p0 $0x100000, s0  }
0xc9: {  	[sflag:s0] =	ssyncadd.tile.s32 @!p0 $0x1;
	_ =	shalt  }
.Lfunc_end2:
_tile_overlayer_lowered:
.L_overlay_start_2:
0xca: {  	(tag) =	ssettag $0x2  }
0xcb: {  	s0 =	rddreg [dreg:$0x0];
	s2 =	stileid.u32  }
0xcc: {  	s1 =	rddreg [dreg:$0x1];
	p0 =	sne.s32 s2, $0x0  }
0xcd: {  	s3 =	rddreg [dreg:$0x2];
	[bflag:$0x3] =	sbarrier.arrive $0xFFFF;
	s2 =	simm.s32 @!p0 $0x1C09  }
0xce: {  	[timem:s3], [sflag:s2] =	dma.local @!p0 [hbm:s0], s1  }
0xcf: {  	s0 =	simm.s32 @!p0 $0x9  }
0xd0: {  	_ =	swait.ge @!p0 [sflag:s0], s1  }
0xd1: {  	s1 =	ssub.s32 @!p0 $0x0, s1;
	[sflag:s0] =	ssyncset.done @!p0 $0x0  }
0xd2: {  	[sflag:s0] =	ssyncadd.s32 @!p0 s1  }
0xd3: {  	[bflag:$0x3] =	sbarrier.arrive $0xFFFF  }
0xd4: {  	_ =	shalt  }

</sc_bundles>
